<compile_context>
chip_gen: v7x
topology: tpu7x:2x2x1
jax: 0.10.2.dev20260603
libtpu: 0.0.44.dev20260713+nightly
codegen_flags: <defaults>
</compile_context>

<pallas_src>
import functools

import jax
import jax.numpy as jnp
from jax import lax
from jax.experimental import pallas as pl
from jax.experimental.pallas import tpu as pltpu
from jax.experimental.pallas import tpu_sc as plsc

B, D1, D2 = 8, 8192, 576
NC, NS, L = 2, 16, 16
RSPLIT = 4
RPT = D1 // RSPLIT
NG = D2 // L
RCHUNK = 64
D2P = 640
NCHUNK = RPT // RCHUNK
U = 8

_mesh = plsc.VectorSubcoreMesh(
    core_axis_name="c", subcore_axis_name="s", num_cores=NC, num_subcores=NS
)


_scratch_types = [
    pltpu.VMEM((RCHUNK, D2), jnp.float32),
    pltpu.VMEM((RCHUNK, D2), jnp.float32),
    pltpu.VMEM((D2P,), jnp.float32),
    pltpu.VMEM((D2P,), jnp.int32),
    pltpu.VMEM((D2P,), jnp.float32),
    pltpu.VMEM((D2P,), jnp.int32),
    pltpu.VMEM((D2,), jnp.int32),
    pltpu.VMEM_SHARED((NS, 1, D2P), jnp.float32),
    pltpu.VMEM_SHARED((NS, 1, D2P), jnp.int32),
    pltpu.SemaphoreType.DMA,
    pltpu.SemaphoreType.DMA,
]


def _argmin_body(x_hbm, out_hbm, buf0, buf1, stv, sti, mgv, mgi, outv,
                 shv, shi, sem0, sem1):
    cid = lax.axis_index("c")
    sid = lax.axis_index("s")
    batch = cid * (NS // RSPLIT) + sid // RSPLIT
    rbase = (sid % RSPLIT) * RPT

    bufs = (buf0, buf1)
    sems = (sem0, sem1)

    def start_dma(i, buf, sem):
        return pltpu.async_copy(
            x_hbm.at[batch, pl.ds(rbase + i * RCHUNK, RCHUNK), :], buf, sem
        )

    def init_body(g, _):
        goff = g * L
        stv[pl.ds(goff, L)] = jnp.full((L,), jnp.inf, jnp.float32)
        sti[pl.ds(goff, L)] = jnp.zeros((L,), jnp.int32)
        return 0

    lax.fori_loop(0, NG, init_body, 0)

    def wait_dma(buf, sem):
        pltpu.make_async_copy(
            x_hbm.at[batch, pl.ds(0, RCHUNK), :], buf, sem
        ).wait()

    def process(buf, ci):
        rv = jnp.full((L,), rbase + ci * RCHUNK, jnp.int32)
        rvs = [rv + jnp.full((L,), sb * U, jnp.int32) for sb in range(RCHUNK // U)]

        def g_body(g, _):
            goff = g * L
            mv = stv[pl.ds(goff, L)]
            mi = sti[pl.ds(goff, L)]
            for sb in range(RCHUNK // U):
                v = [buf[sb * U + j, pl.ds(goff, L)] for j in range(U)]
                ix = [jnp.full((L,), j, jnp.int32) for j in range(U)]
                n = U
                while n > 1:
                    nv, ni = [], []
                    for p in range(0, n, 2):
                        m = v[p] <= v[p + 1]
                        nv.append(jnp.minimum(v[p], v[p + 1]))
                        ni.append(jnp.where(m, ix[p], ix[p + 1]))
                    v, ix, n = nv, ni, n // 2
                m = v[0] < mv
                mv = jnp.where(m, v[0], mv)
                mi = jnp.where(m, rvs[sb] + ix[0], mi)
            stv[pl.ds(goff, L)] = mv
            sti[pl.ds(goff, L)] = mi
            return 0

        lax.fori_loop(0, NG, g_body, 0)

    start_dma(0, bufs[0], sems[0])

    def outer_body(t, _):
        c0 = pl.multiple_of(t * 2, 2)
        wait_dma(bufs[0], sems[0])
        start_dma(c0 + 1, bufs[1], sems[1])
        process(bufs[0], c0)

        @pl.when(t < NCHUNK // 2 - 1)
        def _prefetch():
            start_dma(c0 + 2, bufs[0], sems[0])

        wait_dma(bufs[1], sems[1])
        process(bufs[1], c0 + 1)
        return 0

    lax.fori_loop(0, NCHUNK // 2, outer_body, 0)

    pltpu.sync_copy(stv, shv.at[sid, 0, :])
    pltpu.sync_copy(sti, shi.at[sid, 0, :])
    plsc.subcore_barrier()

    @pl.when(sid % RSPLIT == 0)
    def _merge():
        for j in range(1, RSPLIT):
            pltpu.sync_copy(shv.at[sid + j, 0, :], mgv)
            pltpu.sync_copy(shi.at[sid + j, 0, :], mgi)

            def m_body(g, _):
                goff = g * L
                mv = stv[pl.ds(goff, L)]
                mi = sti[pl.ds(goff, L)]
                ov = mgv[pl.ds(goff, L)]
                oi = mgi[pl.ds(goff, L)]
                m = ov < mv
                stv[pl.ds(goff, L)] = jnp.where(m, ov, mv)
                sti[pl.ds(goff, L)] = jnp.where(m, oi, mi)
                return 0

            lax.fori_loop(0, NG, m_body, 0)

        def o_body(g, _):
            goff = g * L
            outv[pl.ds(goff, L)] = sti[pl.ds(goff, L)]
            return 0

        lax.fori_loop(0, NG, o_body, 0)
        pltpu.sync_copy(outv, out_hbm.at[batch, 0, :])


_argmin_kernel = pl.kernel(
    _argmin_body,
    out_type=jax.ShapeDtypeStruct((B, 1, D2), jnp.int32),
    mesh=_mesh,
    scratch_types=_scratch_types,
)


def kernel(x):
    return _argmin_kernel(x).reshape(B, D2).astype(jnp.int64)

# --- scband reference (transcript-rebuilt; emitter-appended) ---
"""Pipeline reference for scband-model-new-63582695850098 (READ-ONLY COPY).

The authoritative reference and input builder live on the scoring server;
editing this copy changes nothing except your own understanding.
"""

import jax, jax.numpy as jnp
import numpy as np


def setup_inputs(seed: int = 0) -> dict:
    key = jax.random.key(seed)
    x = jax.random.normal(key, (8, 8192, 576), dtype=jnp.float32)
    return {"x": x}


def reference(x):
    # Faithful translation of the custom CUDA argmin kernel: for a [B, D1, D2]
    # tensor, compute argmin over dim=1, returning int64 indices of shape [B, D2].
    return jnp.argmin(x, axis=1).astype(jnp.int64)

if __name__ == "__main__":
    import jax
    _d = setup_inputs()
    print(jax.jit(kernel)(*tuple(_d.values())))

</pallas_src>

<mosaic_0001>
#map = affine_map<(d0, d1) -> (0, 0, 0)>
module attributes {stable_mosaic.version = 14 : i64} {
  func.func @_argmin_body(%arg0: i32, %arg1: i32, %arg2: memref<8x8192x576xf32, #tpu.memory_space<hbm>>, %arg3: memref<8x1x576xi32, #tpu.memory_space<hbm>>, %arg4: memref<64x576xf32, #tpu.memory_space<vmem>>, %arg5: memref<64x576xf32, #tpu.memory_space<vmem>>, %arg6: memref<640xf32, #tpu.memory_space<vmem>>, %arg7: memref<640xi32, #tpu.memory_space<vmem>>, %arg8: memref<640xf32, #tpu.memory_space<vmem>>, %arg9: memref<640xi32, #tpu.memory_space<vmem>>, %arg10: memref<576xi32, #tpu.memory_space<vmem>>, %arg11: memref<16x1x640xf32, #tpu.memory_space<vmem_shared>>, %arg12: memref<16x1x640xi32, #tpu.memory_space<vmem_shared>>, %arg13: memref<!tpu.dma_semaphore, #tpu.memory_space<semaphore_mem>>, %arg14: memref<!tpu.dma_semaphore, #tpu.memory_space<semaphore_mem>>) attributes {dimension_semantics = [#tpu.dimension_semantics<core_parallel>, #tpu.dimension_semantics<subcore_parallel>], iteration_bounds = array<i64: 2, 16>, scalar_prefetch = 0 : i64, scratch_operands = 11 : i64, tpu.core_type = #tpu.core_type<sc_vector_subcore>, window_params = [{transform_indices = #map}, {transform_indices = #map}]} {
    %mul3A = arith.constant 4 : i32
    %mul3A_0 = arith.muli %arg0, %mul3A : i32
    %jit3A = arith.constant 4 : i32
    %div3A = arith.divsi %arg1, %jit3A : i32
    %sign3A = arith.constant 0 : i32
    %sign3A_1 = arith.cmpi sgt, %arg1, %sign3A : i32
    %sign3A_2 = arith.extui %sign3A_1 : i1 to i32
    %sign3A_3 = arith.constant 0 : i32
    %sign3A_4 = arith.cmpi slt, %arg1, %sign3A_3 : i32
    %sign3A_5 = arith.extui %sign3A_4 : i1 to i32
    %sign3A_6 = arith.subi %sign3A_2, %sign3A_5 : i32
    %sign3A_7 = arith.constant 0 : i32
    %sign3A_8 = arith.cmpi sgt, %jit3A, %sign3A_7 : i32
    %sign3A_9 = arith.extui %sign3A_8 : i1 to i32
    %sign3A_10 = arith.constant 0 : i32
    %sign3A_11 = arith.cmpi slt, %jit3A, %sign3A_10 : i32
    %sign3A_12 = arith.extui %sign3A_11 : i1 to i32
    %sign3A_13 = arith.subi %sign3A_9, %sign3A_12 : i32
    %ne3A = arith.cmpi ne, %sign3A_6, %sign3A_13 : i32
    %rem3A = arith.remsi %arg1, %jit3A : i32
    %ne3A_14 = arith.constant 0 : i32
    %ne3A_15 = arith.cmpi ne, %rem3A, %ne3A_14 : i32
    %and3A = arith.andi %ne3A, %ne3A_15 : i1
    %sub3A = arith.constant 1 : i32
    %sub3A_16 = arith.subi %div3A, %sub3A : i32
    %select_n3A = arith.select %and3A, %sub3A_16, %div3A : i32
    %add3A = arith.addi %mul3A_0, %select_n3A : i32
    %jit3A_17 = arith.constant 4 : i32
    %eq3A = arith.constant 0 : i32
    %eq3A_18 = arith.cmpi eq, %jit3A_17, %eq3A : i32
    %jit3A_19 = arith.constant 1 : i32
    %select_n3A_20 = arith.select %eq3A_18, %jit3A_19, %jit3A_17 : i32
    %rem3A_21 = arith.remsi %arg1, %select_n3A_20 : i32
    %ne3A_22 = arith.constant 0 : i32
    %ne3A_23 = arith.cmpi ne, %rem3A_21, %ne3A_22 : i32
    %lt3A = arith.constant 0 : i32
    %lt3A_24 = arith.cmpi slt, %rem3A_21, %lt3A : i32
    %lt3A_25 = arith.constant 0 : i32
    %lt3A_26 = arith.cmpi slt, %select_n3A_20, %lt3A_25 : i32
    %ne3A_27 = arith.xori %lt3A_24, %lt3A_26 : i1
    %and3A_28 = arith.andi %ne3A_27, %ne3A_23 : i1
    %add3A_29 = arith.addi %rem3A_21, %select_n3A_20 : i32
    %select_n3A_30 = arith.select %and3A_28, %add3A_29, %rem3A_21 : i32
    %mul3A_31 = arith.constant 2048 : i32
    %mul3A_32 = arith.muli %select_n3A_30, %mul3A_31 : i32
    %scan3A = arith.constant 0 : i32
    %scan3A_33 = arith.constant 0 : i32
    %scan3A_34 = arith.constant 36 : i32
    %scan3A_35 = arith.addi %scan3A_33, %scan3A_34 : i32
    %scan3A_36 = arith.constant 1 : i32
    %scan3A_37 = scf.for %scan3A_73 = %scan3A_33 to %scan3A_35 step %scan3A_36 iter_args(%scan3A_74 = %scan3A) -> (i32)  : i32 {
      %mul3A_75 = arith.constant 16 : i32
      %mul3A_76 = arith.muli %scan3A_73, %mul3A_75 : i32
      %broadcast_in_dim3A = arith.constant 0x7F800000 : f32
      %broadcast_in_dim3A_77 = vector.broadcast %broadcast_in_dim3A : f32 to vector<16xf32>
      %swap3A = arith.index_cast %mul3A_76 : i32 to index
      %swap3A_78 = tpu.vector_load %arg6[%swap3A] {strides = array<i32>} : memref<640xf32, #tpu.memory_space<vmem>>, vector<16xf32>,
      %swap3A_79 = vector.shape_cast %swap3A_78 : vector<16xf32> to vector<16xf32>
      %swap3A_80 = vector.shape_cast %broadcast_in_dim3A_77 : vector<16xf32> to vector<16xf32>
      tpu.vector_store %arg6[%swap3A], %swap3A_80 {strides = array<i32>} : memref<640xf32, #tpu.memory_space<vmem>>, vector<16xf32>,
      %broadcast_in_dim3A_81 = arith.constant 0 : i32
      %broadcast_in_dim3A_82 = vector.broadcast %broadcast_in_dim3A_81 : i32 to vector<16xi32>
      %swap3A_83 = arith.index_cast %mul3A_76 : i32 to index
      %swap3A_84 = tpu.vector_load %arg7[%swap3A_83] {strides = array<i32>} : memref<640xi32, #tpu.memory_space<vmem>>, vector<16xi32>,
      %swap3A_85 = vector.shape_cast %swap3A_84 : vector<16xi32> to vector<16xi32>
      %swap3A_86 = vector.shape_cast %broadcast_in_dim3A_82 : vector<16xi32> to vector<16xi32>
      tpu.vector_store %arg7[%swap3A_83], %swap3A_86 {strides = array<i32>} : memref<640xi32, #tpu.memory_space<vmem>>, vector<16xi32>,
      %scan3A_87 = arith.constant 0 : i32
      scf.yield %scan3A_87 : i32
    }
    %scan3A_38 = arith.constant 36 : i32
    %add3A_39 = arith.constant 0 : i32
    %add3A_40 = arith.addi %mul3A_32, %add3A_39 : i32
    %dma_start3A = arith.constant 0 : i32
    %dma_start3A_41 = tpu.memref_slice %arg2[%add3A, %add3A_40, %dma_start3A] : memref<8x8192x576xf32, #tpu.memory_space<hbm>> -> memref<1x64x576xf32, #tpu.memory_space<hbm>>
    %dma_start3A_42 = tpu.memref_squeeze %dma_start3A_41 : memref<1x64x576xf32, #tpu.memory_space<hbm>> -> memref<64x576xf32, #tpu.memory_space<hbm>>
    %dma_start3A_43 = arith.constant 0 : i32
    %dma_start3A_44 = tpu.memref_slice %arg2[%add3A, %add3A_40, %dma_start3A_43] : memref<8x8192x576xf32, #tpu.memory_space<hbm>> -> memref<1x64x576xf32, #tpu.memory_space<hbm>>
    %dma_start3A_45 = tpu.memref_squeeze %dma_start3A_44 : memref<1x64x576xf32, #tpu.memory_space<hbm>> -> memref<64x576xf32, #tpu.memory_space<hbm>>
    tpu.enqueue_dma source(%dma_start3A_45 : memref<64x576xf32, #tpu.memory_space<hbm>>) target(%arg4 : memref<64x576xf32, #tpu.memory_space<vmem>>) target_semaphore(%arg13 : memref<!tpu.dma_semaphore, #tpu.memory_space<semaphore_mem>>)
    %scan3A_46 = arith.constant 0 : i32
    %scan3A_47 = arith.constant 0 : i32
    %scan3A_48 = arith.constant 16 : i32
    %scan3A_49 = arith.addi %scan3A_47, %scan3A_48 : i32
    %scan3A_50 = arith.constant 1 : i32
    %scan3A_51 = scf.for %scan3A_73 = %scan3A_47 to %scan3A_49 step %scan3A_50 iter_args(%scan3A_74 = %scan3A_46) -> (i32)  : i32 {
      %mul3A_75 = arith.constant 2 : i32
      %mul3A_76 = arith.muli %scan3A_73, %mul3A_75 : i32
      %multiple_of3A = tpu.assume_multiple %mul3A_76, 2 : i32
      %dma_wait3A = arith.constant 0 : i32
      %dma_wait3A_77 = arith.constant 0 : i32
      %dma_wait3A_78 = tpu.memref_slice %arg2[%add3A, %dma_wait3A, %dma_wait3A_77] : memref<8x8192x576xf32, #tpu.memory_space<hbm>> -> memref<1x64x576xf32, #tpu.memory_space<hbm>>
      %dma_wait3A_79 = tpu.memref_squeeze %dma_wait3A_78 : memref<1x64x576xf32, #tpu.memory_space<hbm>> -> memref<64x576xf32, #tpu.memory_space<hbm>>
      %dma_wait3A_80 = arith.constant 0 : i32
      %dma_wait3A_81 = arith.constant 0 : i32
      %dma_wait3A_82 = tpu.memref_slice %arg2[%add3A, %dma_wait3A_80, %dma_wait3A_81] : memref<8x8192x576xf32, #tpu.memory_space<hbm>> -> memref<1x64x576xf32, #tpu.memory_space<hbm>>
      %dma_wait3A_83 = tpu.memref_squeeze %dma_wait3A_82 : memref<1x64x576xf32, #tpu.memory_space<hbm>> -> memref<64x576xf32, #tpu.memory_space<hbm>>
      tpu.wait_dma2 semaphore(%arg13 : memref<!tpu.dma_semaphore, #tpu.memory_space<semaphore_mem>>) src(%dma_wait3A_83 : memref<64x576xf32, #tpu.memory_space<hbm>>) dst(%arg4 : memref<64x576xf32, #tpu.memory_space<vmem>>)
      %add3A_84 = arith.constant 1 : i32
      %add3A_85 = arith.addi %multiple_of3A, %add3A_84 : i32
      %mul3A_86 = arith.constant 64 : i32
      %mul3A_87 = arith.muli %add3A_85, %mul3A_86 : i32
      %add3A_88 = arith.addi %mul3A_32, %mul3A_87 : i32
      %dma_start3A_89 = arith.constant 0 : i32
      %dma_start3A_90 = tpu.memref_slice %arg2[%add3A, %add3A_88, %dma_start3A_89] : memref<8x8192x576xf32, #tpu.memory_space<hbm>> -> memref<1x64x576xf32, #tpu.memory_space<hbm>>
      %dma_start3A_91 = tpu.memref_squeeze %dma_start3A_90 : memref<1x64x576xf32, #tpu.memory_space<hbm>> -> memref<64x576xf32, #tpu.memory_space<hbm>>
      %dma_start3A_92 = arith.constant 0 : i32
      %dma_start3A_93 = tpu.memref_slice %arg2[%add3A, %add3A_88, %dma_start3A_92] : memref<8x8192x576xf32, #tpu.memory_space<hbm>> -> memref<1x64x576xf32, #tpu.memory_space<hbm>>
      %dma_start3A_94 = tpu.memref_squeeze %dma_start3A_93 : memref<1x64x576xf32, #tpu.memory_space<hbm>> -> memref<64x576xf32, #tpu.memory_space<hbm>>
      tpu.enqueue_dma source(%dma_start3A_94 : memref<64x576xf32, #tpu.memory_space<hbm>>) target(%arg5 : memref<64x576xf32, #tpu.memory_space<vmem>>) target_semaphore(%arg14 : memref<!tpu.dma_semaphore, #tpu.memory_space<semaphore_mem>>)
      %mul3A_95 = arith.constant 64 : i32
      %mul3A_96 = arith.muli %multiple_of3A, %mul3A_95 : i32
      %add3A_97 = arith.addi %mul3A_32, %mul3A_96 : i32
      %broadcast_in_dim3A = vector.broadcast %add3A_97 : i32 to vector<16xi32>
      %broadcast_in_dim3A_98 = arith.constant 0 : i32
      %broadcast_in_dim3A_99 = vector.broadcast %broadcast_in_dim3A_98 : i32 to vector<16xi32>
      %add3A_100 = arith.addi %broadcast_in_dim3A, %broadcast_in_dim3A_99 : vector<16xi32>
      %broadcast_in_dim3A_101 = arith.constant 8 : i32
      %broadcast_in_dim3A_102 = vector.broadcast %broadcast_in_dim3A_101 : i32 to vector<16xi32>
      %add3A_103 = arith.addi %broadcast_in_dim3A, %broadcast_in_dim3A_102 : vector<16xi32>
      %broadcast_in_dim3A_104 = arith.constant 16 : i32
      %broadcast_in_dim3A_105 = vector.broadcast %broadcast_in_dim3A_104 : i32 to vector<16xi32>
      %add3A_106 = arith.addi %broadcast_in_dim3A, %broadcast_in_dim3A_105 : vector<16xi32>
      %broadcast_in_dim3A_107 = arith.constant 24 : i32
      %broadcast_in_dim3A_108 = vector.broadcast %broadcast_in_dim3A_107 : i32 to vector<16xi32>
      %add3A_109 = arith.addi %broadcast_in_dim3A, %broadcast_in_dim3A_108 : vector<16xi32>
      %broadcast_in_dim3A_110 = arith.constant 32 : i32
      %broadcast_in_dim3A_111 = vector.broadcast %broadcast_in_dim3A_110 : i32 to vector<16xi32>
      %add3A_112 = arith.addi %broadcast_in_dim3A, %broadcast_in_dim3A_111 : vector<16xi32>
      %broadcast_in_dim3A_113 = arith.constant 40 : i32
      %broadcast_in_dim3A_114 = vector.broadcast %broadcast_in_dim3A_113 : i32 to vector<16xi32>
      %add3A_115 = arith.addi %broadcast_in_dim3A, %broadcast_in_dim3A_114 : vector<16xi32>
      %broadcast_in_dim3A_116 = arith.constant 48 : i32
      %broadcast_in_dim3A_117 = vector.broadcast %broadcast_in_dim3A_116 : i32 to vector<16xi32>
      %add3A_118 = arith.addi %broadcast_in_dim3A, %broadcast_in_dim3A_117 : vector<16xi32>
      %broadcast_in_dim3A_119 = arith.constant 56 : i32
      %broadcast_in_dim3A_120 = vector.broadcast %broadcast_in_dim3A_119 : i32 to vector<16xi32>
      %add3A_121 = arith.addi %broadcast_in_dim3A, %broadcast_in_dim3A_120 : vector<16xi32>
      %scan3A_122 = arith.constant 0 : i32
      %scan3A_123 = arith.constant 0 : i32
      %scan3A_124 = arith.constant 36 : i32
      %scan3A_125 = arith.addi %scan3A_123, %scan3A_124 : i32
      %scan3A_126 = arith.constant 1 : i32
      %scan3A_127 = scf.for %scan3A_180 = %scan3A_123 to %scan3A_125 step %scan3A_126 iter_args(%scan3A_181 = %scan3A_122) -> (i32)  : i32 {
        %mul3A_182 = arith.constant 16 : i32
        %mul3A_183 = arith.muli %scan3A_180, %mul3A_182 : i32
        %get3A = arith.index_cast %mul3A_183 : i32 to index
        %get3A_184 = tpu.vector_load %arg6[%get3A] {strides = array<i32>} : memref<640xf32, #tpu.memory_space<vmem>>, vector<16xf32>,
        %get3A_185 = vector.shape_cast %get3A_184 : vector<16xf32> to vector<16xf32>
        %get3A_186 = arith.index_cast %mul3A_183 : i32 to index
        %get3A_187 = tpu.vector_load %arg7[%get3A_186] {strides = array<i32>} : memref<640xi32, #tpu.memory_space<vmem>>, vector<16xi32>,
        %get3A_188 = vector.shape_cast %get3A_187 : vector<16xi32> to vector<16xi32>
        %get3A_189 = arith.constant 0 : i32
        %get3A_190 = arith.index_cast %get3A_189 : i32 to index
        %get3A_191 = arith.index_cast %mul3A_183 : i32 to index
        %get3A_192 = tpu.vector_load %arg4[%get3A_190, %get3A_191] {strides = array<i32>} : memref<64x576xf32, #tpu.memory_space<vmem>>, vector<1x16xf32>,
        %get3A_193 = vector.shape_cast %get3A_192 : vector<1x16xf32> to vector<16xf32>
        %get3A_194 = arith.constant 1 : i32
        %get3A_195 = arith.index_cast %get3A_194 : i32 to index
        %get3A_196 = arith.index_cast %mul3A_183 : i32 to index
        %get3A_197 = tpu.vector_load %arg4[%get3A_195, %get3A_196] {strides = array<i32>} : memref<64x576xf32, #tpu.memory_space<vmem>>, vector<1x16xf32>,
        %get3A_198 = vector.shape_cast %get3A_197 : vector<1x16xf32> to vector<16xf32>
        %get3A_199 = arith.constant 2 : i32
        %get3A_200 = arith.index_cast %get3A_199 : i32 to index
        %get3A_201 = arith.index_cast %mul3A_183 : i32 to index
        %get3A_202 = tpu.vector_load %arg4[%get3A_200, %get3A_201] {strides = array<i32>} : memref<64x576xf32, #tpu.memory_space<vmem>>, vector<1x16xf32>,
        %get3A_203 = vector.shape_cast %get3A_202 : vector<1x16xf32> to vector<16xf32>
        %get3A_204 = arith.constant 3 : i32
        %get3A_205 = arith.index_cast %get3A_204 : i32 to index
        %get3A_206 = arith.index_cast %mul3A_183 : i32 to index
        %get3A_207 = tpu.vector_load %arg4[%get3A_205, %get3A_206] {strides = array<i32>} : memref<64x576xf32, #tpu.memory_space<vmem>>, vector<1x16xf32>,
        %get3A_208 = vector.shape_cast %get3A_207 : vector<1x16xf32> to vector<16xf32>
        %get3A_209 = arith.constant 4 : i32
        %get3A_210 = arith.index_cast %get3A_209 : i32 to index
        %get3A_211 = arith.index_cast %mul3A_183 : i32 to index
        %get3A_212 = tpu.vector_load %arg4[%get3A_210, %get3A_211] {strides = array<i32>} : memref<64x576xf32, #tpu.memory_space<vmem>>, vector<1x16xf32>,
        %get3A_213 = vector.shape_cast %get3A_212 : vector<1x16xf32> to vector<16xf32>
        %get3A_214 = arith.constant 5 : i32
        %get3A_215 = arith.index_cast %get3A_214 : i32 to index
        %get3A_216 = arith.index_cast %mul3A_183 : i32 to index
        %get3A_217 = tpu.vector_load %arg4[%get3A_215, %get3A_216] {strides = array<i32>} : memref<64x576xf32, #tpu.memory_space<vmem>>, vector<1x16xf32>,
        %get3A_218 = vector.shape_cast %get3A_217 : vector<1x16xf32> to vector<16xf32>
        %get3A_219 = arith.constant 6 : i32
        %get3A_220 = arith.index_cast %get3A_219 : i32 to index
        %get3A_221 = arith.index_cast %mul3A_183 : i32 to index
        %get3A_222 = tpu.vector_load %arg4[%get3A_220, %get3A_221] {strides = array<i32>} : memref<64x576xf32, #tpu.memory_space<vmem>>, vector<1x16xf32>,
        %get3A_223 = vector.shape_cast %get3A_222 : vector<1x16xf32> to vector<16xf32>
        %get3A_224 = arith.constant 7 : i32
        %get3A_225 = arith.index_cast %get3A_224 : i32 to index
        %get3A_226 = arith.index_cast %mul3A_183 : i32 to index
        %get3A_227 = tpu.vector_load %arg4[%get3A_225, %get3A_226] {strides = array<i32>} : memref<64x576xf32, #tpu.memory_space<vmem>>, vector<1x16xf32>,
        %get3A_228 = vector.shape_cast %get3A_227 : vector<1x16xf32> to vector<16xf32>
        %broadcast_in_dim3A_229 = arith.constant 0 : i32
        %broadcast_in_dim3A_230 = vector.broadcast %broadcast_in_dim3A_229 : i32 to vector<16xi32>
        %broadcast_in_dim3A_231 = arith.constant 1 : i32
        %broadcast_in_dim3A_232 = vector.broadcast %broadcast_in_dim3A_231 : i32 to vector<16xi32>
        %broadcast_in_dim3A_233 = arith.constant 2 : i32
        %broadcast_in_dim3A_234 = vector.broadcast %broadcast_in_dim3A_233 : i32 to vector<16xi32>
        %broadcast_in_dim3A_235 = arith.constant 3 : i32
        %broadcast_in_dim3A_236 = vector.broadcast %broadcast_in_dim3A_235 : i32 to vector<16xi32>
        %broadcast_in_dim3A_237 = arith.constant 4 : i32
        %broadcast_in_dim3A_238 = vector.broadcast %broadcast_in_dim3A_237 : i32 to vector<16xi32>
        %broadcast_in_dim3A_239 = arith.constant 5 : i32
        %broadcast_in_dim3A_240 = vector.broadcast %broadcast_in_dim3A_239 : i32 to vector<16xi32>
        %broadcast_in_dim3A_241 = arith.constant 6 : i32
        %broadcast_in_dim3A_242 = vector.broadcast %broadcast_in_dim3A_241 : i32 to vector<16xi32>
        %broadcast_in_dim3A_243 = arith.constant 7 : i32
        %broadcast_in_dim3A_244 = vector.broadcast %broadcast_in_dim3A_243 : i32 to vector<16xi32>
        %le3A = arith.cmpf ole, %get3A_193, %get3A_198 : vector<16xf32>
        %min3A = arith.minimumf %get3A_193, %get3A_198 : vector<16xf32>
        %select_n3A_245 = arith.select %le3A, %broadcast_in_dim3A_230, %broadcast_in_dim3A_232 : vector<16xi1>, vector<16xi32>
        %le3A_246 = arith.cmpf ole, %get3A_203, %get3A_208 : vector<16xf32>
        %min3A_247 = arith.minimumf %get3A_203, %get3A_208 : vector<16xf32>
        %select_n3A_248 = arith.select %le3A_246, %broadcast_in_dim3A_234, %broadcast_in_dim3A_236 : vector<16xi1>, vector<16xi32>
        %le3A_249 = arith.cmpf ole, %get3A_213, %get3A_218 : vector<16xf32>
        %min3A_250 = arith.minimumf %get3A_213, %get3A_218 : vector<16xf32>
        %select_n3A_251 = arith.select %le3A_249, %broadcast_in_dim3A_238, %broadcast_in_dim3A_240 : vector<16xi1>, vector<16xi32>
        %le3A_252 = arith.cmpf ole, %get3A_223, %get3A_228 : vector<16xf32>
        %min3A_253 = arith.minimumf %get3A_223, %get3A_228 : vector<16xf32>
        %select_n3A_254 = arith.select %le3A_252, %broadcast_in_dim3A_242, %broadcast_in_dim3A_244 : vector<16xi1>, vector<16xi32>
        %le3A_255 = arith.cmpf ole, %min3A, %min3A_247 : vector<16xf32>
        %min3A_256 = arith.minimumf %min3A, %min3A_247 : vector<16xf32>
        %select_n3A_257 = arith.select %le3A_255, %select_n3A_245, %select_n3A_248 : vector<16xi1>, vector<16xi32>
        %le3A_258 = arith.cmpf ole, %min3A_250, %min3A_253 : vector<16xf32>
        %min3A_259 = arith.minimumf %min3A_250, %min3A_253 : vector<16xf32>
        %select_n3A_260 = arith.select %le3A_258, %select_n3A_251, %select_n3A_254 : vector<16xi1>, vector<16xi32>
        %le3A_261 = arith.cmpf ole, %min3A_256, %min3A_259 : vector<16xf32>
        %min3A_262 = arith.minimumf %min3A_256, %min3A_259 : vector<16xf32>
        %select_n3A_263 = arith.select %le3A_261, %select_n3A_257, %select_n3A_260 : vector<16xi1>, vector<16xi32>
        %lt3A_264 = arith.cmpf olt, %min3A_262, %get3A_185 : vector<16xf32>
        %select_n3A_265 = arith.select %lt3A_264, %min3A_262, %get3A_185 : vector<16xi1>, vector<16xf32>
        %add3A_266 = arith.addi %add3A_100, %select_n3A_263 : vector<16xi32>
        %select_n3A_267 = arith.select %lt3A_264, %add3A_266, %get3A_188 : vector<16xi1>, vector<16xi32>
        %get3A_268 = arith.constant 8 : i32
        %get3A_269 = arith.index_cast %get3A_268 : i32 to index
        %get3A_270 = arith.index_cast %mul3A_183 : i32 to index
        %get3A_271 = tpu.vector_load %arg4[%get3A_269, %get3A_270] {strides = array<i32>} : memref<64x576xf32, #tpu.memory_space<vmem>>, vector<1x16xf32>,
        %get3A_272 = vector.shape_cast %get3A_271 : vector<1x16xf32> to vector<16xf32>
        %get3A_273 = arith.constant 9 : i32
        %get3A_274 = arith.index_cast %get3A_273 : i32 to index
        %get3A_275 = arith.index_cast %mul3A_183 : i32 to index
        %get3A_276 = tpu.vector_load %arg4[%get3A_274, %get3A_275] {strides = array<i32>} : memref<64x576xf32, #tpu.memory_space<vmem>>, vector<1x16xf32>,
        %get3A_277 = vector.shape_cast %get3A_276 : vector<1x16xf32> to vector<16xf32>
        %get3A_278 = arith.constant 10 : i32
        %get3A_279 = arith.index_cast %get3A_278 : i32 to index
        %get3A_280 = arith.index_cast %mul3A_183 : i32 to index
        %get3A_281 = tpu.vector_load %arg4[%get3A_279, %get3A_280] {strides = array<i32>} : memref<64x576xf32, #tpu.memory_space<vmem>>, vector<1x16xf32>,
        %get3A_282 = vector.shape_cast %get3A_281 : vector<1x16xf32> to vector<16xf32>
        %get3A_283 = arith.constant 11 : i32
        %get3A_284 = arith.index_cast %get3A_283 : i32 to index
        %get3A_285 = arith.index_cast %mul3A_183 : i32 to index
        %get3A_286 = tpu.vector_load %arg4[%get3A_284, %get3A_285] {strides = array<i32>} : memref<64x576xf32, #tpu.memory_space<vmem>>, vector<1x16xf32>,
        %get3A_287 = vector.shape_cast %get3A_286 : vector<1x16xf32> to vector<16xf32>
        %get3A_288 = arith.constant 12 : i32
        %get3A_289 = arith.index_cast %get3A_288 : i32 to index
        %get3A_290 = arith.index_cast %mul3A_183 : i32 to index
        %get3A_291 = tpu.vector_load %arg4[%get3A_289, %get3A_290] {strides = array<i32>} : memref<64x576xf32, #tpu.memory_space<vmem>>, vector<1x16xf32>,
        %get3A_292 = vector.shape_cast %get3A_291 : vector<1x16xf32> to vector<16xf32>
        %get3A_293 = arith.constant 13 : i32
        %get3A_294 = arith.index_cast %get3A_293 : i32 to index
        %get3A_295 = arith.index_cast %mul3A_183 : i32 to index
        %get3A_296 = tpu.vector_load %arg4[%get3A_294, %get3A_295] {strides = array<i32>} : memref<64x576xf32, #tpu.memory_space<vmem>>, vector<1x16xf32>,
        %get3A_297 = vector.shape_cast %get3A_296 : vector<1x16xf32> to vector<16xf32>
        %get3A_298 = arith.constant 14 : i32
        %get3A_299 = arith.index_cast %get3A_298 : i32 to index
        %get3A_300 = arith.index_cast %mul3A_183 : i32 to index
        %get3A_301 = tpu.vector_load %arg4[%get3A_299, %get3A_300] {strides = array<i32>} : memref<64x576xf32, #tpu.memory_space<vmem>>, vector<1x16xf32>,
        %get3A_302 = vector.shape_cast %get3A_301 : vector<1x16xf32> to vector<16xf32>
        %get3A_303 = arith.constant 15 : i32
        %get3A_304 = arith.index_cast %get3A_303 : i32 to index
        %get3A_305 = arith.index_cast %mul3A_183 : i32 to index
        %get3A_306 = tpu.vector_load %arg4[%get3A_304, %get3A_305] {strides = array<i32>} : memref<64x576xf32, #tpu.memory_space<vmem>>, vector<1x16xf32>,
        %get3A_307 = vector.shape_cast %get3A_306 : vector<1x16xf32> to vector<16xf32>
        %broadcast_in_dim3A_308 = arith.constant 0 : i32
        %broadcast_in_dim3A_309 = vector.broadcast %broadcast_in_dim3A_308 : i32 to vector<16xi32>
        %broadcast_in_dim3A_310 = arith.constant 1 : i32
        %broadcast_in_dim3A_311 = vector.broadcast %broadcast_in_dim3A_310 : i32 to vector<16xi32>
        %broadcast_in_dim3A_312 = arith.constant 2 : i32
        %broadcast_in_dim3A_313 = vector.broadcast %broadcast_in_dim3A_312 : i32 to vector<16xi32>
        %broadcast_in_dim3A_314 = arith.constant 3 : i32
        %broadcast_in_dim3A_315 = vector.broadcast %broadcast_in_dim3A_314 : i32 to vector<16xi32>
        %broadcast_in_dim3A_316 = arith.constant 4 : i32
        %broadcast_in_dim3A_317 = vector.broadcast %broadcast_in_dim3A_316 : i32 to vector<16xi32>
        %broadcast_in_dim3A_318 = arith.constant 5 : i32
        %broadcast_in_dim3A_319 = vector.broadcast %broadcast_in_dim3A_318 : i32 to vector<16xi32>
        %broadcast_in_dim3A_320 = arith.constant 6 : i32
        %broadcast_in_dim3A_321 = vector.broadcast %broadcast_in_dim3A_320 : i32 to vector<16xi32>
        %broadcast_in_dim3A_322 = arith.constant 7 : i32
        %broadcast_in_dim3A_323 = vector.broadcast %broadcast_in_dim3A_322 : i32 to vector<16xi32>
        %le3A_324 = arith.cmpf ole, %get3A_272, %get3A_277 : vector<16xf32>
        %min3A_325 = arith.minimumf %get3A_272, %get3A_277 : vector<16xf32>
        %select_n3A_326 = arith.select %le3A_324, %broadcast_in_dim3A_309, %broadcast_in_dim3A_311 : vector<16xi1>, vector<16xi32>
        %le3A_327 = arith.cmpf ole, %get3A_282, %get3A_287 : vector<16xf32>
        %min3A_328 = arith.minimumf %get3A_282, %get3A_287 : vector<16xf32>
        %select_n3A_329 = arith.select %le3A_327, %broadcast_in_dim3A_313, %broadcast_in_dim3A_315 : vector<16xi1>, vector<16xi32>
        %le3A_330 = arith.cmpf ole, %get3A_292, %get3A_297 : vector<16xf32>
        %min3A_331 = arith.minimumf %get3A_292, %get3A_297 : vector<16xf32>
        %select_n3A_332 = arith.select %le3A_330, %broadcast_in_dim3A_317, %broadcast_in_dim3A_319 : vector<16xi1>, vector<16xi32>
        %le3A_333 = arith.cmpf ole, %get3A_302, %get3A_307 : vector<16xf32>
        %min3A_334 = arith.minimumf %get3A_302, %get3A_307 : vector<16xf32>
        %select_n3A_335 = arith.select %le3A_333, %broadcast_in_dim3A_321, %broadcast_in_dim3A_323 : vector<16xi1>, vector<16xi32>
        %le3A_336 = arith.cmpf ole, %min3A_325, %min3A_328 : vector<16xf32>
        %min3A_337 = arith.minimumf %min3A_325, %min3A_328 : vector<16xf32>
        %select_n3A_338 = arith.select %le3A_336, %select_n3A_326, %select_n3A_329 : vector<16xi1>, vector<16xi32>
        %le3A_339 = arith.cmpf ole, %min3A_331, %min3A_334 : vector<16xf32>
        %min3A_340 = arith.minimumf %min3A_331, %min3A_334 : vector<16xf32>
        %select_n3A_341 = arith.select %le3A_339, %select_n3A_332, %select_n3A_335 : vector<16xi1>, vector<16xi32>
        %le3A_342 = arith.cmpf ole, %min3A_337, %min3A_340 : vector<16xf32>
        %min3A_343 = arith.minimumf %min3A_337, %min3A_340 : vector<16xf32>
        %select_n3A_344 = arith.select %le3A_342, %select_n3A_338, %select_n3A_341 : vector<16xi1>, vector<16xi32>
        %lt3A_345 = arith.cmpf olt, %min3A_343, %select_n3A_265 : vector<16xf32>
        %select_n3A_346 = arith.select %lt3A_345, %min3A_343, %select_n3A_265 : vector<16xi1>, vector<16xf32>
        %add3A_347 = arith.addi %add3A_103, %select_n3A_344 : vector<16xi32>
        %select_n3A_348 = arith.select %lt3A_345, %add3A_347, %select_n3A_267 : vector<16xi1>, vector<16xi32>
        %get3A_349 = arith.constant 16 : i32
        %get3A_350 = arith.index_cast %get3A_349 : i32 to index
        %get3A_351 = arith.index_cast %mul3A_183 : i32 to index
        %get3A_352 = tpu.vector_load %arg4[%get3A_350, %get3A_351] {strides = array<i32>} : memref<64x576xf32, #tpu.memory_space<vmem>>, vector<1x16xf32>,
        %get3A_353 = vector.shape_cast %get3A_352 : vector<1x16xf32> to vector<16xf32>
        %get3A_354 = arith.constant 17 : i32
        %get3A_355 = arith.index_cast %get3A_354 : i32 to index
        %get3A_356 = arith.index_cast %mul3A_183 : i32 to index
        %get3A_357 = tpu.vector_load %arg4[%get3A_355, %get3A_356] {strides = array<i32>} : memref<64x576xf32, #tpu.memory_space<vmem>>, vector<1x16xf32>,
        %get3A_358 = vector.shape_cast %get3A_357 : vector<1x16xf32> to vector<16xf32>
        %get3A_359 = arith.constant 18 : i32
        %get3A_360 = arith.index_cast %get3A_359 : i32 to index
        %get3A_361 = arith.index_cast %mul3A_183 : i32 to index
        %get3A_362 = tpu.vector_load %arg4[%get3A_360, %get3A_361] {strides = array<i32>} : memref<64x576xf32, #tpu.memory_space<vmem>>, vector<1x16xf32>,
        %get3A_363 = vector.shape_cast %get3A_362 : vector<1x16xf32> to vector<16xf32>
        %get3A_364 = arith.constant 19 : i32
        %get3A_365 = arith.index_cast %get3A_364 : i32 to index
        %get3A_366 = arith.index_cast %mul3A_183 : i32 to index
        %get3A_367 = tpu.vector_load %arg4[%get3A_365, %get3A_366] {strides = array<i32>} : memref<64x576xf32, #tpu.memory_space<vmem>>, vector<1x16xf32>,
        %get3A_368 = vector.shape_cast %get3A_367 : vector<1x16xf32> to vector<16xf32>
        %get3A_369 = arith.constant 20 : i32
        %get3A_370 = arith.index_cast %get3A_369 : i32 to index
        %get3A_371 = arith.index_cast %mul3A_183 : i32 to index
        %get3A_372 = tpu.vector_load %arg4[%get3A_370, %get3A_371] {strides = array<i32>} : memref<64x576xf32, #tpu.memory_space<vmem>>, vector<1x16xf32>,
        %get3A_373 = vector.shape_cast %get3A_372 : vector<1x16xf32> to vector<16xf32>
        %get3A_374 = arith.constant 21 : i32
        %get3A_375 = arith.index_cast %get3A_374 : i32 to index
        %get3A_376 = arith.index_cast %mul3A_183 : i32 to index
        %get3A_377 = tpu.vector_load %arg4[%get3A_375, %get3A_376] {strides = array<i32>} : memref<64x576xf32, #tpu.memory_space<vmem>>, vector<1x16xf32>,
        %get3A_378 = vector.shape_cast %get3A_377 : vector<1x16xf32> to vector<16xf32>
        %get3A_379 = arith.constant 22 : i32
        %get3A_380 = arith.index_cast %get3A_379 : i32 to index
        %get3A_381 = arith.index_cast %mul3A_183 : i32 to index
        %get3A_382 = tpu.vector_load %arg4[%get3A_380, %get3A_381] {strides = array<i32>} : memref<64x576xf32, #tpu.memory_space<vmem>>, vector<1x16xf32>,
        %get3A_383 = vector.shape_cast %get3A_382 : vector<1x16xf32> to vector<16xf32>
        %get3A_384 = arith.constant 23 : i32
        %get3A_385 = arith.index_cast %get3A_384 : i32 to index
        %get3A_386 = arith.index_cast %mul3A_183 : i32 to index
        %get3A_387 = tpu.vector_load %arg4[%get3A_385, %get3A_386] {strides = array<i32>} : memref<64x576xf32, #tpu.memory_space<vmem>>, vector<1x16xf32>,
        %get3A_388 = vector.shape_cast %get3A_387 : vector<1x16xf32> to vector<16xf32>
        %broadcast_in_dim3A_389 = arith.constant 0 : i32
        %broadcast_in_dim3A_390 = vector.broadcast %broadcast_in_dim3A_389 : i32 to vector<16xi32>
        %broadcast_in_dim3A_391 = arith.constant 1 : i32
        %broadcast_in_dim3A_392 = vector.broadcast %broadcast_in_dim3A_391 : i32 to vector<16xi32>
        %broadcast_in_dim3A_393 = arith.constant 2 : i32
        %broadcast_in_dim3A_394 = vector.broadcast %broadcast_in_dim3A_393 : i32 to vector<16xi32>
        %broadcast_in_dim3A_395 = arith.constant 3 : i32
        %broadcast_in_dim3A_396 = vector.broadcast %broadcast_in_dim3A_395 : i32 to vector<16xi32>
        %broadcast_in_dim3A_397 = arith.constant 4 : i32
        %broadcast_in_dim3A_398 = vector.broadcast %broadcast_in_dim3A_397 : i32 to vector<16xi32>
        %broadcast_in_dim3A_399 = arith.constant 5 : i32
        %broadcast_in_dim3A_400 = vector.broadcast %broadcast_in_dim3A_399 : i32 to vector<16xi32>
        %broadcast_in_dim3A_401 = arith.constant 6 : i32
        %broadcast_in_dim3A_402 = vector.broadcast %broadcast_in_dim3A_401 : i32 to vector<16xi32>
        %broadcast_in_dim3A_403 = arith.constant 7 : i32
        %broadcast_in_dim3A_404 = vector.broadcast %broadcast_in_dim3A_403 : i32 to vector<16xi32>
        %le3A_405 = arith.cmpf ole, %get3A_353, %get3A_358 : vector<16xf32>
        %min3A_406 = arith.minimumf %get3A_353, %get3A_358 : vector<16xf32>
        %select_n3A_407 = arith.select %le3A_405, %broadcast_in_dim3A_390, %broadcast_in_dim3A_392 : vector<16xi1>, vector<16xi32>
        %le3A_408 = arith.cmpf ole, %get3A_363, %get3A_368 : vector<16xf32>
        %min3A_409 = arith.minimumf %get3A_363, %get3A_368 : vector<16xf32>
        %select_n3A_410 = arith.select %le3A_408, %broadcast_in_dim3A_394, %broadcast_in_dim3A_396 : vector<16xi1>, vector<16xi32>
        %le3A_411 = arith.cmpf ole, %get3A_373, %get3A_378 : vector<16xf32>
        %min3A_412 = arith.minimumf %get3A_373, %get3A_378 : vector<16xf32>
        %select_n3A_413 = arith.select %le3A_411, %broadcast_in_dim3A_398, %broadcast_in_dim3A_400 : vector<16xi1>, vector<16xi32>
        %le3A_414 = arith.cmpf ole, %get3A_383, %get3A_388 : vector<16xf32>
        %min3A_415 = arith.minimumf %get3A_383, %get3A_388 : vector<16xf32>
        %select_n3A_416 = arith.select %le3A_414, %broadcast_in_dim3A_402, %broadcast_in_dim3A_404 : vector<16xi1>, vector<16xi32>
        %le3A_417 = arith.cmpf ole, %min3A_406, %min3A_409 : vector<16xf32>
        %min3A_418 = arith.minimumf %min3A_406, %min3A_409 : vector<16xf32>
        %select_n3A_419 = arith.select %le3A_417, %select_n3A_407, %select_n3A_410 : vector<16xi1>, vector<16xi32>
        %le3A_420 = arith.cmpf ole, %min3A_412, %min3A_415 : vector<16xf32>
        %min3A_421 = arith.minimumf %min3A_412, %min3A_415 : vector<16xf32>
        %select_n3A_422 = arith.select %le3A_420, %select_n3A_413, %select_n3A_416 : vector<16xi1>, vector<16xi32>
        %le3A_423 = arith.cmpf ole, %min3A_418, %min3A_421 : vector<16xf32>
        %min3A_424 = arith.minimumf %min3A_418, %min3A_421 : vector<16xf32>
        %select_n3A_425 = arith.select %le3A_423, %select_n3A_419, %select_n3A_422 : vector<16xi1>, vector<16xi32>
        %lt3A_426 = arith.cmpf olt, %min3A_424, %select_n3A_346 : vector<16xf32>
        %select_n3A_427 = arith.select %lt3A_426, %min3A_424, %select_n3A_346 : vector<16xi1>, vector<16xf32>
        %add3A_428 = arith.addi %add3A_106, %select_n3A_425 : vector<16xi32>
        %select_n3A_429 = arith.select %lt3A_426, %add3A_428, %select_n3A_348 : vector<16xi1>, vector<16xi32>
        %get3A_430 = arith.constant 24 : i32
        %get3A_431 = arith.index_cast %get3A_430 : i32 to index
        %get3A_432 = arith.index_cast %mul3A_183 : i32 to index
        %get3A_433 = tpu.vector_load %arg4[%get3A_431, %get3A_432] {strides = array<i32>} : memref<64x576xf32, #tpu.memory_space<vmem>>, vector<1x16xf32>,
        %get3A_434 = vector.shape_cast %get3A_433 : vector<1x16xf32> to vector<16xf32>
        %get3A_435 = arith.constant 25 : i32
        %get3A_436 = arith.index_cast %get3A_435 : i32 to index
        %get3A_437 = arith.index_cast %mul3A_183 : i32 to index
        %get3A_438 = tpu.vector_load %arg4[%get3A_436, %get3A_437] {strides = array<i32>} : memref<64x576xf32, #tpu.memory_space<vmem>>, vector<1x16xf32>,
        %get3A_439 = vector.shape_cast %get3A_438 : vector<1x16xf32> to vector<16xf32>
        %get3A_440 = arith.constant 26 : i32
        %get3A_441 = arith.index_cast %get3A_440 : i32 to index
        %get3A_442 = arith.index_cast %mul3A_183 : i32 to index
        %get3A_443 = tpu.vector_load %arg4[%get3A_441, %get3A_442] {strides = array<i32>} : memref<64x576xf32, #tpu.memory_space<vmem>>, vector<1x16xf32>,
        %get3A_444 = vector.shape_cast %get3A_443 : vector<1x16xf32> to vector<16xf32>
        %get3A_445 = arith.constant 27 : i32
        %get3A_446 = arith.index_cast %get3A_445 : i32 to index
        %get3A_447 = arith.index_cast %mul3A_183 : i32 to index
        %get3A_448 = tpu.vector_load %arg4[%get3A_446, %get3A_447] {strides = array<i32>} : memref<64x576xf32, #tpu.memory_space<vmem>>, vector<1x16xf32>,
        %get3A_449 = vector.shape_cast %get3A_448 : vector<1x16xf32> to vector<16xf32>
        %get3A_450 = arith.constant 28 : i32
        %get3A_451 = arith.index_cast %get3A_450 : i32 to index
        %get3A_452 = arith.index_cast %mul3A_183 : i32 to index
        %get3A_453 = tpu.vector_load %arg4[%get3A_451, %get3A_452] {strides = array<i32>} : memref<64x576xf32, #tpu.memory_space<vmem>>, vector<1x16xf32>,
        %get3A_454 = vector.shape_cast %get3A_453 : vector<1x16xf32> to vector<16xf32>
        %get3A_455 = arith.constant 29 : i32
        %get3A_456 = arith.index_cast %get3A_455 : i32 to index
        %get3A_457 = arith.index_cast %mul3A_183 : i32 to index
        %get3A_458 = tpu.vector_load %arg4[%get3A_456, %get3A_457] {strides = array<i32>} : memref<64x576xf32, #tpu.memory_space<vmem>>, vector<1x16xf32>,
        %get3A_459 = vector.shape_cast %get3A_458 : vector<1x16xf32> to vector<16xf32>
        %get3A_460 = arith.constant 30 : i32
        %get3A_461 = arith.index_cast %get3A_460 : i32 to index
        %get3A_462 = arith.index_cast %mul3A_183 : i32 to index
        %get3A_463 = tpu.vector_load %arg4[%get3A_461, %get3A_462] {strides = array<i32>} : memref<64x576xf32, #tpu.memory_space<vmem>>, vector<1x16xf32>,
        %get3A_464 = vector.shape_cast %get3A_463 : vector<1x16xf32> to vector<16xf32>
        %get3A_465 = arith.constant 31 : i32
        %get3A_466 = arith.index_cast %get3A_465 : i32 to index
        %get3A_467 = arith.index_cast %mul3A_183 : i32 to index
        %get3A_468 = tpu.vector_load %arg4[%get3A_466, %get3A_467] {strides = array<i32>} : memref<64x576xf32, #tpu.memory_space<vmem>>, vector<1x16xf32>,
        %get3A_469 = vector.shape_cast %get3A_468 : vector<1x16xf32> to vector<16xf32>
        %broadcast_in_dim3A_470 = arith.constant 0 : i32
        %broadcast_in_dim3A_471 = vector.broadcast %broadcast_in_dim3A_470 : i32 to vector<16xi32>
        %broadcast_in_dim3A_472 = arith.constant 1 : i32
        %broadcast_in_dim3A_473 = vector.broadcast %broadcast_in_dim3A_472 : i32 to vector<16xi32>
        %broadcast_in_dim3A_474 = arith.constant 2 : i32
        %broadcast_in_dim3A_475 = vector.broadcast %broadcast_in_dim3A_474 : i32 to vector<16xi32>
        %broadcast_in_dim3A_476 = arith.constant 3 : i32
        %broadcast_in_dim3A_477 = vector.broadcast %broadcast_in_dim3A_476 : i32 to vector<16xi32>
        %broadcast_in_dim3A_478 = arith.constant 4 : i32
        %broadcast_in_dim3A_479 = vector.broadcast %broadcast_in_dim3A_478 : i32 to vector<16xi32>
        %broadcast_in_dim3A_480 = arith.constant 5 : i32
        %broadcast_in_dim3A_481 = vector.broadcast %broadcast_in_dim3A_480 : i32 to vector<16xi32>
        %broadcast_in_dim3A_482 = arith.constant 6 : i32
        %broadcast_in_dim3A_483 = vector.broadcast %broadcast_in_dim3A_482 : i32 to vector<16xi32>
        %broadcast_in_dim3A_484 = arith.constant 7 : i32
        %broadcast_in_dim3A_485 = vector.broadcast %broadcast_in_dim3A_484 : i32 to vector<16xi32>
        %le3A_486 = arith.cmpf ole, %get3A_434, %get3A_439 : vector<16xf32>
        %min3A_487 = arith.minimumf %get3A_434, %get3A_439 : vector<16xf32>
        %select_n3A_488 = arith.select %le3A_486, %broadcast_in_dim3A_471, %broadcast_in_dim3A_473 : vector<16xi1>, vector<16xi32>
        %le3A_489 = arith.cmpf ole, %get3A_444, %get3A_449 : vector<16xf32>
        %min3A_490 = arith.minimumf %get3A_444, %get3A_449 : vector<16xf32>
        %select_n3A_491 = arith.select %le3A_489, %broadcast_in_dim3A_475, %broadcast_in_dim3A_477 : vector<16xi1>, vector<16xi32>
        %le3A_492 = arith.cmpf ole, %get3A_454, %get3A_459 : vector<16xf32>
        %min3A_493 = arith.minimumf %get3A_454, %get3A_459 : vector<16xf32>
        %select_n3A_494 = arith.select %le3A_492, %broadcast_in_dim3A_479, %broadcast_in_dim3A_481 : vector<16xi1>, vector<16xi32>
        %le3A_495 = arith.cmpf ole, %get3A_464, %get3A_469 : vector<16xf32>
        %min3A_496 = arith.minimumf %get3A_464, %get3A_469 : vector<16xf32>
        %select_n3A_497 = arith.select %le3A_495, %broadcast_in_dim3A_483, %broadcast_in_dim3A_485 : vector<16xi1>, vector<16xi32>
        %le3A_498 = arith.cmpf ole, %min3A_487, %min3A_490 : vector<16xf32>
        %min3A_499 = arith.minimumf %min3A_487, %min3A_490 : vector<16xf32>
        %select_n3A_500 = arith.select %le3A_498, %select_n3A_488, %select_n3A_491 : vector<16xi1>, vector<16xi32>
        %le3A_501 = arith.cmpf ole, %min3A_493, %min3A_496 : vector<16xf32>
        %min3A_502 = arith.minimumf %min3A_493, %min3A_496 : vector<16xf32>
        %select_n3A_503 = arith.select %le3A_501, %select_n3A_494, %select_n3A_497 : vector<16xi1>, vector<16xi32>
        %le3A_504 = arith.cmpf ole, %min3A_499, %min3A_502 : vector<16xf32>
        %min3A_505 = arith.minimumf %min3A_499, %min3A_502 : vector<16xf32>
        %select_n3A_506 = arith.select %le3A_504, %select_n3A_500, %select_n3A_503 : vector<16xi1>, vector<16xi32>
        %lt3A_507 = arith.cmpf olt, %min3A_505, %select_n3A_427 : vector<16xf32>
        %select_n3A_508 = arith.select %lt3A_507, %min3A_505, %select_n3A_427 : vector<16xi1>, vector<16xf32>
        %add3A_509 = arith.addi %add3A_109, %select_n3A_506 : vector<16xi32>
        %select_n3A_510 = arith.select %lt3A_507, %add3A_509, %select_n3A_429 : vector<16xi1>, vector<16xi32>
        %get3A_511 = arith.constant 32 : i32
        %get3A_512 = arith.index_cast %get3A_511 : i32 to index
        %get3A_513 = arith.index_cast %mul3A_183 : i32 to index
        %get3A_514 = tpu.vector_load %arg4[%get3A_512, %get3A_513] {strides = array<i32>} : memref<64x576xf32, #tpu.memory_space<vmem>>, vector<1x16xf32>,
        %get3A_515 = vector.shape_cast %get3A_514 : vector<1x16xf32> to vector<16xf32>
        %get3A_516 = arith.constant 33 : i32
        %get3A_517 = arith.index_cast %get3A_516 : i32 to index
        %get3A_518 = arith.index_cast %mul3A_183 : i32 to index
        %get3A_519 = tpu.vector_load %arg4[%get3A_517, %get3A_518] {strides = array<i32>} : memref<64x576xf32, #tpu.memory_space<vmem>>, vector<1x16xf32>,
        %get3A_520 = vector.shape_cast %get3A_519 : vector<1x16xf32> to vector<16xf32>
        %get3A_521 = arith.constant 34 : i32
        %get3A_522 = arith.index_cast %get3A_521 : i32 to index
        %get3A_523 = arith.index_cast %mul3A_183 : i32 to index
        %get3A_524 = tpu.vector_load %arg4[%get3A_522, %get3A_523] {strides = array<i32>} : memref<64x576xf32, #tpu.memory_space<vmem>>, vector<1x16xf32>,
        %get3A_525 = vector.shape_cast %get3A_524 : vector<1x16xf32> to vector<16xf32>
        %get3A_526 = arith.constant 35 : i32
        %get3A_527 = arith.index_cast %get3A_526 : i32 to index
        %get3A_528 = arith.index_cast %mul3A_183 : i32 to index
        %get3A_529 = tpu.vector_load %arg4[%get3A_527, %get3A_528] {strides = array<i32>} : memref<64x576xf32, #tpu.memory_space<vmem>>, vector<1x16xf32>,
        %get3A_530 = vector.shape_cast %get3A_529 : vector<1x16xf32> to vector<16xf32>
        %get3A_531 = arith.constant 36 : i32
        %get3A_532 = arith.index_cast %get3A_531 : i32 to index
        %get3A_533 = arith.index_cast %mul3A_183 : i32 to index
        %get3A_534 = tpu.vector_load %arg4[%get3A_532, %get3A_533] {strides = array<i32>} : memref<64x576xf32, #tpu.memory_space<vmem>>, vector<1x16xf32>,
        %get3A_535 = vector.shape_cast %get3A_534 : vector<1x16xf32> to vector<16xf32>
        %get3A_536 = arith.constant 37 : i32
        %get3A_537 = arith.index_cast %get3A_536 : i32 to index
        %get3A_538 = arith.index_cast %mul3A_183 : i32 to index
        %get3A_539 = tpu.vector_load %arg4[%get3A_537, %get3A_538] {strides = array<i32>} : memref<64x576xf32, #tpu.memory_space<vmem>>, vector<1x16xf32>,
        %get3A_540 = vector.shape_cast %get3A_539 : vector<1x16xf32> to vector<16xf32>
        %get3A_541 = arith.constant 38 : i32
        %get3A_542 = arith.index_cast %get3A_541 : i32 to index
        %get3A_543 = arith.index_cast %mul3A_183 : i32 to index
        %get3A_544 = tpu.vector_load %arg4[%get3A_542, %get3A_543] {strides = array<i32>} : memref<64x576xf32, #tpu.memory_space<vmem>>, vector<1x16xf32>,
        %get3A_545 = vector.shape_cast %get3A_544 : vector<1x16xf32> to vector<16xf32>
        %get3A_546 = arith.constant 39 : i32
        %get3A_547 = arith.index_cast %get3A_546 : i32 to index
        %get3A_548 = arith.index_cast %mul3A_183 : i32 to index
        %get3A_549 = tpu.vector_load %arg4[%get3A_547, %get3A_548] {strides = array<i32>} : memref<64x576xf32, #tpu.memory_space<vmem>>, vector<1x16xf32>,
        %get3A_550 = vector.shape_cast %get3A_549 : vector<1x16xf32> to vector<16xf32>
        %broadcast_in_dim3A_551 = arith.constant 0 : i32
        %broadcast_in_dim3A_552 = vector.broadcast %broadcast_in_dim3A_551 : i32 to vector<16xi32>
        %broadcast_in_dim3A_553 = arith.constant 1 : i32
        %broadcast_in_dim3A_554 = vector.broadcast %broadcast_in_dim3A_553 : i32 to vector<16xi32>
        %broadcast_in_dim3A_555 = arith.constant 2 : i32
        %broadcast_in_dim3A_556 = vector.broadcast %broadcast_in_dim3A_555 : i32 to vector<16xi32>
        %broadcast_in_dim3A_557 = arith.constant 3 : i32
        %broadcast_in_dim3A_558 = vector.broadcast %broadcast_in_dim3A_557 : i32 to vector<16xi32>
        %broadcast_in_dim3A_559 = arith.constant 4 : i32
        %broadcast_in_dim3A_560 = vector.broadcast %broadcast_in_dim3A_559 : i32 to vector<16xi32>
        %broadcast_in_dim3A_561 = arith.constant 5 : i32
        %broadcast_in_dim3A_562 = vector.broadcast %broadcast_in_dim3A_561 : i32 to vector<16xi32>
        %broadcast_in_dim3A_563 = arith.constant 6 : i32
        %broadcast_in_dim3A_564 = vector.broadcast %broadcast_in_dim3A_563 : i32 to vector<16xi32>
        %broadcast_in_dim3A_565 = arith.constant 7 : i32
        %broadcast_in_dim3A_566 = vector.broadcast %broadcast_in_dim3A_565 : i32 to vector<16xi32>
        %le3A_567 = arith.cmpf ole, %get3A_515, %get3A_520 : vector<16xf32>
        %min3A_568 = arith.minimumf %get3A_515, %get3A_520 : vector<16xf32>
        %select_n3A_569 = arith.select %le3A_567, %broadcast_in_dim3A_552, %broadcast_in_dim3A_554 : vector<16xi1>, vector<16xi32>
        %le3A_570 = arith.cmpf ole, %get3A_525, %get3A_530 : vector<16xf32>
        %min3A_571 = arith.minimumf %get3A_525, %get3A_530 : vector<16xf32>
        %select_n3A_572 = arith.select %le3A_570, %broadcast_in_dim3A_556, %broadcast_in_dim3A_558 : vector<16xi1>, vector<16xi32>
        %le3A_573 = arith.cmpf ole, %get3A_535, %get3A_540 : vector<16xf32>
        %min3A_574 = arith.minimumf %get3A_535, %get3A_540 : vector<16xf32>
        %select_n3A_575 = arith.select %le3A_573, %broadcast_in_dim3A_560, %broadcast_in_dim3A_562 : vector<16xi1>, vector<16xi32>
        %le3A_576 = arith.cmpf ole, %get3A_545, %get3A_550 : vector<16xf32>
        %min3A_577 = arith.minimumf %get3A_545, %get3A_550 : vector<16xf32>
        %select_n3A_578 = arith.select %le3A_576, %broadcast_in_dim3A_564, %broadcast_in_dim3A_566 : vector<16xi1>, vector<16xi32>
        %le3A_579 = arith.cmpf ole, %min3A_568, %min3A_571 : vector<16xf32>
        %min3A_580 = arith.minimumf %min3A_568, %min3A_571 : vector<16xf32>
        %select_n3A_581 = arith.select %le3A_579, %select_n3A_569, %select_n3A_572 : vector<16xi1>, vector<16xi32>
        %le3A_582 = arith.cmpf ole, %min3A_574, %min3A_577 : vector<16xf32>
        %min3A_583 = arith.minimumf %min3A_574, %min3A_577 : vector<16xf32>
        %select_n3A_584 = arith.select %le3A_582, %select_n3A_575, %select_n3A_578 : vector<16xi1>, vector<16xi32>
        %le3A_585 = arith.cmpf ole, %min3A_580, %min3A_583 : vector<16xf32>
        %min3A_586 = arith.minimumf %min3A_580, %min3A_583 : vector<16xf32>
        %select_n3A_587 = arith.select %le3A_585, %select_n3A_581, %select_n3A_584 : vector<16xi1>, vector<16xi32>
        %lt3A_588 = arith.cmpf olt, %min3A_586, %select_n3A_508 : vector<16xf32>
        %select_n3A_589 = arith.select %lt3A_588, %min3A_586, %select_n3A_508 : vector<16xi1>, vector<16xf32>
        %add3A_590 = arith.addi %add3A_112, %select_n3A_587 : vector<16xi32>
        %select_n3A_591 = arith.select %lt3A_588, %add3A_590, %select_n3A_510 : vector<16xi1>, vector<16xi32>
        %get3A_592 = arith.constant 40 : i32
        %get3A_593 = arith.index_cast %get3A_592 : i32 to index
        %get3A_594 = arith.index_cast %mul3A_183 : i32 to index
        %get3A_595 = tpu.vector_load %arg4[%get3A_593, %get3A_594] {strides = array<i32>} : memref<64x576xf32, #tpu.memory_space<vmem>>, vector<1x16xf32>,
        %get3A_596 = vector.shape_cast %get3A_595 : vector<1x16xf32> to vector<16xf32>
        %get3A_597 = arith.constant 41 : i32
        %get3A_598 = arith.index_cast %get3A_597 : i32 to index
        %get3A_599 = arith.index_cast %mul3A_183 : i32 to index
        %get3A_600 = tpu.vector_load %arg4[%get3A_598, %get3A_599] {strides = array<i32>} : memref<64x576xf32, #tpu.memory_space<vmem>>, vector<1x16xf32>,
        %get3A_601 = vector.shape_cast %get3A_600 : vector<1x16xf32> to vector<16xf32>
        %get3A_602 = arith.constant 42 : i32
        %get3A_603 = arith.index_cast %get3A_602 : i32 to index
        %get3A_604 = arith.index_cast %mul3A_183 : i32 to index
        %get3A_605 = tpu.vector_load %arg4[%get3A_603, %get3A_604] {strides = array<i32>} : memref<64x576xf32, #tpu.memory_space<vmem>>, vector<1x16xf32>,
        %get3A_606 = vector.shape_cast %get3A_605 : vector<1x16xf32> to vector<16xf32>
        %get3A_607 = arith.constant 43 : i32
        %get3A_608 = arith.index_cast %get3A_607 : i32 to index
        %get3A_609 = arith.index_cast %mul3A_183 : i32 to index
        %get3A_610 = tpu.vector_load %arg4[%get3A_608, %get3A_609] {strides = array<i32>} : memref<64x576xf32, #tpu.memory_space<vmem>>, vector<1x16xf32>,
        %get3A_611 = vector.shape_cast %get3A_610 : vector<1x16xf32> to vector<16xf32>
        %get3A_612 = arith.constant 44 : i32
        %get3A_613 = arith.index_cast %get3A_612 : i32 to index
        %get3A_614 = arith.index_cast %mul3A_183 : i32 to index
        %get3A_615 = tpu.vector_load %arg4[%get3A_613, %get3A_614] {strides = array<i32>} : memref<64x576xf32, #tpu.memory_space<vmem>>, vector<1x16xf32>,
        %get3A_616 = vector.shape_cast %get3A_615 : vector<1x16xf32> to vector<16xf32>
        %get3A_617 = arith.constant 45 : i32
        %get3A_618 = arith.index_cast %get3A_617 : i32 to index
        %get3A_619 = arith.index_cast %mul3A_183 : i32 to index
        %get3A_620 = tpu.vector_load %arg4[%get3A_618, %get3A_619] {strides = array<i32>} : memref<64x576xf32, #tpu.memory_space<vmem>>, vector<1x16xf32>,
        %get3A_621 = vector.shape_cast %get3A_620 : vector<1x16xf32> to vector<16xf32>
        %get3A_622 = arith.constant 46 : i32
        %get3A_623 = arith.index_cast %get3A_622 : i32 to index
        %get3A_624 = arith.index_cast %mul3A_183 : i32 to index
        %get3A_625 = tpu.vector_load %arg4[%get3A_623, %get3A_624] {strides = array<i32>} : memref<64x576xf32, #tpu.memory_space<vmem>>, vector<1x16xf32>,
        %get3A_626 = vector.shape_cast %get3A_625 : vector<1x16xf32> to vector<16xf32>
        %get3A_627 = arith.constant 47 : i32
        %get3A_628 = arith.index_cast %get3A_627 : i32 to index
        %get3A_629 = arith.index_cast %mul3A_183 : i32 to index
        %get3A_630 = tpu.vector_load %arg4[%get3A_628, %get3A_629] {strides = array<i32>} : memref<64x576xf32, #tpu.memory_space<vmem>>, vector<1x16xf32>,
        %get3A_631 = vector.shape_cast %get3A_630 : vector<1x16xf32> to vector<16xf32>
        %broadcast_in_dim3A_632 = arith.constant 0 : i32
        %broadcast_in_dim3A_633 = vector.broadcast %broadcast_in_dim3A_632 : i32 to vector<16xi32>
        %broadcast_in_dim3A_634 = arith.constant 1 : i32
        %broadcast_in_dim3A_635 = vector.broadcast %broadcast_in_dim3A_634 : i32 to vector<16xi32>
        %broadcast_in_dim3A_636 = arith.constant 2 : i32
        %broadcast_in_dim3A_637 = vector.broadcast %broadcast_in_dim3A_636 : i32 to vector<16xi32>
        %broadcast_in_dim3A_638 = arith.constant 3 : i32
        %broadcast_in_dim3A_639 = vector.broadcast %broadcast_in_dim3A_638 : i32 to vector<16xi32>
        %broadcast_in_dim3A_640 = arith.constant 4 : i32
        %broadcast_in_dim3A_641 = vector.broadcast %broadcast_in_dim3A_640 : i32 to vector<16xi32>
        %broadcast_in_dim3A_642 = arith.constant 5 : i32
        %broadcast_in_dim3A_643 = vector.broadcast %broadcast_in_dim3A_642 : i32 to vector<16xi32>
        %broadcast_in_dim3A_644 = arith.constant 6 : i32
        %broadcast_in_dim3A_645 = vector.broadcast %broadcast_in_dim3A_644 : i32 to vector<16xi32>
        %broadcast_in_dim3A_646 = arith.constant 7 : i32
        %broadcast_in_dim3A_647 = vector.broadcast %broadcast_in_dim3A_646 : i32 to vector<16xi32>
        %le3A_648 = arith.cmpf ole, %get3A_596, %get3A_601 : vector<16xf32>
        %min3A_649 = arith.minimumf %get3A_596, %get3A_601 : vector<16xf32>
        %select_n3A_650 = arith.select %le3A_648, %broadcast_in_dim3A_633, %broadcast_in_dim3A_635 : vector<16xi1>, vector<16xi32>
        %le3A_651 = arith.cmpf ole, %get3A_606, %get3A_611 : vector<16xf32>
        %min3A_652 = arith.minimumf %get3A_606, %get3A_611 : vector<16xf32>
        %select_n3A_653 = arith.select %le3A_651, %broadcast_in_dim3A_637, %broadcast_in_dim3A_639 : vector<16xi1>, vector<16xi32>
        %le3A_654 = arith.cmpf ole, %get3A_616, %get3A_621 : vector<16xf32>
        %min3A_655 = arith.minimumf %get3A_616, %get3A_621 : vector<16xf32>
        %select_n3A_656 = arith.select %le3A_654, %broadcast_in_dim3A_641, %broadcast_in_dim3A_643 : vector<16xi1>, vector<16xi32>
        %le3A_657 = arith.cmpf ole, %get3A_626, %get3A_631 : vector<16xf32>
        %min3A_658 = arith.minimumf %get3A_626, %get3A_631 : vector<16xf32>
        %select_n3A_659 = arith.select %le3A_657, %broadcast_in_dim3A_645, %broadcast_in_dim3A_647 : vector<16xi1>, vector<16xi32>
        %le3A_660 = arith.cmpf ole, %min3A_649, %min3A_652 : vector<16xf32>
        %min3A_661 = arith.minimumf %min3A_649, %min3A_652 : vector<16xf32>
        %select_n3A_662 = arith.select %le3A_660, %select_n3A_650, %select_n3A_653 : vector<16xi1>, vector<16xi32>
        %le3A_663 = arith.cmpf ole, %min3A_655, %min3A_658 : vector<16xf32>
        %min3A_664 = arith.minimumf %min3A_655, %min3A_658 : vector<16xf32>
        %select_n3A_665 = arith.select %le3A_663, %select_n3A_656, %select_n3A_659 : vector<16xi1>, vector<16xi32>
        %le3A_666 = arith.cmpf ole, %min3A_661, %min3A_664 : vector<16xf32>
        %min3A_667 = arith.minimumf %min3A_661, %min3A_664 : vector<16xf32>
        %select_n3A_668 = arith.select %le3A_666, %select_n3A_662, %select_n3A_665 : vector<16xi1>, vector<16xi32>
        %lt3A_669 = arith.cmpf olt, %min3A_667, %select_n3A_589 : vector<16xf32>
        %select_n3A_670 = arith.select %lt3A_669, %min3A_667, %select_n3A_589 : vector<16xi1>, vector<16xf32>
        %add3A_671 = arith.addi %add3A_115, %select_n3A_668 : vector<16xi32>
        %select_n3A_672 = arith.select %lt3A_669, %add3A_671, %select_n3A_591 : vector<16xi1>, vector<16xi32>
        %get3A_673 = arith.constant 48 : i32
        %get3A_674 = arith.index_cast %get3A_673 : i32 to index
        %get3A_675 = arith.index_cast %mul3A_183 : i32 to index
        %get3A_676 = tpu.vector_load %arg4[%get3A_674, %get3A_675] {strides = array<i32>} : memref<64x576xf32, #tpu.memory_space<vmem>>, vector<1x16xf32>,
        %get3A_677 = vector.shape_cast %get3A_676 : vector<1x16xf32> to vector<16xf32>
        %get3A_678 = arith.constant 49 : i32
        %get3A_679 = arith.index_cast %get3A_678 : i32 to index
        %get3A_680 = arith.index_cast %mul3A_183 : i32 to index
        %get3A_681 = tpu.vector_load %arg4[%get3A_679, %get3A_680] {strides = array<i32>} : memref<64x576xf32, #tpu.memory_space<vmem>>, vector<1x16xf32>,
        %get3A_682 = vector.shape_cast %get3A_681 : vector<1x16xf32> to vector<16xf32>
        %get3A_683 = arith.constant 50 : i32
        %get3A_684 = arith.index_cast %get3A_683 : i32 to index
        %get3A_685 = arith.index_cast %mul3A_183 : i32 to index
        %get3A_686 = tpu.vector_load %arg4[%get3A_684, %get3A_685] {strides = array<i32>} : memref<64x576xf32, #tpu.memory_space<vmem>>, vector<1x16xf32>,
        %get3A_687 = vector.shape_cast %get3A_686 : vector<1x16xf32> to vector<16xf32>
        %get3A_688 = arith.constant 51 : i32
        %get3A_689 = arith.index_cast %get3A_688 : i32 to index
        %get3A_690 = arith.index_cast %mul3A_183 : i32 to index
        %get3A_691 = tpu.vector_load %arg4[%get3A_689, %get3A_690] {strides = array<i32>} : memref<64x576xf32, #tpu.memory_space<vmem>>, vector<1x16xf32>,
        %get3A_692 = vector.shape_cast %get3A_691 : vector<1x16xf32> to vector<16xf32>
        %get3A_693 = arith.constant 52 : i32
        %get3A_694 = arith.index_cast %get3A_693 : i32 to index
        %get3A_695 = arith.index_cast %mul3A_183 : i32 to index
        %get3A_696 = tpu.vector_load %arg4[%get3A_694, %get3A_695] {strides = array<i32>} : memref<64x576xf32, #tpu.memory_space<vmem>>, vector<1x16xf32>,
        %get3A_697 = vector.shape_cast %get3A_696 : vector<1x16xf32> to vector<16xf32>
        %get3A_698 = arith.constant 53 : i32
        %get3A_699 = arith.index_cast %get3A_698 : i32 to index
        %get3A_700 = arith.index_cast %mul3A_183 : i32 to index
        %get3A_701 = tpu.vector_load %arg4[%get3A_699, %get3A_700] {strides = array<i32>} : memref<64x576xf32, #tpu.memory_space<vmem>>, vector<1x16xf32>,
        %get3A_702 = vector.shape_cast %get3A_701 : vector<1x16xf32> to vector<16xf32>
        %get3A_703 = arith.constant 54 : i32
        %get3A_704 = arith.index_cast %get3A_703 : i32 to index
        %get3A_705 = arith.index_cast %mul3A_183 : i32 to index
        %get3A_706 = tpu.vector_load %arg4[%get3A_704, %get3A_705] {strides = array<i32>} : memref<64x576xf32, #tpu.memory_space<vmem>>, vector<1x16xf32>,
        %get3A_707 = vector.shape_cast %get3A_706 : vector<1x16xf32> to vector<16xf32>
        %get3A_708 = arith.constant 55 : i32
        %get3A_709 = arith.index_cast %get3A_708 : i32 to index
        %get3A_710 = arith.index_cast %mul3A_183 : i32 to index
        %get3A_711 = tpu.vector_load %arg4[%get3A_709, %get3A_710] {strides = array<i32>} : memref<64x576xf32, #tpu.memory_space<vmem>>, vector<1x16xf32>,
        %get3A_712 = vector.shape_cast %get3A_711 : vector<1x16xf32> to vector<16xf32>
        %broadcast_in_dim3A_713 = arith.constant 0 : i32
        %broadcast_in_dim3A_714 = vector.broadcast %broadcast_in_dim3A_713 : i32 to vector<16xi32>
        %broadcast_in_dim3A_715 = arith.constant 1 : i32
        %broadcast_in_dim3A_716 = vector.broadcast %broadcast_in_dim3A_715 : i32 to vector<16xi32>
        %broadcast_in_dim3A_717 = arith.constant 2 : i32
        %broadcast_in_dim3A_718 = vector.broadcast %broadcast_in_dim3A_717 : i32 to vector<16xi32>
        %broadcast_in_dim3A_719 = arith.constant 3 : i32
        %broadcast_in_dim3A_720 = vector.broadcast %broadcast_in_dim3A_719 : i32 to vector<16xi32>
        %broadcast_in_dim3A_721 = arith.constant 4 : i32
        %broadcast_in_dim3A_722 = vector.broadcast %broadcast_in_dim3A_721 : i32 to vector<16xi32>
        %broadcast_in_dim3A_723 = arith.constant 5 : i32
        %broadcast_in_dim3A_724 = vector.broadcast %broadcast_in_dim3A_723 : i32 to vector<16xi32>
        %broadcast_in_dim3A_725 = arith.constant 6 : i32
        %broadcast_in_dim3A_726 = vector.broadcast %broadcast_in_dim3A_725 : i32 to vector<16xi32>
        %broadcast_in_dim3A_727 = arith.constant 7 : i32
        %broadcast_in_dim3A_728 = vector.broadcast %broadcast_in_dim3A_727 : i32 to vector<16xi32>
        %le3A_729 = arith.cmpf ole, %get3A_677, %get3A_682 : vector<16xf32>
        %min3A_730 = arith.minimumf %get3A_677, %get3A_682 : vector<16xf32>
        %select_n3A_731 = arith.select %le3A_729, %broadcast_in_dim3A_714, %broadcast_in_dim3A_716 : vector<16xi1>, vector<16xi32>
        %le3A_732 = arith.cmpf ole, %get3A_687, %get3A_692 : vector<16xf32>
        %min3A_733 = arith.minimumf %get3A_687, %get3A_692 : vector<16xf32>
        %select_n3A_734 = arith.select %le3A_732, %broadcast_in_dim3A_718, %broadcast_in_dim3A_720 : vector<16xi1>, vector<16xi32>
        %le3A_735 = arith.cmpf ole, %get3A_697, %get3A_702 : vector<16xf32>
        %min3A_736 = arith.minimumf %get3A_697, %get3A_702 : vector<16xf32>
        %select_n3A_737 = arith.select %le3A_735, %broadcast_in_dim3A_722, %broadcast_in_dim3A_724 : vector<16xi1>, vector<16xi32>
        %le3A_738 = arith.cmpf ole, %get3A_707, %get3A_712 : vector<16xf32>
        %min3A_739 = arith.minimumf %get3A_707, %get3A_712 : vector<16xf32>
        %select_n3A_740 = arith.select %le3A_738, %broadcast_in_dim3A_726, %broadcast_in_dim3A_728 : vector<16xi1>, vector<16xi32>
        %le3A_741 = arith.cmpf ole, %min3A_730, %min3A_733 : vector<16xf32>
        %min3A_742 = arith.minimumf %min3A_730, %min3A_733 : vector<16xf32>
        %select_n3A_743 = arith.select %le3A_741, %select_n3A_731, %select_n3A_734 : vector<16xi1>, vector<16xi32>
        %le3A_744 = arith.cmpf ole, %min3A_736, %min3A_739 : vector<16xf32>
        %min3A_745 = arith.minimumf %min3A_736, %min3A_739 : vector<16xf32>
        %select_n3A_746 = arith.select %le3A_744, %select_n3A_737, %select_n3A_740 : vector<16xi1>, vector<16xi32>
        %le3A_747 = arith.cmpf ole, %min3A_742, %min3A_745 : vector<16xf32>
        %min3A_748 = arith.minimumf %min3A_742, %min3A_745 : vector<16xf32>
        %select_n3A_749 = arith.select %le3A_747, %select_n3A_743, %select_n3A_746 : vector<16xi1>, vector<16xi32>
        %lt3A_750 = arith.cmpf olt, %min3A_748, %select_n3A_670 : vector<16xf32>
        %select_n3A_751 = arith.select %lt3A_750, %min3A_748, %select_n3A_670 : vector<16xi1>, vector<16xf32>
        %add3A_752 = arith.addi %add3A_118, %select_n3A_749 : vector<16xi32>
        %select_n3A_753 = arith.select %lt3A_750, %add3A_752, %select_n3A_672 : vector<16xi1>, vector<16xi32>
        %get3A_754 = arith.constant 56 : i32
        %get3A_755 = arith.index_cast %get3A_754 : i32 to index
        %get3A_756 = arith.index_cast %mul3A_183 : i32 to index
        %get3A_757 = tpu.vector_load %arg4[%get3A_755, %get3A_756] {strides = array<i32>} : memref<64x576xf32, #tpu.memory_space<vmem>>, vector<1x16xf32>,
        %get3A_758 = vector.shape_cast %get3A_757 : vector<1x16xf32> to vector<16xf32>
        %get3A_759 = arith.constant 57 : i32
        %get3A_760 = arith.index_cast %get3A_759 : i32 to index
        %get3A_761 = arith.index_cast %mul3A_183 : i32 to index
        %get3A_762 = tpu.vector_load %arg4[%get3A_760, %get3A_761] {strides = array<i32>} : memref<64x576xf32, #tpu.memory_space<vmem>>, vector<1x16xf32>,
        %get3A_763 = vector.shape_cast %get3A_762 : vector<1x16xf32> to vector<16xf32>
        %get3A_764 = arith.constant 58 : i32
        %get3A_765 = arith.index_cast %get3A_764 : i32 to index
        %get3A_766 = arith.index_cast %mul3A_183 : i32 to index
        %get3A_767 = tpu.vector_load %arg4[%get3A_765, %get3A_766] {strides = array<i32>} : memref<64x576xf32, #tpu.memory_space<vmem>>, vector<1x16xf32>,
        %get3A_768 = vector.shape_cast %get3A_767 : vector<1x16xf32> to vector<16xf32>
        %get3A_769 = arith.constant 59 : i32
        %get3A_770 = arith.index_cast %get3A_769 : i32 to index
        %get3A_771 = arith.index_cast %mul3A_183 : i32 to index
        %get3A_772 = tpu.vector_load %arg4[%get3A_770, %get3A_771] {strides = array<i32>} : memref<64x576xf32, #tpu.memory_space<vmem>>, vector<1x16xf32>,
        %get3A_773 = vector.shape_cast %get3A_772 : vector<1x16xf32> to vector<16xf32>
        %get3A_774 = arith.constant 60 : i32
        %get3A_775 = arith.index_cast %get3A_774 : i32 to index
        %get3A_776 = arith.index_cast %mul3A_183 : i32 to index
        %get3A_777 = tpu.vector_load %arg4[%get3A_775, %get3A_776] {strides = array<i32>} : memref<64x576xf32, #tpu.memory_space<vmem>>, vector<1x16xf32>,
        %get3A_778 = vector.shape_cast %get3A_777 : vector<1x16xf32> to vector<16xf32>
        %get3A_779 = arith.constant 61 : i32
        %get3A_780 = arith.index_cast %get3A_779 : i32 to index
        %get3A_781 = arith.index_cast %mul3A_183 : i32 to index
        %get3A_782 = tpu.vector_load %arg4[%get3A_780, %get3A_781] {strides = array<i32>} : memref<64x576xf32, #tpu.memory_space<vmem>>, vector<1x16xf32>,
        %get3A_783 = vector.shape_cast %get3A_782 : vector<1x16xf32> to vector<16xf32>
        %get3A_784 = arith.constant 62 : i32
        %get3A_785 = arith.index_cast %get3A_784 : i32 to index
        %get3A_786 = arith.index_cast %mul3A_183 : i32 to index
        %get3A_787 = tpu.vector_load %arg4[%get3A_785, %get3A_786] {strides = array<i32>} : memref<64x576xf32, #tpu.memory_space<vmem>>, vector<1x16xf32>,
        %get3A_788 = vector.shape_cast %get3A_787 : vector<1x16xf32> to vector<16xf32>
        %get3A_789 = arith.constant 63 : i32
        %get3A_790 = arith.index_cast %get3A_789 : i32 to index
        %get3A_791 = arith.index_cast %mul3A_183 : i32 to index
        %get3A_792 = tpu.vector_load %arg4[%get3A_790, %get3A_791] {strides = array<i32>} : memref<64x576xf32, #tpu.memory_space<vmem>>, vector<1x16xf32>,
        %get3A_793 = vector.shape_cast %get3A_792 : vector<1x16xf32> to vector<16xf32>
        %broadcast_in_dim3A_794 = arith.constant 0 : i32
        %broadcast_in_dim3A_795 = vector.broadcast %broadcast_in_dim3A_794 : i32 to vector<16xi32>
        %broadcast_in_dim3A_796 = arith.constant 1 : i32
        %broadcast_in_dim3A_797 = vector.broadcast %broadcast_in_dim3A_796 : i32 to vector<16xi32>
        %broadcast_in_dim3A_798 = arith.constant 2 : i32
        %broadcast_in_dim3A_799 = vector.broadcast %broadcast_in_dim3A_798 : i32 to vector<16xi32>
        %broadcast_in_dim3A_800 = arith.constant 3 : i32
        %broadcast_in_dim3A_801 = vector.broadcast %broadcast_in_dim3A_800 : i32 to vector<16xi32>
        %broadcast_in_dim3A_802 = arith.constant 4 : i32
        %broadcast_in_dim3A_803 = vector.broadcast %broadcast_in_dim3A_802 : i32 to vector<16xi32>
        %broadcast_in_dim3A_804 = arith.constant 5 : i32
        %broadcast_in_dim3A_805 = vector.broadcast %broadcast_in_dim3A_804 : i32 to vector<16xi32>
        %broadcast_in_dim3A_806 = arith.constant 6 : i32
        %broadcast_in_dim3A_807 = vector.broadcast %broadcast_in_dim3A_806 : i32 to vector<16xi32>
        %broadcast_in_dim3A_808 = arith.constant 7 : i32
        %broadcast_in_dim3A_809 = vector.broadcast %broadcast_in_dim3A_808 : i32 to vector<16xi32>
        %le3A_810 = arith.cmpf ole, %get3A_758, %get3A_763 : vector<16xf32>
        %min3A_811 = arith.minimumf %get3A_758, %get3A_763 : vector<16xf32>
        %select_n3A_812 = arith.select %le3A_810, %broadcast_in_dim3A_795, %broadcast_in_dim3A_797 : vector<16xi1>, vector<16xi32>
        %le3A_813 = arith.cmpf ole, %get3A_768, %get3A_773 : vector<16xf32>
        %min3A_814 = arith.minimumf %get3A_768, %get3A_773 : vector<16xf32>
        %select_n3A_815 = arith.select %le3A_813, %broadcast_in_dim3A_799, %broadcast_in_dim3A_801 : vector<16xi1>, vector<16xi32>
        %le3A_816 = arith.cmpf ole, %get3A_778, %get3A_783 : vector<16xf32>
        %min3A_817 = arith.minimumf %get3A_778, %get3A_783 : vector<16xf32>
        %select_n3A_818 = arith.select %le3A_816, %broadcast_in_dim3A_803, %broadcast_in_dim3A_805 : vector<16xi1>, vector<16xi32>
        %le3A_819 = arith.cmpf ole, %get3A_788, %get3A_793 : vector<16xf32>
        %min3A_820 = arith.minimumf %get3A_788, %get3A_793 : vector<16xf32>
        %select_n3A_821 = arith.select %le3A_819, %broadcast_in_dim3A_807, %broadcast_in_dim3A_809 : vector<16xi1>, vector<16xi32>
        %le3A_822 = arith.cmpf ole, %min3A_811, %min3A_814 : vector<16xf32>
        %min3A_823 = arith.minimumf %min3A_811, %min3A_814 : vector<16xf32>
        %select_n3A_824 = arith.select %le3A_822, %select_n3A_812, %select_n3A_815 : vector<16xi1>, vector<16xi32>
        %le3A_825 = arith.cmpf ole, %min3A_817, %min3A_820 : vector<16xf32>
        %min3A_826 = arith.minimumf %min3A_817, %min3A_820 : vector<16xf32>
        %select_n3A_827 = arith.select %le3A_825, %select_n3A_818, %select_n3A_821 : vector<16xi1>, vector<16xi32>
        %le3A_828 = arith.cmpf ole, %min3A_823, %min3A_826 : vector<16xf32>
        %min3A_829 = arith.minimumf %min3A_823, %min3A_826 : vector<16xf32>
        %select_n3A_830 = arith.select %le3A_828, %select_n3A_824, %select_n3A_827 : vector<16xi1>, vector<16xi32>
        %lt3A_831 = arith.cmpf olt, %min3A_829, %select_n3A_751 : vector<16xf32>
        %select_n3A_832 = arith.select %lt3A_831, %min3A_829, %select_n3A_751 : vector<16xi1>, vector<16xf32>
        %add3A_833 = arith.addi %add3A_121, %select_n3A_830 : vector<16xi32>
        %select_n3A_834 = arith.select %lt3A_831, %add3A_833, %select_n3A_753 : vector<16xi1>, vector<16xi32>
        %swap3A = arith.index_cast %mul3A_183 : i32 to index
        %swap3A_835 = tpu.vector_load %arg6[%swap3A] {strides = array<i32>} : memref<640xf32, #tpu.memory_space<vmem>>, vector<16xf32>,
        %swap3A_836 = vector.shape_cast %swap3A_835 : vector<16xf32> to vector<16xf32>
        %swap3A_837 = vector.shape_cast %select_n3A_832 : vector<16xf32> to vector<16xf32>
        tpu.vector_store %arg6[%swap3A], %swap3A_837 {strides = array<i32>} : memref<640xf32, #tpu.memory_space<vmem>>, vector<16xf32>,
        %swap3A_838 = arith.index_cast %mul3A_183 : i32 to index
        %swap3A_839 = tpu.vector_load %arg7[%swap3A_838] {strides = array<i32>} : memref<640xi32, #tpu.memory_space<vmem>>, vector<16xi32>,
        %swap3A_840 = vector.shape_cast %swap3A_839 : vector<16xi32> to vector<16xi32>
        %swap3A_841 = vector.shape_cast %select_n3A_834 : vector<16xi32> to vector<16xi32>
        tpu.vector_store %arg7[%swap3A_838], %swap3A_841 {strides = array<i32>} : memref<640xi32, #tpu.memory_space<vmem>>, vector<16xi32>,
        %scan3A_842 = arith.constant 0 : i32
        scf.yield %scan3A_842 : i32
      }
      %scan3A_128 = arith.constant 36 : i32
      %lt3A_129 = arith.constant 15 : i32
      %lt3A_130 = arith.cmpi slt, %scan3A_73, %lt3A_129 : i32
      %convert_element_type3A_131 = arith.extui %lt3A_130 : i1 to i32
      %cond3A_132 = arith.constant 0 : i32
      %cond3A_133 = arith.cmpi ne, %convert_element_type3A_131, %cond3A_132 : i32
      scf.if %cond3A_133 {
        %add3A_180 = arith.constant 2 : i32
        %add3A_181 = arith.addi %multiple_of3A, %add3A_180 : i32
        %mul3A_182 = arith.constant 64 : i32
        %mul3A_183 = arith.muli %add3A_181, %mul3A_182 : i32
        %add3A_184 = arith.addi %mul3A_32, %mul3A_183 : i32
        %dma_start3A_185 = arith.constant 0 : i32
        %dma_start3A_186 = tpu.memref_slice %arg2[%add3A, %add3A_184, %dma_start3A_185] : memref<8x8192x576xf32, #tpu.memory_space<hbm>> -> memref<1x64x576xf32, #tpu.memory_space<hbm>>
        %dma_start3A_187 = tpu.memref_squeeze %dma_start3A_186 : memref<1x64x576xf32, #tpu.memory_space<hbm>> -> memref<64x576xf32, #tpu.memory_space<hbm>>
        %dma_start3A_188 = arith.constant 0 : i32
        %dma_start3A_189 = tpu.memref_slice %arg2[%add3A, %add3A_184, %dma_start3A_188] : memref<8x8192x576xf32, #tpu.memory_space<hbm>> -> memref<1x64x576xf32, #tpu.memory_space<hbm>>
        %dma_start3A_190 = tpu.memref_squeeze %dma_start3A_189 : memref<1x64x576xf32, #tpu.memory_space<hbm>> -> memref<64x576xf32, #tpu.memory_space<hbm>>
        tpu.enqueue_dma source(%dma_start3A_190 : memref<64x576xf32, #tpu.memory_space<hbm>>) target(%arg4 : memref<64x576xf32, #tpu.memory_space<vmem>>) target_semaphore(%arg13 : memref<!tpu.dma_semaphore, #tpu.memory_space<semaphore_mem>>)
      } else {
      }
      %dma_wait3A_134 = arith.constant 0 : i32
      %dma_wait3A_135 = arith.constant 0 : i32
      %dma_wait3A_136 = tpu.memref_slice %arg2[%add3A, %dma_wait3A_134, %dma_wait3A_135] : memref<8x8192x576xf32, #tpu.memory_space<hbm>> -> memref<1x64x576xf32, #tpu.memory_space<hbm>>
      %dma_wait3A_137 = tpu.memref_squeeze %dma_wait3A_136 : memref<1x64x576xf32, #tpu.memory_space<hbm>> -> memref<64x576xf32, #tpu.memory_space<hbm>>
      %dma_wait3A_138 = arith.constant 0 : i32
      %dma_wait3A_139 = arith.constant 0 : i32
      %dma_wait3A_140 = tpu.memref_slice %arg2[%add3A, %dma_wait3A_138, %dma_wait3A_139] : memref<8x8192x576xf32, #tpu.memory_space<hbm>> -> memref<1x64x576xf32, #tpu.memory_space<hbm>>
      %dma_wait3A_141 = tpu.memref_squeeze %dma_wait3A_140 : memref<1x64x576xf32, #tpu.memory_space<hbm>> -> memref<64x576xf32, #tpu.memory_space<hbm>>
      tpu.wait_dma2 semaphore(%arg14 : memref<!tpu.dma_semaphore, #tpu.memory_space<semaphore_mem>>) src(%dma_wait3A_141 : memref<64x576xf32, #tpu.memory_space<hbm>>) dst(%arg5 : memref<64x576xf32, #tpu.memory_space<vmem>>)
      %add3A_142 = arith.constant 1 : i32
      %add3A_143 = arith.addi %multiple_of3A, %add3A_142 : i32
      %mul3A_144 = arith.constant 64 : i32
      %mul3A_145 = arith.muli %add3A_143, %mul3A_144 : i32
      %add3A_146 = arith.addi %mul3A_32, %mul3A_145 : i32
      %broadcast_in_dim3A_147 = vector.broadcast %add3A_146 : i32 to vector<16xi32>
      %broadcast_in_dim3A_148 = arith.constant 0 : i32
      %broadcast_in_dim3A_149 = vector.broadcast %broadcast_in_dim3A_148 : i32 to vector<16xi32>
      %add3A_150 = arith.addi %broadcast_in_dim3A_147, %broadcast_in_dim3A_149 : vector<16xi32>
      %broadcast_in_dim3A_151 = arith.constant 8 : i32
      %broadcast_in_dim3A_152 = vector.broadcast %broadcast_in_dim3A_151 : i32 to vector<16xi32>
      %add3A_153 = arith.addi %broadcast_in_dim3A_147, %broadcast_in_dim3A_152 : vector<16xi32>
      %broadcast_in_dim3A_154 = arith.constant 16 : i32
      %broadcast_in_dim3A_155 = vector.broadcast %broadcast_in_dim3A_154 : i32 to vector<16xi32>
      %add3A_156 = arith.addi %broadcast_in_dim3A_147, %broadcast_in_dim3A_155 : vector<16xi32>
      %broadcast_in_dim3A_157 = arith.constant 24 : i32
      %broadcast_in_dim3A_158 = vector.broadcast %broadcast_in_dim3A_157 : i32 to vector<16xi32>
      %add3A_159 = arith.addi %broadcast_in_dim3A_147, %broadcast_in_dim3A_158 : vector<16xi32>
      %broadcast_in_dim3A_160 = arith.constant 32 : i32
      %broadcast_in_dim3A_161 = vector.broadcast %broadcast_in_dim3A_160 : i32 to vector<16xi32>
      %add3A_162 = arith.addi %broadcast_in_dim3A_147, %broadcast_in_dim3A_161 : vector<16xi32>
      %broadcast_in_dim3A_163 = arith.constant 40 : i32
      %broadcast_in_dim3A_164 = vector.broadcast %broadcast_in_dim3A_163 : i32 to vector<16xi32>
      %add3A_165 = arith.addi %broadcast_in_dim3A_147, %broadcast_in_dim3A_164 : vector<16xi32>
      %broadcast_in_dim3A_166 = arith.constant 48 : i32
      %broadcast_in_dim3A_167 = vector.broadcast %broadcast_in_dim3A_166 : i32 to vector<16xi32>
      %add3A_168 = arith.addi %broadcast_in_dim3A_147, %broadcast_in_dim3A_167 : vector<16xi32>
      %broadcast_in_dim3A_169 = arith.constant 56 : i32
      %broadcast_in_dim3A_170 = vector.broadcast %broadcast_in_dim3A_169 : i32 to vector<16xi32>
      %add3A_171 = arith.addi %broadcast_in_dim3A_147, %broadcast_in_dim3A_170 : vector<16xi32>
      %scan3A_172 = arith.constant 0 : i32
      %scan3A_173 = arith.constant 0 : i32
      %scan3A_174 = arith.constant 36 : i32
      %scan3A_175 = arith.addi %scan3A_173, %scan3A_174 : i32
      %scan3A_176 = arith.constant 1 : i32
      %scan3A_177 = scf.for %scan3A_180 = %scan3A_173 to %scan3A_175 step %scan3A_176 iter_args(%scan3A_181 = %scan3A_172) -> (i32)  : i32 {
        %mul3A_182 = arith.constant 16 : i32
        %mul3A_183 = arith.muli %scan3A_180, %mul3A_182 : i32
        %get3A = arith.index_cast %mul3A_183 : i32 to index
        %get3A_184 = tpu.vector_load %arg6[%get3A] {strides = array<i32>} : memref<640xf32, #tpu.memory_space<vmem>>, vector<16xf32>,
        %get3A_185 = vector.shape_cast %get3A_184 : vector<16xf32> to vector<16xf32>
        %get3A_186 = arith.index_cast %mul3A_183 : i32 to index
        %get3A_187 = tpu.vector_load %arg7[%get3A_186] {strides = array<i32>} : memref<640xi32, #tpu.memory_space<vmem>>, vector<16xi32>,
        %get3A_188 = vector.shape_cast %get3A_187 : vector<16xi32> to vector<16xi32>
        %get3A_189 = arith.constant 0 : i32
        %get3A_190 = arith.index_cast %get3A_189 : i32 to index
        %get3A_191 = arith.index_cast %mul3A_183 : i32 to index
        %get3A_192 = tpu.vector_load %arg5[%get3A_190, %get3A_191] {strides = array<i32>} : memref<64x576xf32, #tpu.memory_space<vmem>>, vector<1x16xf32>,
        %get3A_193 = vector.shape_cast %get3A_192 : vector<1x16xf32> to vector<16xf32>
        %get3A_194 = arith.constant 1 : i32
        %get3A_195 = arith.index_cast %get3A_194 : i32 to index
        %get3A_196 = arith.index_cast %mul3A_183 : i32 to index
        %get3A_197 = tpu.vector_load %arg5[%get3A_195, %get3A_196] {strides = array<i32>} : memref<64x576xf32, #tpu.memory_space<vmem>>, vector<1x16xf32>,
        %get3A_198 = vector.shape_cast %get3A_197 : vector<1x16xf32> to vector<16xf32>
        %get3A_199 = arith.constant 2 : i32
        %get3A_200 = arith.index_cast %get3A_199 : i32 to index
        %get3A_201 = arith.index_cast %mul3A_183 : i32 to index
        %get3A_202 = tpu.vector_load %arg5[%get3A_200, %get3A_201] {strides = array<i32>} : memref<64x576xf32, #tpu.memory_space<vmem>>, vector<1x16xf32>,
        %get3A_203 = vector.shape_cast %get3A_202 : vector<1x16xf32> to vector<16xf32>
        %get3A_204 = arith.constant 3 : i32
        %get3A_205 = arith.index_cast %get3A_204 : i32 to index
        %get3A_206 = arith.index_cast %mul3A_183 : i32 to index
        %get3A_207 = tpu.vector_load %arg5[%get3A_205, %get3A_206] {strides = array<i32>} : memref<64x576xf32, #tpu.memory_space<vmem>>, vector<1x16xf32>,
        %get3A_208 = vector.shape_cast %get3A_207 : vector<1x16xf32> to vector<16xf32>
        %get3A_209 = arith.constant 4 : i32
        %get3A_210 = arith.index_cast %get3A_209 : i32 to index
        %get3A_211 = arith.index_cast %mul3A_183 : i32 to index
        %get3A_212 = tpu.vector_load %arg5[%get3A_210, %get3A_211] {strides = array<i32>} : memref<64x576xf32, #tpu.memory_space<vmem>>, vector<1x16xf32>,
        %get3A_213 = vector.shape_cast %get3A_212 : vector<1x16xf32> to vector<16xf32>
        %get3A_214 = arith.constant 5 : i32
        %get3A_215 = arith.index_cast %get3A_214 : i32 to index
        %get3A_216 = arith.index_cast %mul3A_183 : i32 to index
        %get3A_217 = tpu.vector_load %arg5[%get3A_215, %get3A_216] {strides = array<i32>} : memref<64x576xf32, #tpu.memory_space<vmem>>, vector<1x16xf32>,
        %get3A_218 = vector.shape_cast %get3A_217 : vector<1x16xf32> to vector<16xf32>
        %get3A_219 = arith.constant 6 : i32
        %get3A_220 = arith.index_cast %get3A_219 : i32 to index
        %get3A_221 = arith.index_cast %mul3A_183 : i32 to index
        %get3A_222 = tpu.vector_load %arg5[%get3A_220, %get3A_221] {strides = array<i32>} : memref<64x576xf32, #tpu.memory_space<vmem>>, vector<1x16xf32>,
        %get3A_223 = vector.shape_cast %get3A_222 : vector<1x16xf32> to vector<16xf32>
        %get3A_224 = arith.constant 7 : i32
        %get3A_225 = arith.index_cast %get3A_224 : i32 to index
        %get3A_226 = arith.index_cast %mul3A_183 : i32 to index
        %get3A_227 = tpu.vector_load %arg5[%get3A_225, %get3A_226] {strides = array<i32>} : memref<64x576xf32, #tpu.memory_space<vmem>>, vector<1x16xf32>,
        %get3A_228 = vector.shape_cast %get3A_227 : vector<1x16xf32> to vector<16xf32>
        %broadcast_in_dim3A_229 = arith.constant 0 : i32
        %broadcast_in_dim3A_230 = vector.broadcast %broadcast_in_dim3A_229 : i32 to vector<16xi32>
        %broadcast_in_dim3A_231 = arith.constant 1 : i32
        %broadcast_in_dim3A_232 = vector.broadcast %broadcast_in_dim3A_231 : i32 to vector<16xi32>
        %broadcast_in_dim3A_233 = arith.constant 2 : i32
        %broadcast_in_dim3A_234 = vector.broadcast %broadcast_in_dim3A_233 : i32 to vector<16xi32>
        %broadcast_in_dim3A_235 = arith.constant 3 : i32
        %broadcast_in_dim3A_236 = vector.broadcast %broadcast_in_dim3A_235 : i32 to vector<16xi32>
        %broadcast_in_dim3A_237 = arith.constant 4 : i32
        %broadcast_in_dim3A_238 = vector.broadcast %broadcast_in_dim3A_237 : i32 to vector<16xi32>
        %broadcast_in_dim3A_239 = arith.constant 5 : i32
        %broadcast_in_dim3A_240 = vector.broadcast %broadcast_in_dim3A_239 : i32 to vector<16xi32>
        %broadcast_in_dim3A_241 = arith.constant 6 : i32
        %broadcast_in_dim3A_242 = vector.broadcast %broadcast_in_dim3A_241 : i32 to vector<16xi32>
        %broadcast_in_dim3A_243 = arith.constant 7 : i32
        %broadcast_in_dim3A_244 = vector.broadcast %broadcast_in_dim3A_243 : i32 to vector<16xi32>
        %le3A = arith.cmpf ole, %get3A_193, %get3A_198 : vector<16xf32>
        %min3A = arith.minimumf %get3A_193, %get3A_198 : vector<16xf32>
        %select_n3A_245 = arith.select %le3A, %broadcast_in_dim3A_230, %broadcast_in_dim3A_232 : vector<16xi1>, vector<16xi32>
        %le3A_246 = arith.cmpf ole, %get3A_203, %get3A_208 : vector<16xf32>
        %min3A_247 = arith.minimumf %get3A_203, %get3A_208 : vector<16xf32>
        %select_n3A_248 = arith.select %le3A_246, %broadcast_in_dim3A_234, %broadcast_in_dim3A_236 : vector<16xi1>, vector<16xi32>
        %le3A_249 = arith.cmpf ole, %get3A_213, %get3A_218 : vector<16xf32>
        %min3A_250 = arith.minimumf %get3A_213, %get3A_218 : vector<16xf32>
        %select_n3A_251 = arith.select %le3A_249, %broadcast_in_dim3A_238, %broadcast_in_dim3A_240 : vector<16xi1>, vector<16xi32>
        %le3A_252 = arith.cmpf ole, %get3A_223, %get3A_228 : vector<16xf32>
        %min3A_253 = arith.minimumf %get3A_223, %get3A_228 : vector<16xf32>
        %select_n3A_254 = arith.select %le3A_252, %broadcast_in_dim3A_242, %broadcast_in_dim3A_244 : vector<16xi1>, vector<16xi32>
        %le3A_255 = arith.cmpf ole, %min3A, %min3A_247 : vector<16xf32>
        %min3A_256 = arith.minimumf %min3A, %min3A_247 : vector<16xf32>
        %select_n3A_257 = arith.select %le3A_255, %select_n3A_245, %select_n3A_248 : vector<16xi1>, vector<16xi32>
        %le3A_258 = arith.cmpf ole, %min3A_250, %min3A_253 : vector<16xf32>
        %min3A_259 = arith.minimumf %min3A_250, %min3A_253 : vector<16xf32>
        %select_n3A_260 = arith.select %le3A_258, %select_n3A_251, %select_n3A_254 : vector<16xi1>, vector<16xi32>
        %le3A_261 = arith.cmpf ole, %min3A_256, %min3A_259 : vector<16xf32>
        %min3A_262 = arith.minimumf %min3A_256, %min3A_259 : vector<16xf32>
        %select_n3A_263 = arith.select %le3A_261, %select_n3A_257, %select_n3A_260 : vector<16xi1>, vector<16xi32>
        %lt3A_264 = arith.cmpf olt, %min3A_262, %get3A_185 : vector<16xf32>
        %select_n3A_265 = arith.select %lt3A_264, %min3A_262, %get3A_185 : vector<16xi1>, vector<16xf32>
        %add3A_266 = arith.addi %add3A_150, %select_n3A_263 : vector<16xi32>
        %select_n3A_267 = arith.select %lt3A_264, %add3A_266, %get3A_188 : vector<16xi1>, vector<16xi32>
        %get3A_268 = arith.constant 8 : i32
        %get3A_269 = arith.index_cast %get3A_268 : i32 to index
        %get3A_270 = arith.index_cast %mul3A_183 : i32 to index
        %get3A_271 = tpu.vector_load %arg5[%get3A_269, %get3A_270] {strides = array<i32>} : memref<64x576xf32, #tpu.memory_space<vmem>>, vector<1x16xf32>,
        %get3A_272 = vector.shape_cast %get3A_271 : vector<1x16xf32> to vector<16xf32>
        %get3A_273 = arith.constant 9 : i32
        %get3A_274 = arith.index_cast %get3A_273 : i32 to index
        %get3A_275 = arith.index_cast %mul3A_183 : i32 to index
        %get3A_276 = tpu.vector_load %arg5[%get3A_274, %get3A_275] {strides = array<i32>} : memref<64x576xf32, #tpu.memory_space<vmem>>, vector<1x16xf32>,
        %get3A_277 = vector.shape_cast %get3A_276 : vector<1x16xf32> to vector<16xf32>
        %get3A_278 = arith.constant 10 : i32
        %get3A_279 = arith.index_cast %get3A_278 : i32 to index
        %get3A_280 = arith.index_cast %mul3A_183 : i32 to index
        %get3A_281 = tpu.vector_load %arg5[%get3A_279, %get3A_280] {strides = array<i32>} : memref<64x576xf32, #tpu.memory_space<vmem>>, vector<1x16xf32>,
        %get3A_282 = vector.shape_cast %get3A_281 : vector<1x16xf32> to vector<16xf32>
        %get3A_283 = arith.constant 11 : i32
        %get3A_284 = arith.index_cast %get3A_283 : i32 to index
        %get3A_285 = arith.index_cast %mul3A_183 : i32 to index
        %get3A_286 = tpu.vector_load %arg5[%get3A_284, %get3A_285] {strides = array<i32>} : memref<64x576xf32, #tpu.memory_space<vmem>>, vector<1x16xf32>,
        %get3A_287 = vector.shape_cast %get3A_286 : vector<1x16xf32> to vector<16xf32>
        %get3A_288 = arith.constant 12 : i32
        %get3A_289 = arith.index_cast %get3A_288 : i32 to index
        %get3A_290 = arith.index_cast %mul3A_183 : i32 to index
        %get3A_291 = tpu.vector_load %arg5[%get3A_289, %get3A_290] {strides = array<i32>} : memref<64x576xf32, #tpu.memory_space<vmem>>, vector<1x16xf32>,
        %get3A_292 = vector.shape_cast %get3A_291 : vector<1x16xf32> to vector<16xf32>
        %get3A_293 = arith.constant 13 : i32
        %get3A_294 = arith.index_cast %get3A_293 : i32 to index
        %get3A_295 = arith.index_cast %mul3A_183 : i32 to index
        %get3A_296 = tpu.vector_load %arg5[%get3A_294, %get3A_295] {strides = array<i32>} : memref<64x576xf32, #tpu.memory_space<vmem>>, vector<1x16xf32>,
        %get3A_297 = vector.shape_cast %get3A_296 : vector<1x16xf32> to vector<16xf32>
        %get3A_298 = arith.constant 14 : i32
        %get3A_299 = arith.index_cast %get3A_298 : i32 to index
        %get3A_300 = arith.index_cast %mul3A_183 : i32 to index
        %get3A_301 = tpu.vector_load %arg5[%get3A_299, %get3A_300] {strides = array<i32>} : memref<64x576xf32, #tpu.memory_space<vmem>>, vector<1x16xf32>,
        %get3A_302 = vector.shape_cast %get3A_301 : vector<1x16xf32> to vector<16xf32>
        %get3A_303 = arith.constant 15 : i32
        %get3A_304 = arith.index_cast %get3A_303 : i32 to index
        %get3A_305 = arith.index_cast %mul3A_183 : i32 to index
        %get3A_306 = tpu.vector_load %arg5[%get3A_304, %get3A_305] {strides = array<i32>} : memref<64x576xf32, #tpu.memory_space<vmem>>, vector<1x16xf32>,
        %get3A_307 = vector.shape_cast %get3A_306 : vector<1x16xf32> to vector<16xf32>
        %broadcast_in_dim3A_308 = arith.constant 0 : i32
        %broadcast_in_dim3A_309 = vector.broadcast %broadcast_in_dim3A_308 : i32 to vector<16xi32>
        %broadcast_in_dim3A_310 = arith.constant 1 : i32
        %broadcast_in_dim3A_311 = vector.broadcast %broadcast_in_dim3A_310 : i32 to vector<16xi32>
        %broadcast_in_dim3A_312 = arith.constant 2 : i32
        %broadcast_in_dim3A_313 = vector.broadcast %broadcast_in_dim3A_312 : i32 to vector<16xi32>
        %broadcast_in_dim3A_314 = arith.constant 3 : i32
        %broadcast_in_dim3A_315 = vector.broadcast %broadcast_in_dim3A_314 : i32 to vector<16xi32>
        %broadcast_in_dim3A_316 = arith.constant 4 : i32
        %broadcast_in_dim3A_317 = vector.broadcast %broadcast_in_dim3A_316 : i32 to vector<16xi32>
        %broadcast_in_dim3A_318 = arith.constant 5 : i32
        %broadcast_in_dim3A_319 = vector.broadcast %broadcast_in_dim3A_318 : i32 to vector<16xi32>
        %broadcast_in_dim3A_320 = arith.constant 6 : i32
        %broadcast_in_dim3A_321 = vector.broadcast %broadcast_in_dim3A_320 : i32 to vector<16xi32>
        %broadcast_in_dim3A_322 = arith.constant 7 : i32
        %broadcast_in_dim3A_323 = vector.broadcast %broadcast_in_dim3A_322 : i32 to vector<16xi32>
        %le3A_324 = arith.cmpf ole, %get3A_272, %get3A_277 : vector<16xf32>
        %min3A_325 = arith.minimumf %get3A_272, %get3A_277 : vector<16xf32>
        %select_n3A_326 = arith.select %le3A_324, %broadcast_in_dim3A_309, %broadcast_in_dim3A_311 : vector<16xi1>, vector<16xi32>
        %le3A_327 = arith.cmpf ole, %get3A_282, %get3A_287 : vector<16xf32>
        %min3A_328 = arith.minimumf %get3A_282, %get3A_287 : vector<16xf32>
        %select_n3A_329 = arith.select %le3A_327, %broadcast_in_dim3A_313, %broadcast_in_dim3A_315 : vector<16xi1>, vector<16xi32>
        %le3A_330 = arith.cmpf ole, %get3A_292, %get3A_297 : vector<16xf32>
        %min3A_331 = arith.minimumf %get3A_292, %get3A_297 : vector<16xf32>
        %select_n3A_332 = arith.select %le3A_330, %broadcast_in_dim3A_317, %broadcast_in_dim3A_319 : vector<16xi1>, vector<16xi32>
        %le3A_333 = arith.cmpf ole, %get3A_302, %get3A_307 : vector<16xf32>
        %min3A_334 = arith.minimumf %get3A_302, %get3A_307 : vector<16xf32>
        %select_n3A_335 = arith.select %le3A_333, %broadcast_in_dim3A_321, %broadcast_in_dim3A_323 : vector<16xi1>, vector<16xi32>
        %le3A_336 = arith.cmpf ole, %min3A_325, %min3A_328 : vector<16xf32>
        %min3A_337 = arith.minimumf %min3A_325, %min3A_328 : vector<16xf32>
        %select_n3A_338 = arith.select %le3A_336, %select_n3A_326, %select_n3A_329 : vector<16xi1>, vector<16xi32>
        %le3A_339 = arith.cmpf ole, %min3A_331, %min3A_334 : vector<16xf32>
        %min3A_340 = arith.minimumf %min3A_331, %min3A_334 : vector<16xf32>
        %select_n3A_341 = arith.select %le3A_339, %select_n3A_332, %select_n3A_335 : vector<16xi1>, vector<16xi32>
        %le3A_342 = arith.cmpf ole, %min3A_337, %min3A_340 : vector<16xf32>
        %min3A_343 = arith.minimumf %min3A_337, %min3A_340 : vector<16xf32>
        %select_n3A_344 = arith.select %le3A_342, %select_n3A_338, %select_n3A_341 : vector<16xi1>, vector<16xi32>
        %lt3A_345 = arith.cmpf olt, %min3A_343, %select_n3A_265 : vector<16xf32>
        %select_n3A_346 = arith.select %lt3A_345, %min3A_343, %select_n3A_265 : vector<16xi1>, vector<16xf32>
        %add3A_347 = arith.addi %add3A_153, %select_n3A_344 : vector<16xi32>
        %select_n3A_348 = arith.select %lt3A_345, %add3A_347, %select_n3A_267 : vector<16xi1>, vector<16xi32>
        %get3A_349 = arith.constant 16 : i32
        %get3A_350 = arith.index_cast %get3A_349 : i32 to index
        %get3A_351 = arith.index_cast %mul3A_183 : i32 to index
        %get3A_352 = tpu.vector_load %arg5[%get3A_350, %get3A_351] {strides = array<i32>} : memref<64x576xf32, #tpu.memory_space<vmem>>, vector<1x16xf32>,
        %get3A_353 = vector.shape_cast %get3A_352 : vector<1x16xf32> to vector<16xf32>
        %get3A_354 = arith.constant 17 : i32
        %get3A_355 = arith.index_cast %get3A_354 : i32 to index
        %get3A_356 = arith.index_cast %mul3A_183 : i32 to index
        %get3A_357 = tpu.vector_load %arg5[%get3A_355, %get3A_356] {strides = array<i32>} : memref<64x576xf32, #tpu.memory_space<vmem>>, vector<1x16xf32>,
        %get3A_358 = vector.shape_cast %get3A_357 : vector<1x16xf32> to vector<16xf32>
        %get3A_359 = arith.constant 18 : i32
        %get3A_360 = arith.index_cast %get3A_359 : i32 to index
        %get3A_361 = arith.index_cast %mul3A_183 : i32 to index
        %get3A_362 = tpu.vector_load %arg5[%get3A_360, %get3A_361] {strides = array<i32>} : memref<64x576xf32, #tpu.memory_space<vmem>>, vector<1x16xf32>,
        %get3A_363 = vector.shape_cast %get3A_362 : vector<1x16xf32> to vector<16xf32>
        %get3A_364 = arith.constant 19 : i32
        %get3A_365 = arith.index_cast %get3A_364 : i32 to index
        %get3A_366 = arith.index_cast %mul3A_183 : i32 to index
        %get3A_367 = tpu.vector_load %arg5[%get3A_365, %get3A_366] {strides = array<i32>} : memref<64x576xf32, #tpu.memory_space<vmem>>, vector<1x16xf32>,
        %get3A_368 = vector.shape_cast %get3A_367 : vector<1x16xf32> to vector<16xf32>
        %get3A_369 = arith.constant 20 : i32
        %get3A_370 = arith.index_cast %get3A_369 : i32 to index
        %get3A_371 = arith.index_cast %mul3A_183 : i32 to index
        %get3A_372 = tpu.vector_load %arg5[%get3A_370, %get3A_371] {strides = array<i32>} : memref<64x576xf32, #tpu.memory_space<vmem>>, vector<1x16xf32>,
        %get3A_373 = vector.shape_cast %get3A_372 : vector<1x16xf32> to vector<16xf32>
        %get3A_374 = arith.constant 21 : i32
        %get3A_375 = arith.index_cast %get3A_374 : i32 to index
        %get3A_376 = arith.index_cast %mul3A_183 : i32 to index
        %get3A_377 = tpu.vector_load %arg5[%get3A_375, %get3A_376] {strides = array<i32>} : memref<64x576xf32, #tpu.memory_space<vmem>>, vector<1x16xf32>,
        %get3A_378 = vector.shape_cast %get3A_377 : vector<1x16xf32> to vector<16xf32>
        %get3A_379 = arith.constant 22 : i32
        %get3A_380 = arith.index_cast %get3A_379 : i32 to index
        %get3A_381 = arith.index_cast %mul3A_183 : i32 to index
        %get3A_382 = tpu.vector_load %arg5[%get3A_380, %get3A_381] {strides = array<i32>} : memref<64x576xf32, #tpu.memory_space<vmem>>, vector<1x16xf32>,
        %get3A_383 = vector.shape_cast %get3A_382 : vector<1x16xf32> to vector<16xf32>
        %get3A_384 = arith.constant 23 : i32
        %get3A_385 = arith.index_cast %get3A_384 : i32 to index
        %get3A_386 = arith.index_cast %mul3A_183 : i32 to index
        %get3A_387 = tpu.vector_load %arg5[%get3A_385, %get3A_386] {strides = array<i32>} : memref<64x576xf32, #tpu.memory_space<vmem>>, vector<1x16xf32>,
        %get3A_388 = vector.shape_cast %get3A_387 : vector<1x16xf32> to vector<16xf32>
        %broadcast_in_dim3A_389 = arith.constant 0 : i32
        %broadcast_in_dim3A_390 = vector.broadcast %broadcast_in_dim3A_389 : i32 to vector<16xi32>
        %broadcast_in_dim3A_391 = arith.constant 1 : i32
        %broadcast_in_dim3A_392 = vector.broadcast %broadcast_in_dim3A_391 : i32 to vector<16xi32>
        %broadcast_in_dim3A_393 = arith.constant 2 : i32
        %broadcast_in_dim3A_394 = vector.broadcast %broadcast_in_dim3A_393 : i32 to vector<16xi32>
        %broadcast_in_dim3A_395 = arith.constant 3 : i32
        %broadcast_in_dim3A_396 = vector.broadcast %broadcast_in_dim3A_395 : i32 to vector<16xi32>
        %broadcast_in_dim3A_397 = arith.constant 4 : i32
        %broadcast_in_dim3A_398 = vector.broadcast %broadcast_in_dim3A_397 : i32 to vector<16xi32>
        %broadcast_in_dim3A_399 = arith.constant 5 : i32
        %broadcast_in_dim3A_400 = vector.broadcast %broadcast_in_dim3A_399 : i32 to vector<16xi32>
        %broadcast_in_dim3A_401 = arith.constant 6 : i32
        %broadcast_in_dim3A_402 = vector.broadcast %broadcast_in_dim3A_401 : i32 to vector<16xi32>
        %broadcast_in_dim3A_403 = arith.constant 7 : i32
        %broadcast_in_dim3A_404 = vector.broadcast %broadcast_in_dim3A_403 : i32 to vector<16xi32>
        %le3A_405 = arith.cmpf ole, %get3A_353, %get3A_358 : vector<16xf32>
        %min3A_406 = arith.minimumf %get3A_353, %get3A_358 : vector<16xf32>
        %select_n3A_407 = arith.select %le3A_405, %broadcast_in_dim3A_390, %broadcast_in_dim3A_392 : vector<16xi1>, vector<16xi32>
        %le3A_408 = arith.cmpf ole, %get3A_363, %get3A_368 : vector<16xf32>
        %min3A_409 = arith.minimumf %get3A_363, %get3A_368 : vector<16xf32>
        %select_n3A_410 = arith.select %le3A_408, %broadcast_in_dim3A_394, %broadcast_in_dim3A_396 : vector<16xi1>, vector<16xi32>
        %le3A_411 = arith.cmpf ole, %get3A_373, %get3A_378 : vector<16xf32>
        %min3A_412 = arith.minimumf %get3A_373, %get3A_378 : vector<16xf32>
        %select_n3A_413 = arith.select %le3A_411, %broadcast_in_dim3A_398, %broadcast_in_dim3A_400 : vector<16xi1>, vector<16xi32>
        %le3A_414 = arith.cmpf ole, %get3A_383, %get3A_388 : vector<16xf32>
        %min3A_415 = arith.minimumf %get3A_383, %get3A_388 : vector<16xf32>
        %select_n3A_416 = arith.select %le3A_414, %broadcast_in_dim3A_402, %broadcast_in_dim3A_404 : vector<16xi1>, vector<16xi32>
        %le3A_417 = arith.cmpf ole, %min3A_406, %min3A_409 : vector<16xf32>
        %min3A_418 = arith.minimumf %min3A_406, %min3A_409 : vector<16xf32>
        %select_n3A_419 = arith.select %le3A_417, %select_n3A_407, %select_n3A_410 : vector<16xi1>, vector<16xi32>
        %le3A_420 = arith.cmpf ole, %min3A_412, %min3A_415 : vector<16xf32>
        %min3A_421 = arith.minimumf %min3A_412, %min3A_415 : vector<16xf32>
        %select_n3A_422 = arith.select %le3A_420, %select_n3A_413, %select_n3A_416 : vector<16xi1>, vector<16xi32>
        %le3A_423 = arith.cmpf ole, %min3A_418, %min3A_421 : vector<16xf32>
        %min3A_424 = arith.minimumf %min3A_418, %min3A_421 : vector<16xf32>
        %select_n3A_425 = arith.select %le3A_423, %select_n3A_419, %select_n3A_422 : vector<16xi1>, vector<16xi32>
        %lt3A_426 = arith.cmpf olt, %min3A_424, %select_n3A_346 : vector<16xf32>
        %select_n3A_427 = arith.select %lt3A_426, %min3A_424, %select_n3A_346 : vector<16xi1>, vector<16xf32>
        %add3A_428 = arith.addi %add3A_156, %select_n3A_425 : vector<16xi32>
        %select_n3A_429 = arith.select %lt3A_426, %add3A_428, %select_n3A_348 : vector<16xi1>, vector<16xi32>
        %get3A_430 = arith.constant 24 : i32
        %get3A_431 = arith.index_cast %get3A_430 : i32 to index
        %get3A_432 = arith.index_cast %mul3A_183 : i32 to index
        %get3A_433 = tpu.vector_load %arg5[%get3A_431, %get3A_432] {strides = array<i32>} : memref<64x576xf32, #tpu.memory_space<vmem>>, vector<1x16xf32>,
        %get3A_434 = vector.shape_cast %get3A_433 : vector<1x16xf32> to vector<16xf32>
        %get3A_435 = arith.constant 25 : i32
        %get3A_436 = arith.index_cast %get3A_435 : i32 to index
        %get3A_437 = arith.index_cast %mul3A_183 : i32 to index
        %get3A_438 = tpu.vector_load %arg5[%get3A_436, %get3A_437] {strides = array<i32>} : memref<64x576xf32, #tpu.memory_space<vmem>>, vector<1x16xf32>,
        %get3A_439 = vector.shape_cast %get3A_438 : vector<1x16xf32> to vector<16xf32>
        %get3A_440 = arith.constant 26 : i32
        %get3A_441 = arith.index_cast %get3A_440 : i32 to index
        %get3A_442 = arith.index_cast %mul3A_183 : i32 to index
        %get3A_443 = tpu.vector_load %arg5[%get3A_441, %get3A_442] {strides = array<i32>} : memref<64x576xf32, #tpu.memory_space<vmem>>, vector<1x16xf32>,
        %get3A_444 = vector.shape_cast %get3A_443 : vector<1x16xf32> to vector<16xf32>
        %get3A_445 = arith.constant 27 : i32
        %get3A_446 = arith.index_cast %get3A_445 : i32 to index
        %get3A_447 = arith.index_cast %mul3A_183 : i32 to index
        %get3A_448 = tpu.vector_load %arg5[%get3A_446, %get3A_447] {strides = array<i32>} : memref<64x576xf32, #tpu.memory_space<vmem>>, vector<1x16xf32>,
        %get3A_449 = vector.shape_cast %get3A_448 : vector<1x16xf32> to vector<16xf32>
        %get3A_450 = arith.constant 28 : i32
        %get3A_451 = arith.index_cast %get3A_450 : i32 to index
        %get3A_452 = arith.index_cast %mul3A_183 : i32 to index
        %get3A_453 = tpu.vector_load %arg5[%get3A_451, %get3A_452] {strides = array<i32>} : memref<64x576xf32, #tpu.memory_space<vmem>>, vector<1x16xf32>,
        %get3A_454 = vector.shape_cast %get3A_453 : vector<1x16xf32> to vector<16xf32>
        %get3A_455 = arith.constant 29 : i32
        %get3A_456 = arith.index_cast %get3A_455 : i32 to index
        %get3A_457 = arith.index_cast %mul3A_183 : i32 to index
        %get3A_458 = tpu.vector_load %arg5[%get3A_456, %get3A_457] {strides = array<i32>} : memref<64x576xf32, #tpu.memory_space<vmem>>, vector<1x16xf32>,
        %get3A_459 = vector.shape_cast %get3A_458 : vector<1x16xf32> to vector<16xf32>
        %get3A_460 = arith.constant 30 : i32
        %get3A_461 = arith.index_cast %get3A_460 : i32 to index
        %get3A_462 = arith.index_cast %mul3A_183 : i32 to index
        %get3A_463 = tpu.vector_load %arg5[%get3A_461, %get3A_462] {strides = array<i32>} : memref<64x576xf32, #tpu.memory_space<vmem>>, vector<1x16xf32>,
        %get3A_464 = vector.shape_cast %get3A_463 : vector<1x16xf32> to vector<16xf32>
        %get3A_465 = arith.constant 31 : i32
        %get3A_466 = arith.index_cast %get3A_465 : i32 to index
        %get3A_467 = arith.index_cast %mul3A_183 : i32 to index
        %get3A_468 = tpu.vector_load %arg5[%get3A_466, %get3A_467] {strides = array<i32>} : memref<64x576xf32, #tpu.memory_space<vmem>>, vector<1x16xf32>,
        %get3A_469 = vector.shape_cast %get3A_468 : vector<1x16xf32> to vector<16xf32>
        %broadcast_in_dim3A_470 = arith.constant 0 : i32
        %broadcast_in_dim3A_471 = vector.broadcast %broadcast_in_dim3A_470 : i32 to vector<16xi32>
        %broadcast_in_dim3A_472 = arith.constant 1 : i32
        %broadcast_in_dim3A_473 = vector.broadcast %broadcast_in_dim3A_472 : i32 to vector<16xi32>
        %broadcast_in_dim3A_474 = arith.constant 2 : i32
        %broadcast_in_dim3A_475 = vector.broadcast %broadcast_in_dim3A_474 : i32 to vector<16xi32>
        %broadcast_in_dim3A_476 = arith.constant 3 : i32
        %broadcast_in_dim3A_477 = vector.broadcast %broadcast_in_dim3A_476 : i32 to vector<16xi32>
        %broadcast_in_dim3A_478 = arith.constant 4 : i32
        %broadcast_in_dim3A_479 = vector.broadcast %broadcast_in_dim3A_478 : i32 to vector<16xi32>
        %broadcast_in_dim3A_480 = arith.constant 5 : i32
        %broadcast_in_dim3A_481 = vector.broadcast %broadcast_in_dim3A_480 : i32 to vector<16xi32>
        %broadcast_in_dim3A_482 = arith.constant 6 : i32
        %broadcast_in_dim3A_483 = vector.broadcast %broadcast_in_dim3A_482 : i32 to vector<16xi32>
        %broadcast_in_dim3A_484 = arith.constant 7 : i32
        %broadcast_in_dim3A_485 = vector.broadcast %broadcast_in_dim3A_484 : i32 to vector<16xi32>
        %le3A_486 = arith.cmpf ole, %get3A_434, %get3A_439 : vector<16xf32>
        %min3A_487 = arith.minimumf %get3A_434, %get3A_439 : vector<16xf32>
        %select_n3A_488 = arith.select %le3A_486, %broadcast_in_dim3A_471, %broadcast_in_dim3A_473 : vector<16xi1>, vector<16xi32>
        %le3A_489 = arith.cmpf ole, %get3A_444, %get3A_449 : vector<16xf32>
        %min3A_490 = arith.minimumf %get3A_444, %get3A_449 : vector<16xf32>
        %select_n3A_491 = arith.select %le3A_489, %broadcast_in_dim3A_475, %broadcast_in_dim3A_477 : vector<16xi1>, vector<16xi32>
        %le3A_492 = arith.cmpf ole, %get3A_454, %get3A_459 : vector<16xf32>
        %min3A_493 = arith.minimumf %get3A_454, %get3A_459 : vector<16xf32>
        %select_n3A_494 = arith.select %le3A_492, %broadcast_in_dim3A_479, %broadcast_in_dim3A_481 : vector<16xi1>, vector<16xi32>
        %le3A_495 = arith.cmpf ole, %get3A_464, %get3A_469 : vector<16xf32>
        %min3A_496 = arith.minimumf %get3A_464, %get3A_469 : vector<16xf32>
        %select_n3A_497 = arith.select %le3A_495, %broadcast_in_dim3A_483, %broadcast_in_dim3A_485 : vector<16xi1>, vector<16xi32>
        %le3A_498 = arith.cmpf ole, %min3A_487, %min3A_490 : vector<16xf32>
        %min3A_499 = arith.minimumf %min3A_487, %min3A_490 : vector<16xf32>
        %select_n3A_500 = arith.select %le3A_498, %select_n3A_488, %select_n3A_491 : vector<16xi1>, vector<16xi32>
        %le3A_501 = arith.cmpf ole, %min3A_493, %min3A_496 : vector<16xf32>
        %min3A_502 = arith.minimumf %min3A_493, %min3A_496 : vector<16xf32>
        %select_n3A_503 = arith.select %le3A_501, %select_n3A_494, %select_n3A_497 : vector<16xi1>, vector<16xi32>
        %le3A_504 = arith.cmpf ole, %min3A_499, %min3A_502 : vector<16xf32>
        %min3A_505 = arith.minimumf %min3A_499, %min3A_502 : vector<16xf32>
        %select_n3A_506 = arith.select %le3A_504, %select_n3A_500, %select_n3A_503 : vector<16xi1>, vector<16xi32>
        %lt3A_507 = arith.cmpf olt, %min3A_505, %select_n3A_427 : vector<16xf32>
        %select_n3A_508 = arith.select %lt3A_507, %min3A_505, %select_n3A_427 : vector<16xi1>, vector<16xf32>
        %add3A_509 = arith.addi %add3A_159, %select_n3A_506 : vector<16xi32>
        %select_n3A_510 = arith.select %lt3A_507, %add3A_509, %select_n3A_429 : vector<16xi1>, vector<16xi32>
        %get3A_511 = arith.constant 32 : i32
        %get3A_512 = arith.index_cast %get3A_511 : i32 to index
        %get3A_513 = arith.index_cast %mul3A_183 : i32 to index
        %get3A_514 = tpu.vector_load %arg5[%get3A_512, %get3A_513] {strides = array<i32>} : memref<64x576xf32, #tpu.memory_space<vmem>>, vector<1x16xf32>,
        %get3A_515 = vector.shape_cast %get3A_514 : vector<1x16xf32> to vector<16xf32>
        %get3A_516 = arith.constant 33 : i32
        %get3A_517 = arith.index_cast %get3A_516 : i32 to index
        %get3A_518 = arith.index_cast %mul3A_183 : i32 to index
        %get3A_519 = tpu.vector_load %arg5[%get3A_517, %get3A_518] {strides = array<i32>} : memref<64x576xf32, #tpu.memory_space<vmem>>, vector<1x16xf32>,
        %get3A_520 = vector.shape_cast %get3A_519 : vector<1x16xf32> to vector<16xf32>
        %get3A_521 = arith.constant 34 : i32
        %get3A_522 = arith.index_cast %get3A_521 : i32 to index
        %get3A_523 = arith.index_cast %mul3A_183 : i32 to index
        %get3A_524 = tpu.vector_load %arg5[%get3A_522, %get3A_523] {strides = array<i32>} : memref<64x576xf32, #tpu.memory_space<vmem>>, vector<1x16xf32>,
        %get3A_525 = vector.shape_cast %get3A_524 : vector<1x16xf32> to vector<16xf32>
        %get3A_526 = arith.constant 35 : i32
        %get3A_527 = arith.index_cast %get3A_526 : i32 to index
        %get3A_528 = arith.index_cast %mul3A_183 : i32 to index
        %get3A_529 = tpu.vector_load %arg5[%get3A_527, %get3A_528] {strides = array<i32>} : memref<64x576xf32, #tpu.memory_space<vmem>>, vector<1x16xf32>,
        %get3A_530 = vector.shape_cast %get3A_529 : vector<1x16xf32> to vector<16xf32>
        %get3A_531 = arith.constant 36 : i32
        %get3A_532 = arith.index_cast %get3A_531 : i32 to index
        %get3A_533 = arith.index_cast %mul3A_183 : i32 to index
        %get3A_534 = tpu.vector_load %arg5[%get3A_532, %get3A_533] {strides = array<i32>} : memref<64x576xf32, #tpu.memory_space<vmem>>, vector<1x16xf32>,
        %get3A_535 = vector.shape_cast %get3A_534 : vector<1x16xf32> to vector<16xf32>
        %get3A_536 = arith.constant 37 : i32
        %get3A_537 = arith.index_cast %get3A_536 : i32 to index
        %get3A_538 = arith.index_cast %mul3A_183 : i32 to index
        %get3A_539 = tpu.vector_load %arg5[%get3A_537, %get3A_538] {strides = array<i32>} : memref<64x576xf32, #tpu.memory_space<vmem>>, vector<1x16xf32>,
        %get3A_540 = vector.shape_cast %get3A_539 : vector<1x16xf32> to vector<16xf32>
        %get3A_541 = arith.constant 38 : i32
        %get3A_542 = arith.index_cast %get3A_541 : i32 to index
        %get3A_543 = arith.index_cast %mul3A_183 : i32 to index
        %get3A_544 = tpu.vector_load %arg5[%get3A_542, %get3A_543] {strides = array<i32>} : memref<64x576xf32, #tpu.memory_space<vmem>>, vector<1x16xf32>,
        %get3A_545 = vector.shape_cast %get3A_544 : vector<1x16xf32> to vector<16xf32>
        %get3A_546 = arith.constant 39 : i32
        %get3A_547 = arith.index_cast %get3A_546 : i32 to index
        %get3A_548 = arith.index_cast %mul3A_183 : i32 to index
        %get3A_549 = tpu.vector_load %arg5[%get3A_547, %get3A_548] {strides = array<i32>} : memref<64x576xf32, #tpu.memory_space<vmem>>, vector<1x16xf32>,
        %get3A_550 = vector.shape_cast %get3A_549 : vector<1x16xf32> to vector<16xf32>
        %broadcast_in_dim3A_551 = arith.constant 0 : i32
        %broadcast_in_dim3A_552 = vector.broadcast %broadcast_in_dim3A_551 : i32 to vector<16xi32>
        %broadcast_in_dim3A_553 = arith.constant 1 : i32
        %broadcast_in_dim3A_554 = vector.broadcast %broadcast_in_dim3A_553 : i32 to vector<16xi32>
        %broadcast_in_dim3A_555 = arith.constant 2 : i32
        %broadcast_in_dim3A_556 = vector.broadcast %broadcast_in_dim3A_555 : i32 to vector<16xi32>
        %broadcast_in_dim3A_557 = arith.constant 3 : i32
        %broadcast_in_dim3A_558 = vector.broadcast %broadcast_in_dim3A_557 : i32 to vector<16xi32>
        %broadcast_in_dim3A_559 = arith.constant 4 : i32
        %broadcast_in_dim3A_560 = vector.broadcast %broadcast_in_dim3A_559 : i32 to vector<16xi32>
        %broadcast_in_dim3A_561 = arith.constant 5 : i32
        %broadcast_in_dim3A_562 = vector.broadcast %broadcast_in_dim3A_561 : i32 to vector<16xi32>
        %broadcast_in_dim3A_563 = arith.constant 6 : i32
        %broadcast_in_dim3A_564 = vector.broadcast %broadcast_in_dim3A_563 : i32 to vector<16xi32>
        %broadcast_in_dim3A_565 = arith.constant 7 : i32
        %broadcast_in_dim3A_566 = vector.broadcast %broadcast_in_dim3A_565 : i32 to vector<16xi32>
        %le3A_567 = arith.cmpf ole, %get3A_515, %get3A_520 : vector<16xf32>
        %min3A_568 = arith.minimumf %get3A_515, %get3A_520 : vector<16xf32>
        %select_n3A_569 = arith.select %le3A_567, %broadcast_in_dim3A_552, %broadcast_in_dim3A_554 : vector<16xi1>, vector<16xi32>
        %le3A_570 = arith.cmpf ole, %get3A_525, %get3A_530 : vector<16xf32>
        %min3A_571 = arith.minimumf %get3A_525, %get3A_530 : vector<16xf32>
        %select_n3A_572 = arith.select %le3A_570, %broadcast_in_dim3A_556, %broadcast_in_dim3A_558 : vector<16xi1>, vector<16xi32>
        %le3A_573 = arith.cmpf ole, %get3A_535, %get3A_540 : vector<16xf32>
        %min3A_574 = arith.minimumf %get3A_535, %get3A_540 : vector<16xf32>
        %select_n3A_575 = arith.select %le3A_573, %broadcast_in_dim3A_560, %broadcast_in_dim3A_562 : vector<16xi1>, vector<16xi32>
        %le3A_576 = arith.cmpf ole, %get3A_545, %get3A_550 : vector<16xf32>
        %min3A_577 = arith.minimumf %get3A_545, %get3A_550 : vector<16xf32>
        %select_n3A_578 = arith.select %le3A_576, %broadcast_in_dim3A_564, %broadcast_in_dim3A_566 : vector<16xi1>, vector<16xi32>
        %le3A_579 = arith.cmpf ole, %min3A_568, %min3A_571 : vector<16xf32>
        %min3A_580 = arith.minimumf %min3A_568, %min3A_571 : vector<16xf32>
        %select_n3A_581 = arith.select %le3A_579, %select_n3A_569, %select_n3A_572 : vector<16xi1>, vector<16xi32>
        %le3A_582 = arith.cmpf ole, %min3A_574, %min3A_577 : vector<16xf32>
        %min3A_583 = arith.minimumf %min3A_574, %min3A_577 : vector<16xf32>
        %select_n3A_584 = arith.select %le3A_582, %select_n3A_575, %select_n3A_578 : vector<16xi1>, vector<16xi32>
        %le3A_585 = arith.cmpf ole, %min3A_580, %min3A_583 : vector<16xf32>
        %min3A_586 = arith.minimumf %min3A_580, %min3A_583 : vector<16xf32>
        %select_n3A_587 = arith.select %le3A_585, %select_n3A_581, %select_n3A_584 : vector<16xi1>, vector<16xi32>
        %lt3A_588 = arith.cmpf olt, %min3A_586, %select_n3A_508 : vector<16xf32>
        %select_n3A_589 = arith.select %lt3A_588, %min3A_586, %select_n3A_508 : vector<16xi1>, vector<16xf32>
        %add3A_590 = arith.addi %add3A_162, %select_n3A_587 : vector<16xi32>
        %select_n3A_591 = arith.select %lt3A_588, %add3A_590, %select_n3A_510 : vector<16xi1>, vector<16xi32>
        %get3A_592 = arith.constant 40 : i32
        %get3A_593 = arith.index_cast %get3A_592 : i32 to index
        %get3A_594 = arith.index_cast %mul3A_183 : i32 to index
        %get3A_595 = tpu.vector_load %arg5[%get3A_593, %get3A_594] {strides = array<i32>} : memref<64x576xf32, #tpu.memory_space<vmem>>, vector<1x16xf32>,
        %get3A_596 = vector.shape_cast %get3A_595 : vector<1x16xf32> to vector<16xf32>
        %get3A_597 = arith.constant 41 : i32
        %get3A_598 = arith.index_cast %get3A_597 : i32 to index
        %get3A_599 = arith.index_cast %mul3A_183 : i32 to index
        %get3A_600 = tpu.vector_load %arg5[%get3A_598, %get3A_599] {strides = array<i32>} : memref<64x576xf32, #tpu.memory_space<vmem>>, vector<1x16xf32>,
        %get3A_601 = vector.shape_cast %get3A_600 : vector<1x16xf32> to vector<16xf32>
        %get3A_602 = arith.constant 42 : i32
        %get3A_603 = arith.index_cast %get3A_602 : i32 to index
        %get3A_604 = arith.index_cast %mul3A_183 : i32 to index
        %get3A_605 = tpu.vector_load %arg5[%get3A_603, %get3A_604] {strides = array<i32>} : memref<64x576xf32, #tpu.memory_space<vmem>>, vector<1x16xf32>,
        %get3A_606 = vector.shape_cast %get3A_605 : vector<1x16xf32> to vector<16xf32>
        %get3A_607 = arith.constant 43 : i32
        %get3A_608 = arith.index_cast %get3A_607 : i32 to index
        %get3A_609 = arith.index_cast %mul3A_183 : i32 to index
        %get3A_610 = tpu.vector_load %arg5[%get3A_608, %get3A_609] {strides = array<i32>} : memref<64x576xf32, #tpu.memory_space<vmem>>, vector<1x16xf32>,
        %get3A_611 = vector.shape_cast %get3A_610 : vector<1x16xf32> to vector<16xf32>
        %get3A_612 = arith.constant 44 : i32
        %get3A_613 = arith.index_cast %get3A_612 : i32 to index
        %get3A_614 = arith.index_cast %mul3A_183 : i32 to index
        %get3A_615 = tpu.vector_load %arg5[%get3A_613, %get3A_614] {strides = array<i32>} : memref<64x576xf32, #tpu.memory_space<vmem>>, vector<1x16xf32>,
        %get3A_616 = vector.shape_cast %get3A_615 : vector<1x16xf32> to vector<16xf32>
        %get3A_617 = arith.constant 45 : i32
        %get3A_618 = arith.index_cast %get3A_617 : i32 to index
        %get3A_619 = arith.index_cast %mul3A_183 : i32 to index
        %get3A_620 = tpu.vector_load %arg5[%get3A_618, %get3A_619] {strides = array<i32>} : memref<64x576xf32, #tpu.memory_space<vmem>>, vector<1x16xf32>,
        %get3A_621 = vector.shape_cast %get3A_620 : vector<1x16xf32> to vector<16xf32>
        %get3A_622 = arith.constant 46 : i32
        %get3A_623 = arith.index_cast %get3A_622 : i32 to index
        %get3A_624 = arith.index_cast %mul3A_183 : i32 to index
        %get3A_625 = tpu.vector_load %arg5[%get3A_623, %get3A_624] {strides = array<i32>} : memref<64x576xf32, #tpu.memory_space<vmem>>, vector<1x16xf32>,
        %get3A_626 = vector.shape_cast %get3A_625 : vector<1x16xf32> to vector<16xf32>
        %get3A_627 = arith.constant 47 : i32
        %get3A_628 = arith.index_cast %get3A_627 : i32 to index
        %get3A_629 = arith.index_cast %mul3A_183 : i32 to index
        %get3A_630 = tpu.vector_load %arg5[%get3A_628, %get3A_629] {strides = array<i32>} : memref<64x576xf32, #tpu.memory_space<vmem>>, vector<1x16xf32>,
        %get3A_631 = vector.shape_cast %get3A_630 : vector<1x16xf32> to vector<16xf32>
        %broadcast_in_dim3A_632 = arith.constant 0 : i32
        %broadcast_in_dim3A_633 = vector.broadcast %broadcast_in_dim3A_632 : i32 to vector<16xi32>
        %broadcast_in_dim3A_634 = arith.constant 1 : i32
        %broadcast_in_dim3A_635 = vector.broadcast %broadcast_in_dim3A_634 : i32 to vector<16xi32>
        %broadcast_in_dim3A_636 = arith.constant 2 : i32
        %broadcast_in_dim3A_637 = vector.broadcast %broadcast_in_dim3A_636 : i32 to vector<16xi32>
        %broadcast_in_dim3A_638 = arith.constant 3 : i32
        %broadcast_in_dim3A_639 = vector.broadcast %broadcast_in_dim3A_638 : i32 to vector<16xi32>
        %broadcast_in_dim3A_640 = arith.constant 4 : i32
        %broadcast_in_dim3A_641 = vector.broadcast %broadcast_in_dim3A_640 : i32 to vector<16xi32>
        %broadcast_in_dim3A_642 = arith.constant 5 : i32
        %broadcast_in_dim3A_643 = vector.broadcast %broadcast_in_dim3A_642 : i32 to vector<16xi32>
        %broadcast_in_dim3A_644 = arith.constant 6 : i32
        %broadcast_in_dim3A_645 = vector.broadcast %broadcast_in_dim3A_644 : i32 to vector<16xi32>
        %broadcast_in_dim3A_646 = arith.constant 7 : i32
        %broadcast_in_dim3A_647 = vector.broadcast %broadcast_in_dim3A_646 : i32 to vector<16xi32>
        %le3A_648 = arith.cmpf ole, %get3A_596, %get3A_601 : vector<16xf32>
        %min3A_649 = arith.minimumf %get3A_596, %get3A_601 : vector<16xf32>
        %select_n3A_650 = arith.select %le3A_648, %broadcast_in_dim3A_633, %broadcast_in_dim3A_635 : vector<16xi1>, vector<16xi32>
        %le3A_651 = arith.cmpf ole, %get3A_606, %get3A_611 : vector<16xf32>
        %min3A_652 = arith.minimumf %get3A_606, %get3A_611 : vector<16xf32>
        %select_n3A_653 = arith.select %le3A_651, %broadcast_in_dim3A_637, %broadcast_in_dim3A_639 : vector<16xi1>, vector<16xi32>
        %le3A_654 = arith.cmpf ole, %get3A_616, %get3A_621 : vector<16xf32>
        %min3A_655 = arith.minimumf %get3A_616, %get3A_621 : vector<16xf32>
        %select_n3A_656 = arith.select %le3A_654, %broadcast_in_dim3A_641, %broadcast_in_dim3A_643 : vector<16xi1>, vector<16xi32>
        %le3A_657 = arith.cmpf ole, %get3A_626, %get3A_631 : vector<16xf32>
        %min3A_658 = arith.minimumf %get3A_626, %get3A_631 : vector<16xf32>
        %select_n3A_659 = arith.select %le3A_657, %broadcast_in_dim3A_645, %broadcast_in_dim3A_647 : vector<16xi1>, vector<16xi32>
        %le3A_660 = arith.cmpf ole, %min3A_649, %min3A_652 : vector<16xf32>
        %min3A_661 = arith.minimumf %min3A_649, %min3A_652 : vector<16xf32>
        %select_n3A_662 = arith.select %le3A_660, %select_n3A_650, %select_n3A_653 : vector<16xi1>, vector<16xi32>
        %le3A_663 = arith.cmpf ole, %min3A_655, %min3A_658 : vector<16xf32>
        %min3A_664 = arith.minimumf %min3A_655, %min3A_658 : vector<16xf32>
        %select_n3A_665 = arith.select %le3A_663, %select_n3A_656, %select_n3A_659 : vector<16xi1>, vector<16xi32>
        %le3A_666 = arith.cmpf ole, %min3A_661, %min3A_664 : vector<16xf32>
        %min3A_667 = arith.minimumf %min3A_661, %min3A_664 : vector<16xf32>
        %select_n3A_668 = arith.select %le3A_666, %select_n3A_662, %select_n3A_665 : vector<16xi1>, vector<16xi32>
        %lt3A_669 = arith.cmpf olt, %min3A_667, %select_n3A_589 : vector<16xf32>
        %select_n3A_670 = arith.select %lt3A_669, %min3A_667, %select_n3A_589 : vector<16xi1>, vector<16xf32>
        %add3A_671 = arith.addi %add3A_165, %select_n3A_668 : vector<16xi32>
        %select_n3A_672 = arith.select %lt3A_669, %add3A_671, %select_n3A_591 : vector<16xi1>, vector<16xi32>
        %get3A_673 = arith.constant 48 : i32
        %get3A_674 = arith.index_cast %get3A_673 : i32 to index
        %get3A_675 = arith.index_cast %mul3A_183 : i32 to index
        %get3A_676 = tpu.vector_load %arg5[%get3A_674, %get3A_675] {strides = array<i32>} : memref<64x576xf32, #tpu.memory_space<vmem>>, vector<1x16xf32>,
        %get3A_677 = vector.shape_cast %get3A_676 : vector<1x16xf32> to vector<16xf32>
        %get3A_678 = arith.constant 49 : i32
        %get3A_679 = arith.index_cast %get3A_678 : i32 to index
        %get3A_680 = arith.index_cast %mul3A_183 : i32 to index
        %get3A_681 = tpu.vector_load %arg5[%get3A_679, %get3A_680] {strides = array<i32>} : memref<64x576xf32, #tpu.memory_space<vmem>>, vector<1x16xf32>,
        %get3A_682 = vector.shape_cast %get3A_681 : vector<1x16xf32> to vector<16xf32>
        %get3A_683 = arith.constant 50 : i32
        %get3A_684 = arith.index_cast %get3A_683 : i32 to index
        %get3A_685 = arith.index_cast %mul3A_183 : i32 to index
        %get3A_686 = tpu.vector_load %arg5[%get3A_684, %get3A_685] {strides = array<i32>} : memref<64x576xf32, #tpu.memory_space<vmem>>, vector<1x16xf32>,
        %get3A_687 = vector.shape_cast %get3A_686 : vector<1x16xf32> to vector<16xf32>
        %get3A_688 = arith.constant 51 : i32
        %get3A_689 = arith.index_cast %get3A_688 : i32 to index
        %get3A_690 = arith.index_cast %mul3A_183 : i32 to index
        %get3A_691 = tpu.vector_load %arg5[%get3A_689, %get3A_690] {strides = array<i32>} : memref<64x576xf32, #tpu.memory_space<vmem>>, vector<1x16xf32>,
        %get3A_692 = vector.shape_cast %get3A_691 : vector<1x16xf32> to vector<16xf32>
        %get3A_693 = arith.constant 52 : i32
        %get3A_694 = arith.index_cast %get3A_693 : i32 to index
        %get3A_695 = arith.index_cast %mul3A_183 : i32 to index
        %get3A_696 = tpu.vector_load %arg5[%get3A_694, %get3A_695] {strides = array<i32>} : memref<64x576xf32, #tpu.memory_space<vmem>>, vector<1x16xf32>,
        %get3A_697 = vector.shape_cast %get3A_696 : vector<1x16xf32> to vector<16xf32>
        %get3A_698 = arith.constant 53 : i32
        %get3A_699 = arith.index_cast %get3A_698 : i32 to index
        %get3A_700 = arith.index_cast %mul3A_183 : i32 to index
        %get3A_701 = tpu.vector_load %arg5[%get3A_699, %get3A_700] {strides = array<i32>} : memref<64x576xf32, #tpu.memory_space<vmem>>, vector<1x16xf32>,
        %get3A_702 = vector.shape_cast %get3A_701 : vector<1x16xf32> to vector<16xf32>
        %get3A_703 = arith.constant 54 : i32
        %get3A_704 = arith.index_cast %get3A_703 : i32 to index
        %get3A_705 = arith.index_cast %mul3A_183 : i32 to index
        %get3A_706 = tpu.vector_load %arg5[%get3A_704, %get3A_705] {strides = array<i32>} : memref<64x576xf32, #tpu.memory_space<vmem>>, vector<1x16xf32>,
        %get3A_707 = vector.shape_cast %get3A_706 : vector<1x16xf32> to vector<16xf32>
        %get3A_708 = arith.constant 55 : i32
        %get3A_709 = arith.index_cast %get3A_708 : i32 to index
        %get3A_710 = arith.index_cast %mul3A_183 : i32 to index
        %get3A_711 = tpu.vector_load %arg5[%get3A_709, %get3A_710] {strides = array<i32>} : memref<64x576xf32, #tpu.memory_space<vmem>>, vector<1x16xf32>,
        %get3A_712 = vector.shape_cast %get3A_711 : vector<1x16xf32> to vector<16xf32>
        %broadcast_in_dim3A_713 = arith.constant 0 : i32
        %broadcast_in_dim3A_714 = vector.broadcast %broadcast_in_dim3A_713 : i32 to vector<16xi32>
        %broadcast_in_dim3A_715 = arith.constant 1 : i32
        %broadcast_in_dim3A_716 = vector.broadcast %broadcast_in_dim3A_715 : i32 to vector<16xi32>
        %broadcast_in_dim3A_717 = arith.constant 2 : i32
        %broadcast_in_dim3A_718 = vector.broadcast %broadcast_in_dim3A_717 : i32 to vector<16xi32>
        %broadcast_in_dim3A_719 = arith.constant 3 : i32
        %broadcast_in_dim3A_720 = vector.broadcast %broadcast_in_dim3A_719 : i32 to vector<16xi32>
        %broadcast_in_dim3A_721 = arith.constant 4 : i32
        %broadcast_in_dim3A_722 = vector.broadcast %broadcast_in_dim3A_721 : i32 to vector<16xi32>
        %broadcast_in_dim3A_723 = arith.constant 5 : i32
        %broadcast_in_dim3A_724 = vector.broadcast %broadcast_in_dim3A_723 : i32 to vector<16xi32>
        %broadcast_in_dim3A_725 = arith.constant 6 : i32
        %broadcast_in_dim3A_726 = vector.broadcast %broadcast_in_dim3A_725 : i32 to vector<16xi32>
        %broadcast_in_dim3A_727 = arith.constant 7 : i32
        %broadcast_in_dim3A_728 = vector.broadcast %broadcast_in_dim3A_727 : i32 to vector<16xi32>
        %le3A_729 = arith.cmpf ole, %get3A_677, %get3A_682 : vector<16xf32>
        %min3A_730 = arith.minimumf %get3A_677, %get3A_682 : vector<16xf32>
        %select_n3A_731 = arith.select %le3A_729, %broadcast_in_dim3A_714, %broadcast_in_dim3A_716 : vector<16xi1>, vector<16xi32>
        %le3A_732 = arith.cmpf ole, %get3A_687, %get3A_692 : vector<16xf32>
        %min3A_733 = arith.minimumf %get3A_687, %get3A_692 : vector<16xf32>
        %select_n3A_734 = arith.select %le3A_732, %broadcast_in_dim3A_718, %broadcast_in_dim3A_720 : vector<16xi1>, vector<16xi32>
        %le3A_735 = arith.cmpf ole, %get3A_697, %get3A_702 : vector<16xf32>
        %min3A_736 = arith.minimumf %get3A_697, %get3A_702 : vector<16xf32>
        %select_n3A_737 = arith.select %le3A_735, %broadcast_in_dim3A_722, %broadcast_in_dim3A_724 : vector<16xi1>, vector<16xi32>
        %le3A_738 = arith.cmpf ole, %get3A_707, %get3A_712 : vector<16xf32>
        %min3A_739 = arith.minimumf %get3A_707, %get3A_712 : vector<16xf32>
        %select_n3A_740 = arith.select %le3A_738, %broadcast_in_dim3A_726, %broadcast_in_dim3A_728 : vector<16xi1>, vector<16xi32>
        %le3A_741 = arith.cmpf ole, %min3A_730, %min3A_733 : vector<16xf32>
        %min3A_742 = arith.minimumf %min3A_730, %min3A_733 : vector<16xf32>
        %select_n3A_743 = arith.select %le3A_741, %select_n3A_731, %select_n3A_734 : vector<16xi1>, vector<16xi32>
        %le3A_744 = arith.cmpf ole, %min3A_736, %min3A_739 : vector<16xf32>
        %min3A_745 = arith.minimumf %min3A_736, %min3A_739 : vector<16xf32>
        %select_n3A_746 = arith.select %le3A_744, %select_n3A_737, %select_n3A_740 : vector<16xi1>, vector<16xi32>
        %le3A_747 = arith.cmpf ole, %min3A_742, %min3A_745 : vector<16xf32>
        %min3A_748 = arith.minimumf %min3A_742, %min3A_745 : vector<16xf32>
        %select_n3A_749 = arith.select %le3A_747, %select_n3A_743, %select_n3A_746 : vector<16xi1>, vector<16xi32>
        %lt3A_750 = arith.cmpf olt, %min3A_748, %select_n3A_670 : vector<16xf32>
        %select_n3A_751 = arith.select %lt3A_750, %min3A_748, %select_n3A_670 : vector<16xi1>, vector<16xf32>
        %add3A_752 = arith.addi %add3A_168, %select_n3A_749 : vector<16xi32>
        %select_n3A_753 = arith.select %lt3A_750, %add3A_752, %select_n3A_672 : vector<16xi1>, vector<16xi32>
        %get3A_754 = arith.constant 56 : i32
        %get3A_755 = arith.index_cast %get3A_754 : i32 to index
        %get3A_756 = arith.index_cast %mul3A_183 : i32 to index
        %get3A_757 = tpu.vector_load %arg5[%get3A_755, %get3A_756] {strides = array<i32>} : memref<64x576xf32, #tpu.memory_space<vmem>>, vector<1x16xf32>,
        %get3A_758 = vector.shape_cast %get3A_757 : vector<1x16xf32> to vector<16xf32>
        %get3A_759 = arith.constant 57 : i32
        %get3A_760 = arith.index_cast %get3A_759 : i32 to index
        %get3A_761 = arith.index_cast %mul3A_183 : i32 to index
        %get3A_762 = tpu.vector_load %arg5[%get3A_760, %get3A_761] {strides = array<i32>} : memref<64x576xf32, #tpu.memory_space<vmem>>, vector<1x16xf32>,
        %get3A_763 = vector.shape_cast %get3A_762 : vector<1x16xf32> to vector<16xf32>
        %get3A_764 = arith.constant 58 : i32
        %get3A_765 = arith.index_cast %get3A_764 : i32 to index
        %get3A_766 = arith.index_cast %mul3A_183 : i32 to index
        %get3A_767 = tpu.vector_load %arg5[%get3A_765, %get3A_766] {strides = array<i32>} : memref<64x576xf32, #tpu.memory_space<vmem>>, vector<1x16xf32>,
        %get3A_768 = vector.shape_cast %get3A_767 : vector<1x16xf32> to vector<16xf32>
        %get3A_769 = arith.constant 59 : i32
        %get3A_770 = arith.index_cast %get3A_769 : i32 to index
        %get3A_771 = arith.index_cast %mul3A_183 : i32 to index
        %get3A_772 = tpu.vector_load %arg5[%get3A_770, %get3A_771] {strides = array<i32>} : memref<64x576xf32, #tpu.memory_space<vmem>>, vector<1x16xf32>,
        %get3A_773 = vector.shape_cast %get3A_772 : vector<1x16xf32> to vector<16xf32>
        %get3A_774 = arith.constant 60 : i32
        %get3A_775 = arith.index_cast %get3A_774 : i32 to index
        %get3A_776 = arith.index_cast %mul3A_183 : i32 to index
        %get3A_777 = tpu.vector_load %arg5[%get3A_775, %get3A_776] {strides = array<i32>} : memref<64x576xf32, #tpu.memory_space<vmem>>, vector<1x16xf32>,
        %get3A_778 = vector.shape_cast %get3A_777 : vector<1x16xf32> to vector<16xf32>
        %get3A_779 = arith.constant 61 : i32
        %get3A_780 = arith.index_cast %get3A_779 : i32 to index
        %get3A_781 = arith.index_cast %mul3A_183 : i32 to index
        %get3A_782 = tpu.vector_load %arg5[%get3A_780, %get3A_781] {strides = array<i32>} : memref<64x576xf32, #tpu.memory_space<vmem>>, vector<1x16xf32>,
        %get3A_783 = vector.shape_cast %get3A_782 : vector<1x16xf32> to vector<16xf32>
        %get3A_784 = arith.constant 62 : i32
        %get3A_785 = arith.index_cast %get3A_784 : i32 to index
        %get3A_786 = arith.index_cast %mul3A_183 : i32 to index
        %get3A_787 = tpu.vector_load %arg5[%get3A_785, %get3A_786] {strides = array<i32>} : memref<64x576xf32, #tpu.memory_space<vmem>>, vector<1x16xf32>,
        %get3A_788 = vector.shape_cast %get3A_787 : vector<1x16xf32> to vector<16xf32>
        %get3A_789 = arith.constant 63 : i32
        %get3A_790 = arith.index_cast %get3A_789 : i32 to index
        %get3A_791 = arith.index_cast %mul3A_183 : i32 to index
        %get3A_792 = tpu.vector_load %arg5[%get3A_790, %get3A_791] {strides = array<i32>} : memref<64x576xf32, #tpu.memory_space<vmem>>, vector<1x16xf32>,
        %get3A_793 = vector.shape_cast %get3A_792 : vector<1x16xf32> to vector<16xf32>
        %broadcast_in_dim3A_794 = arith.constant 0 : i32
        %broadcast_in_dim3A_795 = vector.broadcast %broadcast_in_dim3A_794 : i32 to vector<16xi32>
        %broadcast_in_dim3A_796 = arith.constant 1 : i32
        %broadcast_in_dim3A_797 = vector.broadcast %broadcast_in_dim3A_796 : i32 to vector<16xi32>
        %broadcast_in_dim3A_798 = arith.constant 2 : i32
        %broadcast_in_dim3A_799 = vector.broadcast %broadcast_in_dim3A_798 : i32 to vector<16xi32>
        %broadcast_in_dim3A_800 = arith.constant 3 : i32
        %broadcast_in_dim3A_801 = vector.broadcast %broadcast_in_dim3A_800 : i32 to vector<16xi32>
        %broadcast_in_dim3A_802 = arith.constant 4 : i32
        %broadcast_in_dim3A_803 = vector.broadcast %broadcast_in_dim3A_802 : i32 to vector<16xi32>
        %broadcast_in_dim3A_804 = arith.constant 5 : i32
        %broadcast_in_dim3A_805 = vector.broadcast %broadcast_in_dim3A_804 : i32 to vector<16xi32>
        %broadcast_in_dim3A_806 = arith.constant 6 : i32
        %broadcast_in_dim3A_807 = vector.broadcast %broadcast_in_dim3A_806 : i32 to vector<16xi32>
        %broadcast_in_dim3A_808 = arith.constant 7 : i32
        %broadcast_in_dim3A_809 = vector.broadcast %broadcast_in_dim3A_808 : i32 to vector<16xi32>
        %le3A_810 = arith.cmpf ole, %get3A_758, %get3A_763 : vector<16xf32>
        %min3A_811 = arith.minimumf %get3A_758, %get3A_763 : vector<16xf32>
        %select_n3A_812 = arith.select %le3A_810, %broadcast_in_dim3A_795, %broadcast_in_dim3A_797 : vector<16xi1>, vector<16xi32>
        %le3A_813 = arith.cmpf ole, %get3A_768, %get3A_773 : vector<16xf32>
        %min3A_814 = arith.minimumf %get3A_768, %get3A_773 : vector<16xf32>
        %select_n3A_815 = arith.select %le3A_813, %broadcast_in_dim3A_799, %broadcast_in_dim3A_801 : vector<16xi1>, vector<16xi32>
        %le3A_816 = arith.cmpf ole, %get3A_778, %get3A_783 : vector<16xf32>
        %min3A_817 = arith.minimumf %get3A_778, %get3A_783 : vector<16xf32>
        %select_n3A_818 = arith.select %le3A_816, %broadcast_in_dim3A_803, %broadcast_in_dim3A_805 : vector<16xi1>, vector<16xi32>
        %le3A_819 = arith.cmpf ole, %get3A_788, %get3A_793 : vector<16xf32>
        %min3A_820 = arith.minimumf %get3A_788, %get3A_793 : vector<16xf32>
        %select_n3A_821 = arith.select %le3A_819, %broadcast_in_dim3A_807, %broadcast_in_dim3A_809 : vector<16xi1>, vector<16xi32>
        %le3A_822 = arith.cmpf ole, %min3A_811, %min3A_814 : vector<16xf32>
        %min3A_823 = arith.minimumf %min3A_811, %min3A_814 : vector<16xf32>
        %select_n3A_824 = arith.select %le3A_822, %select_n3A_812, %select_n3A_815 : vector<16xi1>, vector<16xi32>
        %le3A_825 = arith.cmpf ole, %min3A_817, %min3A_820 : vector<16xf32>
        %min3A_826 = arith.minimumf %min3A_817, %min3A_820 : vector<16xf32>
        %select_n3A_827 = arith.select %le3A_825, %select_n3A_818, %select_n3A_821 : vector<16xi1>, vector<16xi32>
        %le3A_828 = arith.cmpf ole, %min3A_823, %min3A_826 : vector<16xf32>
        %min3A_829 = arith.minimumf %min3A_823, %min3A_826 : vector<16xf32>
        %select_n3A_830 = arith.select %le3A_828, %select_n3A_824, %select_n3A_827 : vector<16xi1>, vector<16xi32>
        %lt3A_831 = arith.cmpf olt, %min3A_829, %select_n3A_751 : vector<16xf32>
        %select_n3A_832 = arith.select %lt3A_831, %min3A_829, %select_n3A_751 : vector<16xi1>, vector<16xf32>
        %add3A_833 = arith.addi %add3A_171, %select_n3A_830 : vector<16xi32>
        %select_n3A_834 = arith.select %lt3A_831, %add3A_833, %select_n3A_753 : vector<16xi1>, vector<16xi32>
        %swap3A = arith.index_cast %mul3A_183 : i32 to index
        %swap3A_835 = tpu.vector_load %arg6[%swap3A] {strides = array<i32>} : memref<640xf32, #tpu.memory_space<vmem>>, vector<16xf32>,
        %swap3A_836 = vector.shape_cast %swap3A_835 : vector<16xf32> to vector<16xf32>
        %swap3A_837 = vector.shape_cast %select_n3A_832 : vector<16xf32> to vector<16xf32>
        tpu.vector_store %arg6[%swap3A], %swap3A_837 {strides = array<i32>} : memref<640xf32, #tpu.memory_space<vmem>>, vector<16xf32>,
        %swap3A_838 = arith.index_cast %mul3A_183 : i32 to index
        %swap3A_839 = tpu.vector_load %arg7[%swap3A_838] {strides = array<i32>} : memref<640xi32, #tpu.memory_space<vmem>>, vector<16xi32>,
        %swap3A_840 = vector.shape_cast %swap3A_839 : vector<16xi32> to vector<16xi32>
        %swap3A_841 = vector.shape_cast %select_n3A_834 : vector<16xi32> to vector<16xi32>
        tpu.vector_store %arg7[%swap3A_838], %swap3A_841 {strides = array<i32>} : memref<640xi32, #tpu.memory_space<vmem>>, vector<16xi32>,
        %scan3A_842 = arith.constant 0 : i32
        scf.yield %scan3A_842 : i32
      }
      %scan3A_178 = arith.constant 36 : i32
      %scan3A_179 = arith.constant 0 : i32
      scf.yield %scan3A_179 : i32
    }
    %scan3A_52 = arith.constant 16 : i32
    %run_scoped3A = arith.constant 0 : i32
    "tpu.region"() ({
      %run_scoped3A_73 = tpu.sem_alloc : memref<!tpu.dma_semaphore, #tpu.memory_space<semaphore_mem>>
      %dma_start3A_74 = arith.constant 0 : i32
      %dma_start3A_75 = tpu.memref_slice %arg11[%arg1, %run_scoped3A, %dma_start3A_74] : memref<16x1x640xf32, #tpu.memory_space<vmem_shared>> -> memref<1x1x640xf32, #tpu.memory_space<vmem_shared>>
      %dma_start3A_76 = tpu.memref_squeeze %dma_start3A_75 : memref<1x1x640xf32, #tpu.memory_space<vmem_shared>> -> memref<640xf32, #tpu.memory_space<vmem_shared>>
      %dma_start3A_77 = arith.constant 0 : i32
      %dma_start3A_78 = tpu.memref_slice %arg11[%arg1, %run_scoped3A, %dma_start3A_77] : memref<16x1x640xf32, #tpu.memory_space<vmem_shared>> -> memref<1x1x640xf32, #tpu.memory_space<vmem_shared>>
      %dma_start3A_79 = tpu.memref_squeeze %dma_start3A_78 : memref<1x1x640xf32, #tpu.memory_space<vmem_shared>> -> memref<640xf32, #tpu.memory_space<vmem_shared>>
      tpu.enqueue_dma source(%arg6 : memref<640xf32, #tpu.memory_space<vmem>>) target(%dma_start3A_79 : memref<640xf32, #tpu.memory_space<vmem_shared>>) target_semaphore(%run_scoped3A_73 : memref<!tpu.dma_semaphore, #tpu.memory_space<semaphore_mem>>)
      %dma_wait3A = arith.constant 0 : i32
      %dma_wait3A_80 = tpu.memref_slice %arg11[%arg1, %run_scoped3A, %dma_wait3A] : memref<16x1x640xf32, #tpu.memory_space<vmem_shared>> -> memref<1x1x640xf32, #tpu.memory_space<vmem_shared>>
      %dma_wait3A_81 = tpu.memref_squeeze %dma_wait3A_80 : memref<1x1x640xf32, #tpu.memory_space<vmem_shared>> -> memref<640xf32, #tpu.memory_space<vmem_shared>>
      %dma_wait3A_82 = arith.constant 0 : i32
      %dma_wait3A_83 = tpu.memref_slice %arg11[%arg1, %run_scoped3A, %dma_wait3A_82] : memref<16x1x640xf32, #tpu.memory_space<vmem_shared>> -> memref<1x1x640xf32, #tpu.memory_space<vmem_shared>>
      %dma_wait3A_84 = tpu.memref_squeeze %dma_wait3A_83 : memref<1x1x640xf32, #tpu.memory_space<vmem_shared>> -> memref<640xf32, #tpu.memory_space<vmem_shared>>
      tpu.wait_dma2 semaphore(%run_scoped3A_73 : memref<!tpu.dma_semaphore, #tpu.memory_space<semaphore_mem>>) src(%arg6 : memref<640xf32, #tpu.memory_space<vmem>>) dst(%dma_wait3A_84 : memref<640xf32, #tpu.memory_space<vmem_shared>>)
      tpu.yield
    }) : () -> ()
    %run_scoped3A_53 = arith.constant 0 : i32
    "tpu.region"() ({
      %run_scoped3A_73 = tpu.sem_alloc : memref<!tpu.dma_semaphore, #tpu.memory_space<semaphore_mem>>
      %dma_start3A_74 = arith.constant 0 : i32
      %dma_start3A_75 = tpu.memref_slice %arg12[%arg1, %run_scoped3A_53, %dma_start3A_74] : memref<16x1x640xi32, #tpu.memory_space<vmem_shared>> -> memref<1x1x640xi32, #tpu.memory_space<vmem_shared>>
      %dma_start3A_76 = tpu.memref_squeeze %dma_start3A_75 : memref<1x1x640xi32, #tpu.memory_space<vmem_shared>> -> memref<640xi32, #tpu.memory_space<vmem_shared>>
      %dma_start3A_77 = arith.constant 0 : i32
      %dma_start3A_78 = tpu.memref_slice %arg12[%arg1, %run_scoped3A_53, %dma_start3A_77] : memref<16x1x640xi32, #tpu.memory_space<vmem_shared>> -> memref<1x1x640xi32, #tpu.memory_space<vmem_shared>>
      %dma_start3A_79 = tpu.memref_squeeze %dma_start3A_78 : memref<1x1x640xi32, #tpu.memory_space<vmem_shared>> -> memref<640xi32, #tpu.memory_space<vmem_shared>>
      tpu.enqueue_dma source(%arg7 : memref<640xi32, #tpu.memory_space<vmem>>) target(%dma_start3A_79 : memref<640xi32, #tpu.memory_space<vmem_shared>>) target_semaphore(%run_scoped3A_73 : memref<!tpu.dma_semaphore, #tpu.memory_space<semaphore_mem>>)
      %dma_wait3A = arith.constant 0 : i32
      %dma_wait3A_80 = tpu.memref_slice %arg12[%arg1, %run_scoped3A_53, %dma_wait3A] : memref<16x1x640xi32, #tpu.memory_space<vmem_shared>> -> memref<1x1x640xi32, #tpu.memory_space<vmem_shared>>
      %dma_wait3A_81 = tpu.memref_squeeze %dma_wait3A_80 : memref<1x1x640xi32, #tpu.memory_space<vmem_shared>> -> memref<640xi32, #tpu.memory_space<vmem_shared>>
      %dma_wait3A_82 = arith.constant 0 : i32
      %dma_wait3A_83 = tpu.memref_slice %arg12[%arg1, %run_scoped3A_53, %dma_wait3A_82] : memref<16x1x640xi32, #tpu.memory_space<vmem_shared>> -> memref<1x1x640xi32, #tpu.memory_space<vmem_shared>>
      %dma_wait3A_84 = tpu.memref_squeeze %dma_wait3A_83 : memref<1x1x640xi32, #tpu.memory_space<vmem_shared>> -> memref<640xi32, #tpu.memory_space<vmem_shared>>
      tpu.wait_dma2 semaphore(%run_scoped3A_73 : memref<!tpu.dma_semaphore, #tpu.memory_space<semaphore_mem>>) src(%arg7 : memref<640xi32, #tpu.memory_space<vmem>>) dst(%dma_wait3A_84 : memref<640xi32, #tpu.memory_space<vmem_shared>>)
      tpu.yield
    }) : () -> ()
    %barrier3A = arith.constant 0 : index
    tpu.barrier barrier_id(%barrier3A)
    %jit3A_54 = arith.constant 4 : i32
    %eq3A_55 = arith.constant 0 : i32
    %eq3A_56 = arith.cmpi eq, %jit3A_54, %eq3A_55 : i32
    %jit3A_57 = arith.constant 1 : i32
    %select_n3A_58 = arith.select %eq3A_56, %jit3A_57, %jit3A_54 : i32
    %rem3A_59 = arith.remsi %arg1, %select_n3A_58 : i32
    %ne3A_60 = arith.constant 0 : i32
    %ne3A_61 = arith.cmpi ne, %rem3A_59, %ne3A_60 : i32
    %lt3A_62 = arith.constant 0 : i32
    %lt3A_63 = arith.cmpi slt, %rem3A_59, %lt3A_62 : i32
    %lt3A_64 = arith.constant 0 : i32
    %lt3A_65 = arith.cmpi slt, %select_n3A_58, %lt3A_64 : i32
    %ne3A_66 = arith.xori %lt3A_63, %lt3A_65 : i1
    %and3A_67 = arith.andi %ne3A_66, %ne3A_61 : i1
    %add3A_68 = arith.addi %rem3A_59, %select_n3A_58 : i32
    %select_n3A_69 = arith.select %and3A_67, %add3A_68, %rem3A_59 : i32
    %eq3A_70 = arith.constant 0 : i32
    %eq3A_71 = arith.cmpi eq, %select_n3A_69, %eq3A_70 : i32
    %convert_element_type3A = arith.extui %eq3A_71 : i1 to i32
    %cond3A = arith.constant 0 : i32
    %cond3A_72 = arith.cmpi ne, %convert_element_type3A, %cond3A : i32
    scf.if %cond3A_72 {
      %add3A_73 = arith.constant 1 : i32
      %add3A_74 = arith.addi %arg1, %add3A_73 : i32
      %run_scoped3A_75 = arith.constant 0 : i32
      "tpu.region"() ({
        %run_scoped3A_120 = tpu.sem_alloc : memref<!tpu.dma_semaphore, #tpu.memory_space<semaphore_mem>>
        %dma_start3A_121 = arith.constant 0 : i32
        %dma_start3A_122 = tpu.memref_slice %arg11[%add3A_74, %run_scoped3A_75, %dma_start3A_121] : memref<16x1x640xf32, #tpu.memory_space<vmem_shared>> -> memref<1x1x640xf32, #tpu.memory_space<vmem_shared>>
        %dma_start3A_123 = tpu.memref_squeeze %dma_start3A_122 : memref<1x1x640xf32, #tpu.memory_space<vmem_shared>> -> memref<640xf32, #tpu.memory_space<vmem_shared>>
        %dma_start3A_124 = arith.constant 0 : i32
        %dma_start3A_125 = tpu.memref_slice %arg11[%add3A_74, %run_scoped3A_75, %dma_start3A_124] : memref<16x1x640xf32, #tpu.memory_space<vmem_shared>> -> memref<1x1x640xf32, #tpu.memory_space<vmem_shared>>
        %dma_start3A_126 = tpu.memref_squeeze %dma_start3A_125 : memref<1x1x640xf32, #tpu.memory_space<vmem_shared>> -> memref<640xf32, #tpu.memory_space<vmem_shared>>
        tpu.enqueue_dma source(%dma_start3A_126 : memref<640xf32, #tpu.memory_space<vmem_shared>>) target(%arg8 : memref<640xf32, #tpu.memory_space<vmem>>) target_semaphore(%run_scoped3A_120 : memref<!tpu.dma_semaphore, #tpu.memory_space<semaphore_mem>>)
        %dma_wait3A = arith.constant 0 : i32
        %dma_wait3A_127 = tpu.memref_slice %arg11[%add3A_74, %run_scoped3A_75, %dma_wait3A] : memref<16x1x640xf32, #tpu.memory_space<vmem_shared>> -> memref<1x1x640xf32, #tpu.memory_space<vmem_shared>>
        %dma_wait3A_128 = tpu.memref_squeeze %dma_wait3A_127 : memref<1x1x640xf32, #tpu.memory_space<vmem_shared>> -> memref<640xf32, #tpu.memory_space<vmem_shared>>
        %dma_wait3A_129 = arith.constant 0 : i32
        %dma_wait3A_130 = tpu.memref_slice %arg11[%add3A_74, %run_scoped3A_75, %dma_wait3A_129] : memref<16x1x640xf32, #tpu.memory_space<vmem_shared>> -> memref<1x1x640xf32, #tpu.memory_space<vmem_shared>>
        %dma_wait3A_131 = tpu.memref_squeeze %dma_wait3A_130 : memref<1x1x640xf32, #tpu.memory_space<vmem_shared>> -> memref<640xf32, #tpu.memory_space<vmem_shared>>
        tpu.wait_dma2 semaphore(%run_scoped3A_120 : memref<!tpu.dma_semaphore, #tpu.memory_space<semaphore_mem>>) src(%dma_wait3A_131 : memref<640xf32, #tpu.memory_space<vmem_shared>>) dst(%arg8 : memref<640xf32, #tpu.memory_space<vmem>>)
        tpu.yield
      }) : () -> ()
      %add3A_76 = arith.constant 1 : i32
      %add3A_77 = arith.addi %arg1, %add3A_76 : i32
      %run_scoped3A_78 = arith.constant 0 : i32
      "tpu.region"() ({
        %run_scoped3A_120 = tpu.sem_alloc : memref<!tpu.dma_semaphore, #tpu.memory_space<semaphore_mem>>
        %dma_start3A_121 = arith.constant 0 : i32
        %dma_start3A_122 = tpu.memref_slice %arg12[%add3A_77, %run_scoped3A_78, %dma_start3A_121] : memref<16x1x640xi32, #tpu.memory_space<vmem_shared>> -> memref<1x1x640xi32, #tpu.memory_space<vmem_shared>>
        %dma_start3A_123 = tpu.memref_squeeze %dma_start3A_122 : memref<1x1x640xi32, #tpu.memory_space<vmem_shared>> -> memref<640xi32, #tpu.memory_space<vmem_shared>>
        %dma_start3A_124 = arith.constant 0 : i32
        %dma_start3A_125 = tpu.memref_slice %arg12[%add3A_77, %run_scoped3A_78, %dma_start3A_124] : memref<16x1x640xi32, #tpu.memory_space<vmem_shared>> -> memref<1x1x640xi32, #tpu.memory_space<vmem_shared>>
        %dma_start3A_126 = tpu.memref_squeeze %dma_start3A_125 : memref<1x1x640xi32, #tpu.memory_space<vmem_shared>> -> memref<640xi32, #tpu.memory_space<vmem_shared>>
        tpu.enqueue_dma source(%dma_start3A_126 : memref<640xi32, #tpu.memory_space<vmem_shared>>) target(%arg9 : memref<640xi32, #tpu.memory_space<vmem>>) target_semaphore(%run_scoped3A_120 : memref<!tpu.dma_semaphore, #tpu.memory_space<semaphore_mem>>)
        %dma_wait3A = arith.constant 0 : i32
        %dma_wait3A_127 = tpu.memref_slice %arg12[%add3A_77, %run_scoped3A_78, %dma_wait3A] : memref<16x1x640xi32, #tpu.memory_space<vmem_shared>> -> memref<1x1x640xi32, #tpu.memory_space<vmem_shared>>
        %dma_wait3A_128 = tpu.memref_squeeze %dma_wait3A_127 : memref<1x1x640xi32, #tpu.memory_space<vmem_shared>> -> memref<640xi32, #tpu.memory_space<vmem_shared>>
        %dma_wait3A_129 = arith.constant 0 : i32
        %dma_wait3A_130 = tpu.memref_slice %arg12[%add3A_77, %run_scoped3A_78, %dma_wait3A_129] : memref<16x1x640xi32, #tpu.memory_space<vmem_shared>> -> memref<1x1x640xi32, #tpu.memory_space<vmem_shared>>
        %dma_wait3A_131 = tpu.memref_squeeze %dma_wait3A_130 : memref<1x1x640xi32, #tpu.memory_space<vmem_shared>> -> memref<640xi32, #tpu.memory_space<vmem_shared>>
        tpu.wait_dma2 semaphore(%run_scoped3A_120 : memref<!tpu.dma_semaphore, #tpu.memory_space<semaphore_mem>>) src(%dma_wait3A_131 : memref<640xi32, #tpu.memory_space<vmem_shared>>) dst(%arg9 : memref<640xi32, #tpu.memory_space<vmem>>)
        tpu.yield
      }) : () -> ()
      %scan3A_79 = arith.constant 0 : i32
      %scan3A_80 = arith.constant 0 : i32
      %scan3A_81 = arith.constant 36 : i32
      %scan3A_82 = arith.addi %scan3A_80, %scan3A_81 : i32
      %scan3A_83 = arith.constant 1 : i32
      %scan3A_84 = scf.for %scan3A_120 = %scan3A_80 to %scan3A_82 step %scan3A_83 iter_args(%scan3A_121 = %scan3A_79) -> (i32)  : i32 {
        %mul3A_122 = arith.constant 16 : i32
        %mul3A_123 = arith.muli %scan3A_120, %mul3A_122 : i32
        %get3A = arith.index_cast %mul3A_123 : i32 to index
        %get3A_124 = tpu.vector_load %arg6[%get3A] {strides = array<i32>} : memref<640xf32, #tpu.memory_space<vmem>>, vector<16xf32>,
        %get3A_125 = vector.shape_cast %get3A_124 : vector<16xf32> to vector<16xf32>
        %get3A_126 = arith.index_cast %mul3A_123 : i32 to index
        %get3A_127 = tpu.vector_load %arg7[%get3A_126] {strides = array<i32>} : memref<640xi32, #tpu.memory_space<vmem>>, vector<16xi32>,
        %get3A_128 = vector.shape_cast %get3A_127 : vector<16xi32> to vector<16xi32>
        %get3A_129 = arith.index_cast %mul3A_123 : i32 to index
        %get3A_130 = tpu.vector_load %arg8[%get3A_129] {strides = array<i32>} : memref<640xf32, #tpu.memory_space<vmem>>, vector<16xf32>,
        %get3A_131 = vector.shape_cast %get3A_130 : vector<16xf32> to vector<16xf32>
        %get3A_132 = arith.index_cast %mul3A_123 : i32 to index
        %get3A_133 = tpu.vector_load %arg9[%get3A_132] {strides = array<i32>} : memref<640xi32, #tpu.memory_space<vmem>>, vector<16xi32>,
        %get3A_134 = vector.shape_cast %get3A_133 : vector<16xi32> to vector<16xi32>
        %lt3A_135 = arith.cmpf olt, %get3A_131, %get3A_125 : vector<16xf32>
        %select_n3A_136 = arith.select %lt3A_135, %get3A_131, %get3A_125 : vector<16xi1>, vector<16xf32>
        %swap3A = arith.index_cast %mul3A_123 : i32 to index
        %swap3A_137 = tpu.vector_load %arg6[%swap3A] {strides = array<i32>} : memref<640xf32, #tpu.memory_space<vmem>>, vector<16xf32>,
        %swap3A_138 = vector.shape_cast %swap3A_137 : vector<16xf32> to vector<16xf32>
        %swap3A_139 = vector.shape_cast %select_n3A_136 : vector<16xf32> to vector<16xf32>
        tpu.vector_store %arg6[%swap3A], %swap3A_139 {strides = array<i32>} : memref<640xf32, #tpu.memory_space<vmem>>, vector<16xf32>,
        %select_n3A_140 = arith.select %lt3A_135, %get3A_134, %get3A_128 : vector<16xi1>, vector<16xi32>
        %swap3A_141 = arith.index_cast %mul3A_123 : i32 to index
        %swap3A_142 = tpu.vector_load %arg7[%swap3A_141] {strides = array<i32>} : memref<640xi32, #tpu.memory_space<vmem>>, vector<16xi32>,
        %swap3A_143 = vector.shape_cast %swap3A_142 : vector<16xi32> to vector<16xi32>
        %swap3A_144 = vector.shape_cast %select_n3A_140 : vector<16xi32> to vector<16xi32>
        tpu.vector_store %arg7[%swap3A_141], %swap3A_144 {strides = array<i32>} : memref<640xi32, #tpu.memory_space<vmem>>, vector<16xi32>,
        %scan3A_145 = arith.constant 0 : i32
        scf.yield %scan3A_145 : i32
      }
      %scan3A_85 = arith.constant 36 : i32
      %add3A_86 = arith.constant 2 : i32
      %add3A_87 = arith.addi %arg1, %add3A_86 : i32
      %run_scoped3A_88 = arith.constant 0 : i32
      "tpu.region"() ({
        %run_scoped3A_120 = tpu.sem_alloc : memref<!tpu.dma_semaphore, #tpu.memory_space<semaphore_mem>>
        %dma_start3A_121 = arith.constant 0 : i32
        %dma_start3A_122 = tpu.memref_slice %arg11[%add3A_87, %run_scoped3A_88, %dma_start3A_121] : memref<16x1x640xf32, #tpu.memory_space<vmem_shared>> -> memref<1x1x640xf32, #tpu.memory_space<vmem_shared>>
        %dma_start3A_123 = tpu.memref_squeeze %dma_start3A_122 : memref<1x1x640xf32, #tpu.memory_space<vmem_shared>> -> memref<640xf32, #tpu.memory_space<vmem_shared>>
        %dma_start3A_124 = arith.constant 0 : i32
        %dma_start3A_125 = tpu.memref_slice %arg11[%add3A_87, %run_scoped3A_88, %dma_start3A_124] : memref<16x1x640xf32, #tpu.memory_space<vmem_shared>> -> memref<1x1x640xf32, #tpu.memory_space<vmem_shared>>
        %dma_start3A_126 = tpu.memref_squeeze %dma_start3A_125 : memref<1x1x640xf32, #tpu.memory_space<vmem_shared>> -> memref<640xf32, #tpu.memory_space<vmem_shared>>
        tpu.enqueue_dma source(%dma_start3A_126 : memref<640xf32, #tpu.memory_space<vmem_shared>>) target(%arg8 : memref<640xf32, #tpu.memory_space<vmem>>) target_semaphore(%run_scoped3A_120 : memref<!tpu.dma_semaphore, #tpu.memory_space<semaphore_mem>>)
        %dma_wait3A = arith.constant 0 : i32
        %dma_wait3A_127 = tpu.memref_slice %arg11[%add3A_87, %run_scoped3A_88, %dma_wait3A] : memref<16x1x640xf32, #tpu.memory_space<vmem_shared>> -> memref<1x1x640xf32, #tpu.memory_space<vmem_shared>>
        %dma_wait3A_128 = tpu.memref_squeeze %dma_wait3A_127 : memref<1x1x640xf32, #tpu.memory_space<vmem_shared>> -> memref<640xf32, #tpu.memory_space<vmem_shared>>
        %dma_wait3A_129 = arith.constant 0 : i32
        %dma_wait3A_130 = tpu.memref_slice %arg11[%add3A_87, %run_scoped3A_88, %dma_wait3A_129] : memref<16x1x640xf32, #tpu.memory_space<vmem_shared>> -> memref<1x1x640xf32, #tpu.memory_space<vmem_shared>>
        %dma_wait3A_131 = tpu.memref_squeeze %dma_wait3A_130 : memref<1x1x640xf32, #tpu.memory_space<vmem_shared>> -> memref<640xf32, #tpu.memory_space<vmem_shared>>
        tpu.wait_dma2 semaphore(%run_scoped3A_120 : memref<!tpu.dma_semaphore, #tpu.memory_space<semaphore_mem>>) src(%dma_wait3A_131 : memref<640xf32, #tpu.memory_space<vmem_shared>>) dst(%arg8 : memref<640xf32, #tpu.memory_space<vmem>>)
        tpu.yield
      }) : () -> ()
      %add3A_89 = arith.constant 2 : i32
      %add3A_90 = arith.addi %arg1, %add3A_89 : i32
      %run_scoped3A_91 = arith.constant 0 : i32
      "tpu.region"() ({
        %run_scoped3A_120 = tpu.sem_alloc : memref<!tpu.dma_semaphore, #tpu.memory_space<semaphore_mem>>
        %dma_start3A_121 = arith.constant 0 : i32
        %dma_start3A_122 = tpu.memref_slice %arg12[%add3A_90, %run_scoped3A_91, %dma_start3A_121] : memref<16x1x640xi32, #tpu.memory_space<vmem_shared>> -> memref<1x1x640xi32, #tpu.memory_space<vmem_shared>>
        %dma_start3A_123 = tpu.memref_squeeze %dma_start3A_122 : memref<1x1x640xi32, #tpu.memory_space<vmem_shared>> -> memref<640xi32, #tpu.memory_space<vmem_shared>>
        %dma_start3A_124 = arith.constant 0 : i32
        %dma_start3A_125 = tpu.memref_slice %arg12[%add3A_90, %run_scoped3A_91, %dma_start3A_124] : memref<16x1x640xi32, #tpu.memory_space<vmem_shared>> -> memref<1x1x640xi32, #tpu.memory_space<vmem_shared>>
        %dma_start3A_126 = tpu.memref_squeeze %dma_start3A_125 : memref<1x1x640xi32, #tpu.memory_space<vmem_shared>> -> memref<640xi32, #tpu.memory_space<vmem_shared>>
        tpu.enqueue_dma source(%dma_start3A_126 : memref<640xi32, #tpu.memory_space<vmem_shared>>) target(%arg9 : memref<640xi32, #tpu.memory_space<vmem>>) target_semaphore(%run_scoped3A_120 : memref<!tpu.dma_semaphore, #tpu.memory_space<semaphore_mem>>)
        %dma_wait3A = arith.constant 0 : i32
        %dma_wait3A_127 = tpu.memref_slice %arg12[%add3A_90, %run_scoped3A_91, %dma_wait3A] : memref<16x1x640xi32, #tpu.memory_space<vmem_shared>> -> memref<1x1x640xi32, #tpu.memory_space<vmem_shared>>
        %dma_wait3A_128 = tpu.memref_squeeze %dma_wait3A_127 : memref<1x1x640xi32, #tpu.memory_space<vmem_shared>> -> memref<640xi32, #tpu.memory_space<vmem_shared>>
        %dma_wait3A_129 = arith.constant 0 : i32
        %dma_wait3A_130 = tpu.memref_slice %arg12[%add3A_90, %run_scoped3A_91, %dma_wait3A_129] : memref<16x1x640xi32, #tpu.memory_space<vmem_shared>> -> memref<1x1x640xi32, #tpu.memory_space<vmem_shared>>
        %dma_wait3A_131 = tpu.memref_squeeze %dma_wait3A_130 : memref<1x1x640xi32, #tpu.memory_space<vmem_shared>> -> memref<640xi32, #tpu.memory_space<vmem_shared>>
        tpu.wait_dma2 semaphore(%run_scoped3A_120 : memref<!tpu.dma_semaphore, #tpu.memory_space<semaphore_mem>>) src(%dma_wait3A_131 : memref<640xi32, #tpu.memory_space<vmem_shared>>) dst(%arg9 : memref<640xi32, #tpu.memory_space<vmem>>)
        tpu.yield
      }) : () -> ()
      %scan3A_92 = arith.constant 0 : i32
      %scan3A_93 = arith.constant 0 : i32
      %scan3A_94 = arith.constant 36 : i32
      %scan3A_95 = arith.addi %scan3A_93, %scan3A_94 : i32
      %scan3A_96 = arith.constant 1 : i32
      %scan3A_97 = scf.for %scan3A_120 = %scan3A_93 to %scan3A_95 step %scan3A_96 iter_args(%scan3A_121 = %scan3A_92) -> (i32)  : i32 {
        %mul3A_122 = arith.constant 16 : i32
        %mul3A_123 = arith.muli %scan3A_120, %mul3A_122 : i32
        %get3A = arith.index_cast %mul3A_123 : i32 to index
        %get3A_124 = tpu.vector_load %arg6[%get3A] {strides = array<i32>} : memref<640xf32, #tpu.memory_space<vmem>>, vector<16xf32>,
        %get3A_125 = vector.shape_cast %get3A_124 : vector<16xf32> to vector<16xf32>
        %get3A_126 = arith.index_cast %mul3A_123 : i32 to index
        %get3A_127 = tpu.vector_load %arg7[%get3A_126] {strides = array<i32>} : memref<640xi32, #tpu.memory_space<vmem>>, vector<16xi32>,
        %get3A_128 = vector.shape_cast %get3A_127 : vector<16xi32> to vector<16xi32>
        %get3A_129 = arith.index_cast %mul3A_123 : i32 to index
        %get3A_130 = tpu.vector_load %arg8[%get3A_129] {strides = array<i32>} : memref<640xf32, #tpu.memory_space<vmem>>, vector<16xf32>,
        %get3A_131 = vector.shape_cast %get3A_130 : vector<16xf32> to vector<16xf32>
        %get3A_132 = arith.index_cast %mul3A_123 : i32 to index
        %get3A_133 = tpu.vector_load %arg9[%get3A_132] {strides = array<i32>} : memref<640xi32, #tpu.memory_space<vmem>>, vector<16xi32>,
        %get3A_134 = vector.shape_cast %get3A_133 : vector<16xi32> to vector<16xi32>
        %lt3A_135 = arith.cmpf olt, %get3A_131, %get3A_125 : vector<16xf32>
        %select_n3A_136 = arith.select %lt3A_135, %get3A_131, %get3A_125 : vector<16xi1>, vector<16xf32>
        %swap3A = arith.index_cast %mul3A_123 : i32 to index
        %swap3A_137 = tpu.vector_load %arg6[%swap3A] {strides = array<i32>} : memref<640xf32, #tpu.memory_space<vmem>>, vector<16xf32>,
        %swap3A_138 = vector.shape_cast %swap3A_137 : vector<16xf32> to vector<16xf32>
        %swap3A_139 = vector.shape_cast %select_n3A_136 : vector<16xf32> to vector<16xf32>
        tpu.vector_store %arg6[%swap3A], %swap3A_139 {strides = array<i32>} : memref<640xf32, #tpu.memory_space<vmem>>, vector<16xf32>,
        %select_n3A_140 = arith.select %lt3A_135, %get3A_134, %get3A_128 : vector<16xi1>, vector<16xi32>
        %swap3A_141 = arith.index_cast %mul3A_123 : i32 to index
        %swap3A_142 = tpu.vector_load %arg7[%swap3A_141] {strides = array<i32>} : memref<640xi32, #tpu.memory_space<vmem>>, vector<16xi32>,
        %swap3A_143 = vector.shape_cast %swap3A_142 : vector<16xi32> to vector<16xi32>
        %swap3A_144 = vector.shape_cast %select_n3A_140 : vector<16xi32> to vector<16xi32>
        tpu.vector_store %arg7[%swap3A_141], %swap3A_144 {strides = array<i32>} : memref<640xi32, #tpu.memory_space<vmem>>, vector<16xi32>,
        %scan3A_145 = arith.constant 0 : i32
        scf.yield %scan3A_145 : i32
      }
      %scan3A_98 = arith.constant 36 : i32
      %add3A_99 = arith.constant 3 : i32
      %add3A_100 = arith.addi %arg1, %add3A_99 : i32
      %run_scoped3A_101 = arith.constant 0 : i32
      "tpu.region"() ({
        %run_scoped3A_120 = tpu.sem_alloc : memref<!tpu.dma_semaphore, #tpu.memory_space<semaphore_mem>>
        %dma_start3A_121 = arith.constant 0 : i32
        %dma_start3A_122 = tpu.memref_slice %arg11[%add3A_100, %run_scoped3A_101, %dma_start3A_121] : memref<16x1x640xf32, #tpu.memory_space<vmem_shared>> -> memref<1x1x640xf32, #tpu.memory_space<vmem_shared>>
        %dma_start3A_123 = tpu.memref_squeeze %dma_start3A_122 : memref<1x1x640xf32, #tpu.memory_space<vmem_shared>> -> memref<640xf32, #tpu.memory_space<vmem_shared>>
        %dma_start3A_124 = arith.constant 0 : i32
        %dma_start3A_125 = tpu.memref_slice %arg11[%add3A_100, %run_scoped3A_101, %dma_start3A_124] : memref<16x1x640xf32, #tpu.memory_space<vmem_shared>> -> memref<1x1x640xf32, #tpu.memory_space<vmem_shared>>
        %dma_start3A_126 = tpu.memref_squeeze %dma_start3A_125 : memref<1x1x640xf32, #tpu.memory_space<vmem_shared>> -> memref<640xf32, #tpu.memory_space<vmem_shared>>
        tpu.enqueue_dma source(%dma_start3A_126 : memref<640xf32, #tpu.memory_space<vmem_shared>>) target(%arg8 : memref<640xf32, #tpu.memory_space<vmem>>) target_semaphore(%run_scoped3A_120 : memref<!tpu.dma_semaphore, #tpu.memory_space<semaphore_mem>>)
        %dma_wait3A = arith.constant 0 : i32
        %dma_wait3A_127 = tpu.memref_slice %arg11[%add3A_100, %run_scoped3A_101, %dma_wait3A] : memref<16x1x640xf32, #tpu.memory_space<vmem_shared>> -> memref<1x1x640xf32, #tpu.memory_space<vmem_shared>>
        %dma_wait3A_128 = tpu.memref_squeeze %dma_wait3A_127 : memref<1x1x640xf32, #tpu.memory_space<vmem_shared>> -> memref<640xf32, #tpu.memory_space<vmem_shared>>
        %dma_wait3A_129 = arith.constant 0 : i32
        %dma_wait3A_130 = tpu.memref_slice %arg11[%add3A_100, %run_scoped3A_101, %dma_wait3A_129] : memref<16x1x640xf32, #tpu.memory_space<vmem_shared>> -> memref<1x1x640xf32, #tpu.memory_space<vmem_shared>>
        %dma_wait3A_131 = tpu.memref_squeeze %dma_wait3A_130 : memref<1x1x640xf32, #tpu.memory_space<vmem_shared>> -> memref<640xf32, #tpu.memory_space<vmem_shared>>
        tpu.wait_dma2 semaphore(%run_scoped3A_120 : memref<!tpu.dma_semaphore, #tpu.memory_space<semaphore_mem>>) src(%dma_wait3A_131 : memref<640xf32, #tpu.memory_space<vmem_shared>>) dst(%arg8 : memref<640xf32, #tpu.memory_space<vmem>>)
        tpu.yield
      }) : () -> ()
      %add3A_102 = arith.constant 3 : i32
      %add3A_103 = arith.addi %arg1, %add3A_102 : i32
      %run_scoped3A_104 = arith.constant 0 : i32
      "tpu.region"() ({
        %run_scoped3A_120 = tpu.sem_alloc : memref<!tpu.dma_semaphore, #tpu.memory_space<semaphore_mem>>
        %dma_start3A_121 = arith.constant 0 : i32
        %dma_start3A_122 = tpu.memref_slice %arg12[%add3A_103, %run_scoped3A_104, %dma_start3A_121] : memref<16x1x640xi32, #tpu.memory_space<vmem_shared>> -> memref<1x1x640xi32, #tpu.memory_space<vmem_shared>>
        %dma_start3A_123 = tpu.memref_squeeze %dma_start3A_122 : memref<1x1x640xi32, #tpu.memory_space<vmem_shared>> -> memref<640xi32, #tpu.memory_space<vmem_shared>>
        %dma_start3A_124 = arith.constant 0 : i32
        %dma_start3A_125 = tpu.memref_slice %arg12[%add3A_103, %run_scoped3A_104, %dma_start3A_124] : memref<16x1x640xi32, #tpu.memory_space<vmem_shared>> -> memref<1x1x640xi32, #tpu.memory_space<vmem_shared>>
        %dma_start3A_126 = tpu.memref_squeeze %dma_start3A_125 : memref<1x1x640xi32, #tpu.memory_space<vmem_shared>> -> memref<640xi32, #tpu.memory_space<vmem_shared>>
        tpu.enqueue_dma source(%dma_start3A_126 : memref<640xi32, #tpu.memory_space<vmem_shared>>) target(%arg9 : memref<640xi32, #tpu.memory_space<vmem>>) target_semaphore(%run_scoped3A_120 : memref<!tpu.dma_semaphore, #tpu.memory_space<semaphore_mem>>)
        %dma_wait3A = arith.constant 0 : i32
        %dma_wait3A_127 = tpu.memref_slice %arg12[%add3A_103, %run_scoped3A_104, %dma_wait3A] : memref<16x1x640xi32, #tpu.memory_space<vmem_shared>> -> memref<1x1x640xi32, #tpu.memory_space<vmem_shared>>
        %dma_wait3A_128 = tpu.memref_squeeze %dma_wait3A_127 : memref<1x1x640xi32, #tpu.memory_space<vmem_shared>> -> memref<640xi32, #tpu.memory_space<vmem_shared>>
        %dma_wait3A_129 = arith.constant 0 : i32
        %dma_wait3A_130 = tpu.memref_slice %arg12[%add3A_103, %run_scoped3A_104, %dma_wait3A_129] : memref<16x1x640xi32, #tpu.memory_space<vmem_shared>> -> memref<1x1x640xi32, #tpu.memory_space<vmem_shared>>
        %dma_wait3A_131 = tpu.memref_squeeze %dma_wait3A_130 : memref<1x1x640xi32, #tpu.memory_space<vmem_shared>> -> memref<640xi32, #tpu.memory_space<vmem_shared>>
        tpu.wait_dma2 semaphore(%run_scoped3A_120 : memref<!tpu.dma_semaphore, #tpu.memory_space<semaphore_mem>>) src(%dma_wait3A_131 : memref<640xi32, #tpu.memory_space<vmem_shared>>) dst(%arg9 : memref<640xi32, #tpu.memory_space<vmem>>)
        tpu.yield
      }) : () -> ()
      %scan3A_105 = arith.constant 0 : i32
      %scan3A_106 = arith.constant 0 : i32
      %scan3A_107 = arith.constant 36 : i32
      %scan3A_108 = arith.addi %scan3A_106, %scan3A_107 : i32
      %scan3A_109 = arith.constant 1 : i32
      %scan3A_110 = scf.for %scan3A_120 = %scan3A_106 to %scan3A_108 step %scan3A_109 iter_args(%scan3A_121 = %scan3A_105) -> (i32)  : i32 {
        %mul3A_122 = arith.constant 16 : i32
        %mul3A_123 = arith.muli %scan3A_120, %mul3A_122 : i32
        %get3A = arith.index_cast %mul3A_123 : i32 to index
        %get3A_124 = tpu.vector_load %arg6[%get3A] {strides = array<i32>} : memref<640xf32, #tpu.memory_space<vmem>>, vector<16xf32>,
        %get3A_125 = vector.shape_cast %get3A_124 : vector<16xf32> to vector<16xf32>
        %get3A_126 = arith.index_cast %mul3A_123 : i32 to index
        %get3A_127 = tpu.vector_load %arg7[%get3A_126] {strides = array<i32>} : memref<640xi32, #tpu.memory_space<vmem>>, vector<16xi32>,
        %get3A_128 = vector.shape_cast %get3A_127 : vector<16xi32> to vector<16xi32>
        %get3A_129 = arith.index_cast %mul3A_123 : i32 to index
        %get3A_130 = tpu.vector_load %arg8[%get3A_129] {strides = array<i32>} : memref<640xf32, #tpu.memory_space<vmem>>, vector<16xf32>,
        %get3A_131 = vector.shape_cast %get3A_130 : vector<16xf32> to vector<16xf32>
        %get3A_132 = arith.index_cast %mul3A_123 : i32 to index
        %get3A_133 = tpu.vector_load %arg9[%get3A_132] {strides = array<i32>} : memref<640xi32, #tpu.memory_space<vmem>>, vector<16xi32>,
        %get3A_134 = vector.shape_cast %get3A_133 : vector<16xi32> to vector<16xi32>
        %lt3A_135 = arith.cmpf olt, %get3A_131, %get3A_125 : vector<16xf32>
        %select_n3A_136 = arith.select %lt3A_135, %get3A_131, %get3A_125 : vector<16xi1>, vector<16xf32>
        %swap3A = arith.index_cast %mul3A_123 : i32 to index
        %swap3A_137 = tpu.vector_load %arg6[%swap3A] {strides = array<i32>} : memref<640xf32, #tpu.memory_space<vmem>>, vector<16xf32>,
        %swap3A_138 = vector.shape_cast %swap3A_137 : vector<16xf32> to vector<16xf32>
        %swap3A_139 = vector.shape_cast %select_n3A_136 : vector<16xf32> to vector<16xf32>
        tpu.vector_store %arg6[%swap3A], %swap3A_139 {strides = array<i32>} : memref<640xf32, #tpu.memory_space<vmem>>, vector<16xf32>,
        %select_n3A_140 = arith.select %lt3A_135, %get3A_134, %get3A_128 : vector<16xi1>, vector<16xi32>
        %swap3A_141 = arith.index_cast %mul3A_123 : i32 to index
        %swap3A_142 = tpu.vector_load %arg7[%swap3A_141] {strides = array<i32>} : memref<640xi32, #tpu.memory_space<vmem>>, vector<16xi32>,
        %swap3A_143 = vector.shape_cast %swap3A_142 : vector<16xi32> to vector<16xi32>
        %swap3A_144 = vector.shape_cast %select_n3A_140 : vector<16xi32> to vector<16xi32>
        tpu.vector_store %arg7[%swap3A_141], %swap3A_144 {strides = array<i32>} : memref<640xi32, #tpu.memory_space<vmem>>, vector<16xi32>,
        %scan3A_145 = arith.constant 0 : i32
        scf.yield %scan3A_145 : i32
      }
      %scan3A_111 = arith.constant 36 : i32
      %scan3A_112 = arith.constant 0 : i32
      %scan3A_113 = arith.constant 0 : i32
      %scan3A_114 = arith.constant 36 : i32
      %scan3A_115 = arith.addi %scan3A_113, %scan3A_114 : i32
      %scan3A_116 = arith.constant 1 : i32
      %scan3A_117 = scf.for %scan3A_120 = %scan3A_113 to %scan3A_115 step %scan3A_116 iter_args(%scan3A_121 = %scan3A_112) -> (i32)  : i32 {
        %mul3A_122 = arith.constant 16 : i32
        %mul3A_123 = arith.muli %scan3A_120, %mul3A_122 : i32
        %get3A = arith.index_cast %mul3A_123 : i32 to index
        %get3A_124 = tpu.vector_load %arg7[%get3A] {strides = array<i32>} : memref<640xi32, #tpu.memory_space<vmem>>, vector<16xi32>,
        %get3A_125 = vector.shape_cast %get3A_124 : vector<16xi32> to vector<16xi32>
        %swap3A = arith.index_cast %mul3A_123 : i32 to index
        %swap3A_126 = tpu.vector_load %arg10[%swap3A] {strides = array<i32>} : memref<576xi32, #tpu.memory_space<vmem>>, vector<16xi32>,
        %swap3A_127 = vector.shape_cast %swap3A_126 : vector<16xi32> to vector<16xi32>
        %swap3A_128 = vector.shape_cast %get3A_125 : vector<16xi32> to vector<16xi32>
        tpu.vector_store %arg10[%swap3A], %swap3A_128 {strides = array<i32>} : memref<576xi32, #tpu.memory_space<vmem>>, vector<16xi32>,
        %scan3A_129 = arith.constant 0 : i32
        scf.yield %scan3A_129 : i32
      }
      %scan3A_118 = arith.constant 36 : i32
      %run_scoped3A_119 = arith.constant 0 : i32
      "tpu.region"() ({
        %run_scoped3A_120 = tpu.sem_alloc : memref<!tpu.dma_semaphore, #tpu.memory_space<semaphore_mem>>
        %dma_start3A_121 = arith.constant 0 : i32
        %dma_start3A_122 = tpu.memref_slice %arg3[%add3A, %run_scoped3A_119, %dma_start3A_121] : memref<8x1x576xi32, #tpu.memory_space<hbm>> -> memref<1x1x576xi32, #tpu.memory_space<hbm>>
        %dma_start3A_123 = tpu.memref_squeeze %dma_start3A_122 : memref<1x1x576xi32, #tpu.memory_space<hbm>> -> memref<576xi32, #tpu.memory_space<hbm>>
        %dma_start3A_124 = arith.constant 0 : i32
        %dma_start3A_125 = tpu.memref_slice %arg3[%add3A, %run_scoped3A_119, %dma_start3A_124] : memref<8x1x576xi32, #tpu.memory_space<hbm>> -> memref<1x1x576xi32, #tpu.memory_space<hbm>>
        %dma_start3A_126 = tpu.memref_squeeze %dma_start3A_125 : memref<1x1x576xi32, #tpu.memory_space<hbm>> -> memref<576xi32, #tpu.memory_space<hbm>>
        tpu.enqueue_dma source(%arg10 : memref<576xi32, #tpu.memory_space<vmem>>) target(%dma_start3A_126 : memref<576xi32, #tpu.memory_space<hbm>>) target_semaphore(%run_scoped3A_120 : memref<!tpu.dma_semaphore, #tpu.memory_space<semaphore_mem>>)
        %dma_wait3A = arith.constant 0 : i32
        %dma_wait3A_127 = tpu.memref_slice %arg3[%add3A, %run_scoped3A_119, %dma_wait3A] : memref<8x1x576xi32, #tpu.memory_space<hbm>> -> memref<1x1x576xi32, #tpu.memory_space<hbm>>
        %dma_wait3A_128 = tpu.memref_squeeze %dma_wait3A_127 : memref<1x1x576xi32, #tpu.memory_space<hbm>> -> memref<576xi32, #tpu.memory_space<hbm>>
        %dma_wait3A_129 = arith.constant 0 : i32
        %dma_wait3A_130 = tpu.memref_slice %arg3[%add3A, %run_scoped3A_119, %dma_wait3A_129] : memref<8x1x576xi32, #tpu.memory_space<hbm>> -> memref<1x1x576xi32, #tpu.memory_space<hbm>>
        %dma_wait3A_131 = tpu.memref_squeeze %dma_wait3A_130 : memref<1x1x576xi32, #tpu.memory_space<hbm>> -> memref<576xi32, #tpu.memory_space<hbm>>
        tpu.wait_dma2 semaphore(%run_scoped3A_120 : memref<!tpu.dma_semaphore, #tpu.memory_space<semaphore_mem>>) src(%arg10 : memref<576xi32, #tpu.memory_space<vmem>>) dst(%dma_wait3A_131 : memref<576xi32, #tpu.memory_space<hbm>>)
        tpu.yield
      }) : () -> ()
    } else {
    }
    return
  }
}

</mosaic_0001>

<sc_bundles>
// kernel: kernel.3.cloned.1.call-start
scs
__scs_entry_jumppad:
0x0: {  	(pc) =	sbr.rel $0x88, $3  }
0x1: {  	(tag) =	ssettag $0x0;
	lr =	simm.s32 $0x1  }
0x2: {  	[smem:$0x3FA0] =	sst lr;
	_ =	strace $0xD0000000  }
0x3: {  	_ = 	snop  }
0x4: {  	_ = 	snop  }
0x5: {  	_ = 	snop  }
0x6: {  	_ = 	snop  }
0x7: {  	_ = 	snop  }
__scs_overlays_trampoline_lowered:
0x8: {  	[smem:$0x3FAF] =	sst s0  }
0x9: {  	[smem:$0x3FB0] =	sst s1  }
0xa: {  	[smem:$0x3FB1] =	sst s2  }
0xb: {  	[smem:$0x3FB2] =	sst s3  }
0xc: {  	[smem:$0x3FB3] =	sst s4  }
0xd: {  	[smem:$0x3FB4] =	sst s5  }
0xe: {  	[smem:$0x3FB5] =	sst s6  }
0xf: {  	[smem:$0x3FB6] =	sst s7  }
0x10: {  	[smem:$0x3FB7] =	sst s8  }
0x11: {  	[smem:$0x3FB8] =	sst s9;
	s0 =	simm.s32 @!p0 $0x0  }
0x12: {  	s1 =	sld [smem:$0x3F9E];
	s0 =	simm.s32 @p0 $0x1  }
0x13: {  	[smem:$0x3FB9] =	sst s0;
	s0 =	simm.s32 @!p1 $0x0  }
0x14: {  	s2 =	sld [smem:$0x3F9D];
	s0 =	simm.s32 @p1 $0x1  }
0x15: {  	[smem:$0x3FBA] =	sst s0;
	s0 =	simm.s32 @!p2 $0x0  }
0x16: {  	s3 =	sld [smem:$0x3FDB];
	s0 =	simm.s32 @p2 $0x1  }
0x17: {  	s4 =	simm.s32 $0x1BF5;
	[smem:$0x3FBC] =	sst s0  }
0x18: {  	s0 =	sld [smem:$0x3F9F];
	_ =	swait.ge [sflag:s4], $0x0  }
0x19: {  	s7 =	sld [smem:$0x3FA0]  }
0x1a: {  	s8 =	sadd.s32 $0xFFFFE003, lr  }
0x1b: {  	s9 =	sadd.s32 $0xFFFFFEF7, lr;
	s5 =	simm.s32 $0xFFFFFFFF;
	p2 =	slt.u32 s8, $0xFFFFF086  }
0x1c: {  	p1 =	slt.u32 s9, $0xF7A;
	s5 =	simm.s32 @!p2 $0x0  }
0x1d: {  	s5 =	simm.s32 @p1 $0x1;
	p0 =	seq.s32 s7, s2  }
0x1e: {  	s7 =	smul.u32 @!p0 $0xF7A, s2;
	p2 =	seq.s32 @!p0 s5, $0x0  }
0x1f: {  	s9 =	smul.u32 $0xF7A, s1;
	s8 =	simm.s32 @!p0 $0x1BF5;
	p2 =	por !p2, p0  }
0x20: {  	[sflag:s8] =	ssyncset.s32 @!p0 $0xFFFFF086;
	s6 =	sadd.s32 @!p0 s3, s7;
	s7 =	simm.s32 @!p0 $0x108  }
0x21: {  	s3 =	sadd.s32 s3, s9;
	s6 =	sadd.s32 @!p0 $0x88, s6;
	s7 =	simm.s32 @p2 $0x1082  }
0x22: {  	[simem:s7], [sflag:s8] =	dma.local @!p0 [hbm:s6], $0xF7A  }
0x23: {  	s9 =	sor.u32 $0xD0000000, s2;
	s6 =	simm.s32 $0x108;
	_ =	swait.ge @!p0 [sflag:s8], $0x0  }
0x24: {  	s3 =	sadd.s32 $0x88, s3;
	s6 =	simm.s32 @!p1 $0x1082;
	[sflag:s4] =	ssyncset.s32 $0xFFFFF086  }
0x25: {  	[simem:s6], [sflag:s4] =	dma.local [hbm:s3], $0xF7A  }
0x26: {  	[smem:$0x3FA0] =	sst s1;
	(tag) =	ssettag s2;
	_ =	strace s9  }
0x27: {  	s1 =	sld [smem:$0x3FB0]  }
0x28: {  	s2 =	sld [smem:$0x3FB1]  }
0x29: {  	s4 =	sld [smem:$0x3FB3]  }
0x2a: {  	p0 =	seq.s32 s5, $0x0;
	s5 =	sld [smem:$0x3FB4]  }
0x2b: {  	s6 =	sld [smem:$0x3FB5]  }
0x2c: {  	s7 =	sld [smem:$0x3FB6]  }
0x2d: {  	s3 =	simm.s32 $0x108;
	s8 =	sld [smem:$0x3FB7]  }
0x2e: {  	s3 =	simm.s32 @!p0 $0x1082;
	s9 =	sld [smem:$0x3FB8]  }
0x2f: {  	lr =	sadd.s32 s0, s3;
	s0 =	sld [smem:$0x3FAF]  }
0x30: {  	s3 =	sld [smem:$0x3FB2]  }
0x31: {  	[smem:$0x3FBB] =	sst s10  }
0x32: {  	s10 =	sld [smem:$0x3FB9];
	_ =	sdelay $0x3  }
0x33: {  	p0 =	seq.s32 s10, $0x1;
	s10 =	sld [smem:$0x3FBB];
	_ =	sdelay $0x3  }
0x34: {  	[smem:$0x3FBB] =	sst s10  }
0x35: {  	s10 =	sld [smem:$0x3FBA];
	_ =	sdelay $0x3  }
0x36: {  	p1 =	seq.s32 s10, $0x1;
	s10 =	sld [smem:$0x3FBB];
	_ =	sdelay $0x3  }
0x37: {  	[smem:$0x3FBB] =	sst s10  }
0x38: {  	s10 =	sld [smem:$0x3FBC]  }
0x39: {  	_ = 	snop;
	(pc) =	sbr.ind lr, $3  }
0x3a: {  	_ = 	snop  }
0x3b: {  	_ = 	snop  }
0x3c: {  	p2 =	seq.s32 s10, $0x1;
	s10 =	sld [smem:$0x3FBB]  }
0x3d: {  	_ =	shalt  }
0x3e: {  	_ =	shalt  }
0x3f: {  	_ =	shalt  }
0x40: {  	_ =	shalt  }
0x41: {  	_ =	shalt  }
0x42: {  	_ =	shalt  }
0x43: {  	_ =	shalt  }
0x44: {  	_ =	shalt  }
0x45: {  	_ =	shalt  }
0x46: {  	_ =	shalt  }
0x47: {  	_ =	shalt  }
0x48: {  	_ =	shalt  }
0x49: {  	_ =	shalt  }
0x4a: {  	_ =	shalt  }
0x4b: {  	_ =	shalt  }
0x4c: {  	_ =	shalt  }
0x4d: {  	_ =	shalt  }
0x4e: {  	_ =	shalt  }
0x4f: {  	_ =	shalt  }
0x50: {  	_ =	shalt  }
0x51: {  	_ =	shalt  }
0x52: {  	_ =	shalt  }
0x53: {  	_ =	shalt  }
0x54: {  	_ =	shalt  }
0x55: {  	_ =	shalt  }
0x56: {  	_ =	shalt  }
0x57: {  	_ =	shalt  }
0x58: {  	_ =	shalt  }
0x59: {  	_ =	shalt  }
0x5a: {  	_ =	shalt  }
0x5b: {  	_ =	shalt  }
0x5c: {  	_ =	shalt  }
0x5d: {  	_ =	shalt  }
0x5e: {  	_ =	shalt  }
0x5f: {  	_ =	shalt  }
0x60: {  	_ =	shalt  }
0x61: {  	_ =	shalt  }
0x62: {  	_ =	shalt  }
0x63: {  	_ =	shalt  }
0x64: {  	_ =	shalt  }
0x65: {  	_ =	shalt  }
0x66: {  	_ =	shalt  }
0x67: {  	_ =	shalt  }
0x68: {  	_ =	shalt  }
0x69: {  	_ =	shalt  }
0x6a: {  	_ =	shalt  }
0x6b: {  	_ =	shalt  }
0x6c: {  	_ =	shalt  }
0x6d: {  	_ =	shalt  }
0x6e: {  	_ =	shalt  }
0x6f: {  	_ =	shalt  }
0x70: {  	_ =	shalt  }
0x71: {  	_ =	shalt  }
0x72: {  	_ =	shalt  }
0x73: {  	_ =	shalt  }
0x74: {  	_ =	shalt  }
0x75: {  	_ =	shalt  }
0x76: {  	_ =	shalt  }
0x77: {  	_ =	shalt  }
0x78: {  	_ =	shalt  }
0x79: {  	_ =	shalt  }
0x7a: {  	_ =	shalt  }
0x7b: {  	_ =	shalt  }
0x7c: {  	_ =	shalt  }
0x7d: {  	_ =	shalt  }
0x7e: {  	_ =	shalt  }
0x7f: {  	_ =	shalt  }
0x80: {  	_ =	shalt  }
0x81: {  	_ =	shalt  }
0x82: {  	_ =	shalt  }
0x83: {  	_ =	shalt  }
0x84: {  	_ =	shalt  }
0x85: {  	_ =	shalt  }
0x86: {  	_ =	shalt  }
0x87: {  	_ =	shalt  }
.Lfunc_end0:
.L_simem_size_0:
called_computation_lowered:
.L_overlay_start_0:
0x88: {  	s2 =	sld [smem:$0x3FD9]  }
0x89: {  	s3 =	sld [smem:$0x3FFE];
	_ =	sdelay $0x1  }
0x8a: {  	s1 =	srdreg.scid  }
0x8b: {  	s0 =	sand.u32 $0x1, s1  }
0x8c: {  	s16 =	sshll.u32 s0, $0xA;
	s2 =	sadd.s32 s3, s2  }
0x8d: {  	s2 =	sadd.s32 s2, s16  }
0x8e: {  	[smem:$0x3FC7] =	sst s2  }
0x8f: {  	_ = 	snop  }
0x90: {  	(tm) =	ssettm $0x1  }
0x91: {  	s17 =	sld [smem:$0x3FFB];
	_ =	sdelay $0x3  }
0x92: {  	_ =	strace s17  }
0x93: {  	s2 =	sld [smem:$0x3FFC];
	_ =	sdelay $0x3  }
0x94: {  	_ =	strace s2  }
0x95: {  	s2 =	sld [smem:$0x3FFD];
	_ =	sdelay $0x3  }
0x96: {  	_ =	strace s2  }
0x97: {  	_ =	strace $0x8FFFFFFF  }
0x98: {  	s18 =	sld [smem:$0x3FDB];
	_ =	sdelay $0x1  }
0x99: {  	s19 =	simm.s32 $_scs_section_size  }
0x9a: {  	s4 =	simm.s32 $_size__tile_overlayer_lowered;
	s5 =	simm.s32 $_tile_overlayer_lowered  }
0x9b: {  	s22 =	simm.s32 $0x1BFF;
	s21 =	sshll.u32 s5, $0x1;
	s2 =	sadd.s32 s19, s18  }
0x9c: {  	s6 =	simm.s32 $0x0;
	s20 =	sshll.u32 s4, $0x1;
	s4 =	sadd.s32 s21, s2  }
0x9d: {  	[timem:s6], [sflag:s22] =	dma.local [hbm:s4], s20  }
0x9e: {  	_ =	swait.ge [sflag:s22], s20  }
0x9f: {  	s3 =	ssub.s32 $0x0, s20;
	[sflag:s22] =	ssyncset.done $0x0  }
0xa0: {  	[sflag:s22] =	ssyncadd.s32 s3;
	_ =	sdelay $0x1  }
0xa1: {  	s23 =	simm.s32 $0x1B8B  }
0xa2: {  	_ =	swait.ge [sflag:s23], $0x1  }
0xa3: {  	[sflag:s23] =	ssyncset.done $0x0  }
0xa4: {  	s25 =	simm.s32 $0x1B8E;
	s24 =	sld [smem:$0x3FFE];
	[sflag:s23] =	ssyncadd.s32 $0xFFFFFFFF  }
0xa5: {  	s26 =	simm.s32 $execute0_lowered;
	[smem:$0x3FD2] =	sst s25  }
0xa6: {  	s4 =	sshll.u32 s26, $0x1;
	_ =	strace $0x80000046;
	[dreg:$0x1] =	wrdreg $0xFFFFFFFF  }
0xa7: {  	s28 =	simm.s32 $_size_execute0_lowered;
	s2 =	sadd.s32 s2, s4;
	[dreg:$0x0] =	wrdreg $0x0  }
0xa8: {  	s4 =	sshll.u32 s28, $0x1;
	[dreg:$0x2] =	wrdreg s2  }
0xa9: {  	[dreg:$0x3] =	wrdreg s4  }
0xaa: {  	[dreg:$0x4] =	wrdreg $0xC0  }
0xab: {  	_ =	task [dreg:s6], $0x5FFFF  }
0xac: {  	[dreg:$0x1] =	wrdreg $0xFFFFFFFF  }
0xad: {  	[dreg:$0x0] =	wrdreg $0x60  }
0xae: {  	[dreg:$0x2] =	wrdreg s24  }
0xaf: {  	[dreg:$0x3] =	wrdreg $0x14C800  }
0xb0: {  	[dreg:$0x4] =	wrdreg $0x14F000  }
0xb1: {  	[dreg:$0x5] =	wrdreg $0x9  }
0xb2: {  	_ =	task.clear_ibuf [dreg:s6], $0x6FFFF;
	_ =	strace $0x90000046  }
0xb3: {  	s29 =	simm.s32 $0x9;
	_ =	strace $0x80000048  }
0xb4: {  	_ =	swait.ge [sflag:s29], $0x1  }
0xb5: {  	[sflag:s29] =	ssyncadd.s32 $0xFFFFFFFF  }
0xb6: {  	_ =	strace $0x90000048  }
0xb7: {  	_ =	sfence  }
0xb8: {  	s30 =	sld [smem:$0x0];
	_ =	sdelay $0x2  }
0xb9: {  	s31 =	sshll.u32 s1, $0xD;
	s1 =	sshrl.u32 s1, $0x2  }
0xba: {  	s3 =	sand.u32 $0x4000, s31;
	s1 =	sadd.s32 s1, s30  }
0xbb: {  	s0 =	sor.u32 s3, s0;
	s1 =	sshll.u32 s1, $0x11  }
0xbc: {  	s0 =	sor.u32 s1, s0  }
0xbd: {  	s0 =	sadd.s32 $0x8F2B, s0  }
0xbe: {  	[sflag:s0] =	ssyncadd.remote.s32 $0x1  }
0xbf: {  	_ =	sfence.sel $0xFFFF  }
0xc0: {  	[dreg:$0x0] =	wrdreg $0xFFFFFFFF;
	(pc) =	sbr.abs _section_cstart, $3  }
0xc1: {  	[dreg:$0x1] =	wrdreg $0xFFFFFFFF  }
0xc2: {  	_ =	task.clear_ibuf [dreg:s6], $0x2FFFF;
	_ =	strace $0x9FFFFFFF  }
0xc3: {  	(tm) =	ssettm $0x7FFFFFFF  }
tec
execute0_lowered:
.L_overlay_start_1:
0x0: {  	(tag) =	ssettag $0x1  }
0x1: {  	s0 =	srdreg.scid;
	s1 =	rddreg [dreg:$0x0]  }
0x2: {  	s8 =	stileid.u32;
	s2 =	rddreg [dreg:$0x1]  }
0x3: {  	s10 =	rddreg [dreg:$0x2];
	s26 =	simm.s32 $0x0;
	s18 =	simm.s32 $0x1  }
0x4: {  	s19 =	simm.s32 $0xA000;
	s20 =	simm.s32 $0x2;
	s21 =	simm.s32 $0x14000  }
0x5: {  	s22 =	simm.s32 $0x3;
	s23 =	simm.s32 $0x14280;
	s24 =	simm.s32 $0x14500  }
0x6: {  	s25 =	simm.s32 $0x14780;
	s28 =	simm.s32 $0x0;
	s29 =	simm.s32 $0x0  }
0x7: {  	s0 =	sand.u32 $0x1, s0;
	s4 =	sshrl.u32 s8, $0x2;
	s11 =	sand.u32 $0x3, s8  }
0x8: {  	[smem:$0x7FF] =	sst s26;
	s14 =	smul.u32 $0x280, s8;
	s3 =	sshll.u32 s0, $0x2  }
0x9: {  	s6 =	smul.u32 $0x140000, s11;
	_ =	strace $0x80000047;
	s0 =	ssub.s32 $0x2, s0  }
0xa: {  	p0 =	sne.s32 s11, $0x0;
	s3 =	sor.u32 s4, s3;
	s4 =	sadd.s32 $0x400, s1  }
0xb: {  	s7 =	sshrl.u32 s0, $0x1;
	s8 =	sadd.s32 s14, s2;
	s9 =	sadd.s32 s14, s10  }
0xc: {  	s12 =	sadd.s32 $0x280, s14;
	s30 =	sadd.s32 $0x500, s14;
	s5 =	smul.u32 $0x50, s3  }
0xd: {  	s15 =	sadd.s32 $0x780, s14;
	s3 =	smul.u32 $0x500000, s3;
	s13 =	sadd.s32 s12, s2  }
0xe: {  	s0 =	ssub.s32 s0, s7;
	s12 =	sadd.s32 s12, s10;
	[dreg:$0x4] =	wrdreg s13  }
.Ltmp0:
0xf: {  	s31 =	sadd.s32 s30, s2;
	[dreg:$0x5] =	wrdreg s12;
	(pc) =	sbr.rel .LBB2_1-.Ltmp0, $4  }
0x10: {  	s14 =	sadd.s32 s15, s2;
	s15 =	sadd.s32 s15, s10;
	[dreg:$0x6] =	wrdreg s31  }
0x11: {  	s13 =	sadd.s32 s30, s10;
	s17 =	smax.u32 s0, $0x1;
	s6 =	sadd.s32 s6, s3  }
0x12: {  	v0 =	vimm.f32 $+Inf;
	v1 =	vimm.s32 $0x0;
	s1 =	sadd.s32 s5, s1;
	s5 =	sshll.u32 s11, $0xB;
	s6 =	sshrl.u32 s6, $0x3  }
0x13: {  	v2 =	vimm.s32 $0x3;
	v3 =	vimm.s32 $0x5;
	v4 =	vimm.s32 $0x7;
	s7 =	sor.u32 $0x80, s5;
	s16 =	sadd.s32 $0x500400, s1;
	s6 =	sadd.s32 s4, s6  }
.LBB2_19:
0x14: {  	s28 =	sadd.s32 $0x1, s28  }
0x15: {  	p1 =	sne.s32 s28, s17  }
.Ltmp1:
0x16: {  	_ = 	snop;
	(pc) =	sbr.rel @!p1 .LBB2_20-.Ltmp1, $1  }
0x17: {  	_ =	sdelay $0x3  }
.LBB2_1:
0x18: {  	s0 =	simm.s32 $0x40;
	s1 =	simm.s32 $0x0  }
.LBB2_2:
0x19: {  	p1 =	sne.s32 s0, $0x8C0;
	[tilespmem:s1+$0x14000] =	vst v0;
	s2 =	smov.u32 s0;
	s0 =	sadd.s32 $0x40, s0  }
.Ltmp2:
0x1a: {  	[tilespmem:s1+$0x14280] =	vst v1;
	(pc) =	sbr.rel @p1 .LBB2_2-.Ltmp2, $2  }
0x1b: {  	_ =	sdelay $0x2  }
0x1c: {  	s1 =	sshra.s32 s2, $0x2  }
0x1d: {  	[tilespmem:s1+$0x14000] =	vst v0  }
0x1e: {  	[tilespmem:s1+$0x14280] =	vst v1;
	s30 =	simm.s32 $0x0  }
0x1f: {  	[tilespmem:s29], [sflag:$0x1] =	stream.linear.gather [hbm4b:s6+s29], $0xA000, $0x38;
	[tilespmem:$0x15180] =	vst v63  }
.LBB2_4:
0x20: {  	s1 =	sshll.u32 s30, $0x7  }
0x21: {  	s2 =	sor.u32 s1, s5  }
0x22: {  	s31 =	sor.u32 $0x40, s2  }
0x23: {  	s0 =	sshrl.u32 s31, $0x3  }
0x24: {  	s0 =	smul.u32 $0x1400, s0;
	_ =	sdelay $0x1  }
0x25: {  	_ =	swait.ge [sflag:s18], $0xA000;
	s0 =	sadd.s32 s3, s0  }
0x26: {  	s12 =	sand.u32 $0x70, s29;
	[sflag:s18] =	ssyncset.done $0x0;
	s0 =	sshrl.u32 s0, $0x3  }
0x27: {  	s10 =	sand.u32 $0x1C00, s29;
	[sflag:s18] =	ssyncadd.s32 $0xFFFF6000;
	s0 =	sadd.s32 s4, s0  }
0x28: {  	[tilespmem:s19], [sflag:$0x2] =	stream.linear.gather [hbm4b:s0+s29], $0xA000, $0x38;
	[tilespmem:$0x15180] =	vst v63  }
0x29: {  	s0 =	sor.u32 s12, s10  }
0x2a: {  	v13 =	vld [tilespmem:s0+$0x8D80]  }
0x2b: {  	v14 =	vld [tilespmem:s0+$0x8D00]  }
0x2c: {  	v15 =	vld [tilespmem:s0+$0x8E80]  }
0x2d: {  	v16 =	vld [tilespmem:s0+$0x8E00]  }
0x2e: {  	v17 =	vld [tilespmem:s0+$0x8F80]  }
0x2f: {  	v18 =	vld [tilespmem:s0+$0x8F00]  }
0x30: {  	v19 =	vld [tilespmem:s0+$0x8C80]  }
0x31: {  	v20 =	vld [tilespmem:s0+$0x8C00]  }
0x32: {  	v21 =	vld [tilespmem:s0+$0x7980]  }
0x33: {  	v22 =	vld [tilespmem:s0+$0x7900]  }
0x34: {  	v23 =	vld [tilespmem:s0+$0x7A80]  }
0x35: {  	v24 =	vld [tilespmem:s0+$0x7A00]  }
0x36: {  	v25 =	vld [tilespmem:s0+$0x7B80]  }
0x37: {  	v26 =	vld [tilespmem:s0+$0x7B00]  }
0x38: {  	v12 =	vmov s2;
	v27 =	vld [tilespmem:s0+$0x7880]  }
0x39: {  	v11 =	vor.u32 $0x8, v12;
	v28 =	vld [tilespmem:s0+$0x7800]  }
0x3a: {  	v10 =	vor.u32 $0x10, v12;
	v9 =	vor.u32 $0x18, v12;
	v8 =	vor.u32 $0x20, v12;
	v57 =	vld [tilespmem:s0+$0x180]  }
0x3b: {  	v7 =	vor.u32 $0x28, v12;
	v6 =	vor.u32 $0x30, v12;
	v5 =	vor.u32 $0x38, v12;
	v58 =	vld [tilespmem:s0+$0x100]  }
0x3c: {  	v29 =	vld [tilespmem:s0+$0x6580];
	vm0 =	vle.f32 v14, v13;
	v13 =	vmin.f32 v14, v13;
	vm6 =	vle.f32 v16, v15  }
0x3d: {  	v30 =	vld [tilespmem:s0+$0x6500];
	v15 =	vmin.f32 v16, v15;
	vm1 =	vle.f32 v18, v17;
	v17 =	vmin.f32 v18, v17  }
0x3e: {  	v31 =	vld [tilespmem:s0+$0x6680];
	vm7 =	vle.f32 v20, v19;
	v19 =	vmin.f32 v20, v19;
	vm11 =	vle.f32 v22, v21  }
0x3f: {  	v32 =	vld [tilespmem:s0+$0x6600];
	vm12 =	vle.f32 v24, v23;
	vm13 =	vle.f32 v26, v25;
	v25 =	vmin.f32 v26, v25  }
0x40: {  	v33 =	vld [tilespmem:s0+$0x6780];
	vm14 =	vle.f32 v28, v27;
	v27 =	vmin.f32 v28, v27;
	vm3 =	vle.f32 v58, v57  }
0x41: {  	v34 =	vld [tilespmem:s0+$0x6700];
	v14 =	vsel vm0, $0x2, v2;
	v16 =	vsel vm6, $0x4, v3;
	v18 =	vsel vm1, $0x6, v4  }
0x42: {  	v36 =	vld [tilespmem:s0+$0x5300];
	vm8 =	vle.f32 v15, v17;
	v15 =	vmin.f32 v15, v17;
	vm0 =	vmneg vm7  }
0x43: {  	v40 =	vld [tilespmem:s0+$0x3D80];
	vm9 =	vle.f32 v19, v13;
	v13 =	vmin.f32 v19, v13;
	v35 =	vsel vm13, $0x6, v4  }
0x44: {  	v41 =	vld [tilespmem:s0+$0x3E00];
	vm1 =	vmneg vm14;
	vm6 =	vle.f32 v30, v29;
	vm7 =	vle.f32 v32, v31  }
0x45: {  	v37 =	vld [tilespmem:s0+$0x3F80];
	v16 =	vsel vm8, v16, v18;
	v20 =	vsel vm0, $0x1, v1;
	vm10 =	vle.f32 v13, v15  }
0x46: {  	v26 =	vld [tilespmem:s0+$0x5380];
	v13 =	vmin.f32 v13, v15;
	v15 =	vmin.f32 v22, v21;
	v22 =	vmin.f32 v24, v23  }
0x47: {  	v17 =	vld [tilespmem:s0+$0x6480];
	v24 =	vsel vm12, $0x4, v3;
	v28 =	vsel vm1, $0x1, v1;
	vm8 =	vle.f32 v34, v33  }
0x48: {  	v19 =	vld [tilespmem:s0+$0x5180];
	v42 =	vsel vm7, $0x4, v3;
	v14 =	vsel vm9, v20, v14;
	vm15 =	vle.f32 v22, v25  }
0x49: {  	v18 =	vld [tilespmem:s0+$0x6400];
	v22 =	vmin.f32 v22, v25;
	vm4 =	vle.f32 v27, v15;
	v15 =	vmin.f32 v27, v15  }
0x4a: {  	v21 =	vld [tilespmem:s0+$0x5280];
	v43 =	vsel vm8, $0x6, v4;
	v14 =	vsel vm10, v14, v16;
	v16 =	vsel vm11, $0x2, v2  }
0x4b: {  	v23 =	vld [tilespmem:s0+$0x5200];
	v24 =	vsel vm15, v24, v35;
	vm5 =	vle.f32 v15, v22;
	v28 =	vsel vm4, v28, v16  }
0x4c: {  	v20 =	vld [tilespmem:s0+$0x5100];
	v16 =	vmin.f32 v15, v22;
	vm14 =	vle.f32 v36, v26;
	v26 =	vmin.f32 v36, v26  }
0x4d: {  	v25 =	vld [tilespmem:s0+$0x5080];
	v15 =	vsel vm5, v28, v24;
	v24 =	vmin.f32 v30, v29;
	v28 =	vsel vm6, $0x2, v2  }
0x4e: {  	v27 =	vld [tilespmem:s0+$0x5000];
	v30 =	vmin.f32 v32, v31;
	v31 =	vmin.f32 v34, v33;
	v46 =	vsel vm14, $0x6, v4  }
0x4f: {  	v44 =	vld [tilespmem:s0+$0x3C80];
	vm9 =	vle.f32 v30, v31;
	vm10 =	vle.f32 v18, v17;
	v17 =	vmin.f32 v18, v17  }
0x50: {  	v47 =	vld [tilespmem:s0+$0x2900];
	v18 =	vmin.f32 v30, v31;
	vm13 =	vle.f32 v23, v21;
	v21 =	vmin.f32 v23, v21  }
0x51: {  	v48 =	vld [tilespmem:s0+$0x2A00];
	vm1 =	vmneg vm10;
	v31 =	vmin.f32 v17, v24;
	v33 =	vsel vm9, v42, v43  }
0x52: {  	v50 =	vld [tilespmem:s0+$0x2800];
	vm11 =	vle.f32 v17, v24;
	vm2 =	vle.f32 v20, v19;
	v19 =	vmin.f32 v20, v19  }
0x53: {  	v22 =	vld [tilespmem:s0+$0x3D00];
	v45 =	vsel vm13, $0x4, v3;
	vm15 =	vle.f32 v27, v25;
	vm4 =	vle.f32 v21, v26  }
0x54: {  	v51 =	vld [tilespmem:s0+$0x1500];
	v21 =	vmin.f32 v21, v26;
	v25 =	vmin.f32 v27, v25;
	v38 =	vsel vm1, $0x1, v1  }
0x55: {  	v29 =	vld [tilespmem:s0+$0x3E80];
	vm12 =	vle.f32 v31, v18;
	v18 =	vmin.f32 v31, v18;
	v20 =	vsel vm2, $0x2, v2  }
0x56: {  	v30 =	vld [tilespmem:s0+$0x3F00];
	vm0 =	vmneg vm15;
	v27 =	vsel vm4, v45, v46;
	vm5 =	vle.f32 v25, v19  }
0x57: {  	v23 =	vld [tilespmem:s0+$0x2980];
	v19 =	vmin.f32 v25, v19;
	v17 =	vsel vm11, v38, v28;
	v49 =	vsel vm0, $0x1, v1  }
0x58: {  	v24 =	vld [tilespmem:s0+$0x3C00];
	vm6 =	vle.f32 v19, v21;
	v21 =	vmin.f32 v19, v21;
	vm7 =	vle.f32 v22, v40  }
0x59: {  	v26 =	vld [tilespmem:s0+$0x2A80];
	v22 =	vmin.f32 v22, v40;
	v17 =	vsel vm12, v17, v33;
	v20 =	vsel vm5, v49, v20  }
0x5a: {  	v53 =	vld [tilespmem:s0+$0x1680];
	vm8 =	vle.f32 v41, v29;
	v29 =	vmin.f32 v41, v29;
	v19 =	vsel vm6, v20, v27  }
0x5b: {  	v56 =	vld [tilespmem:s0+$0x1480];
	v27 =	vsel vm7, $0x2, v2;
	v52 =	vsel vm8, $0x4, v3;
	vm9 =	vle.f32 v30, v37  }
0x5c: {  	v25 =	vld [tilespmem:s0+$0x2880];
	v30 =	vmin.f32 v30, v37;
	vm15 =	vle.f32 v47, v23;
	v23 =	vmin.f32 v47, v23  }
0x5d: {  	s26 =	sor.u32 s29, s29;
	v31 =	vld [tilespmem:s0+$0x2B00];
	vm10 =	vle.f32 v24, v44;
	v39 =	vsel vm9, $0x6, v4;
	vm11 =	vle.f32 v29, v30  }
0x5e: {  	s2 =	sor.u32 $0x380, s26;
	v28 =	vld [tilespmem:s0+$0x2B80];
	v24 =	vmin.f32 v24, v44;
	v29 =	vmin.f32 v29, v30;
	vm4 =	vle.f32 v48, v26  }
0x5f: {  	v61 =	vld [tilespmem:s2+$0x0];
	v26 =	vmin.f32 v48, v26;
	v59 =	vsel vm15, $0x2, v2;
	v44 =	vsel vm3, $0x2, v2  }
0x60: {  	v40 =	vld [tilespmem:s0+$0x1600];
	vm1 =	vmneg vm10;
	vm12 =	vle.f32 v24, v22;
	v22 =	vmin.f32 v24, v22  }
0x61: {  	v62 =	vld [tilespmem:s0+$0x80];
	v55 =	vsel vm11, v52, v39;
	v60 =	vsel vm4, $0x4, v3;
	vm6 =	vle.f32 v50, v25  }
0x62: {  	v41 =	vld [tilespmem:s0+$0x280];
	v25 =	vmin.f32 v50, v25;
	v54 =	vsel vm1, $0x1, v1;
	vm13 =	vle.f32 v22, v29  }
0x63: {  	v20 =	vld [tilespmem:s0+$0x1580];
	vm14 =	vle.f32 v31, v28;
	v22 =	vmin.f32 v22, v29;
	v28 =	vmin.f32 v31, v28  }
0x64: {  	v30 =	vld [tilespmem:s0+$0x1780];
	vm1 =	vmneg vm6;
	v36 =	vmin.f32 v25, v23;
	vm7 =	vle.f32 v25, v23  }
0x65: {  	v24 =	vld [tilespmem:s0+$0x1700];
	vm10 =	vle.f32 v40, v53;
	v37 =	vmin.f32 v40, v53;
	v27 =	vsel vm12, v54, v27  }
0x66: {  	v29 =	vld [tilespmem:s0+$0x1400];
	v31 =	vsel vm14, $0x6, v4;
	vm5 =	vle.f32 v26, v28;
	v26 =	vmin.f32 v26, v28  }
0x67: {  	v23 =	vld [tilespmem:s0+$0x300];
	v42 =	vsel vm1, $0x1, v1;
	v48 =	vsel vm10, $0x4, v3;
	v27 =	vsel vm13, v27, v55  }
0x68: {  	v28 =	vld [tilespmem:s0+$0x200];
	v31 =	vsel vm5, v60, v31;
	vm8 =	vle.f32 v36, v26;
	v25 =	vsel vm7, v42, v59  }
0x69: {  	vm9 =	vle.f32 v51, v20;
	v26 =	vmin.f32 v36, v26;
	v25 =	vsel vm8, v25, v31;
	v31 =	vld [tilespmem:s0+$0x0]  }
0x6a: {  	v20 =	vmin.f32 v51, v20;
	v63 =	vsel vm9, $0x2, v2;
	vm11 =	vle.f32 v24, v30  }
0x6b: {  	s0 =	simm.s32 $0x14000;
	v24 =	vmin.f32 v24, v30;
	v30 =	vsel vm11, $0x6, v4;
	v49 =	vmin.f32 v29, v56  }
0x6c: {  	v50 =	vld [tilespmem:s0+$0x0];
	vm12 =	vle.f32 v37, v24;
	v24 =	vmin.f32 v37, v24;
	vm13 =	vle.f32 v29, v56  }
0x6d: {  	v53 =	vmin.f32 v23, v61;
	vm4 =	vle.f32 v23, v61;
	v29 =	vsel vm12, v48, v30  }
0x6e: {  	v30 =	vmin.f32 v58, v57;
	v52 =	vmin.f32 v28, v41;
	v51 =	vmin.f32 v31, v62  }
0x6f: {  	vm0 =	vle.f32 v49, v20;
	v43 =	vmin.f32 v52, v53;
	v54 =	vmin.f32 v51, v30  }
0x70: {  	vm14 =	vmneg vm13;
	v20 =	vmin.f32 v49, v20;
	v55 =	vmin.f32 v54, v43  }
0x71: {  	vm9 =	vle.f32 v28, v41;
	v28 =	vsel vm4, $0x6, v4;
	vm1 =	vlt.f32 v55, v50  }
0x72: {  	vm15 =	vle.f32 v20, v24;
	v20 =	vmin.f32 v20, v24;
	v23 =	vsel vm1, v55, v50  }
0x73: {  	v56 =	vsel vm14, $0x1, v1;
	v24 =	vsel vm9, $0x4, v3;
	vm10 =	vlt.f32 v20, v23  }
0x74: {  	s26 =	simm.s32 $0x14280;
	vm5 =	vle.f32 v52, v53;
	vm11 =	vle.f32 v31, v62;
	v20 =	vsel vm10, v20, v23  }
0x75: {  	v24 =	vsel vm5, v24, v28;
	vm4 =	vmneg vm11;
	v23 =	vld [tilespmem:s26+$0x0];
	vm12 =	vlt.f32 v26, v20  }
0x76: {  	vm13 =	vle.f32 v51, v30;
	v28 =	vsel vm4, $0x1, v1;
	v20 =	vsel vm12, v26, v20  }
0x77: {  	vm14 =	vle.f32 v54, v43;
	v26 =	vsel vm13, v28, v44;
	vm6 =	vlt.f32 v22, v20  }
0x78: {  	v24 =	vsel vm14, v26, v24;
	v26 =	vsel vm0, v56, v63;
	v20 =	vsel vm6, v22, v20  }
0x79: {  	v22 =	vor.u32 v12, v24;
	v24 =	vsel vm15, v26, v29;
	vm15 =	vlt.f32 v21, v20  }
0x7a: {  	v22 =	vsel vm1, v22, v23;
	v23 =	vor.u32 v24, v11;
	v20 =	vsel vm15, v21, v20  }
0x7b: {  	v21 =	vsel vm10, v23, v22;
	v22 =	vor.u32 v25, v10;
	vm4 =	vlt.f32 v18, v20  }
0x7c: {  	v21 =	vsel vm12, v22, v21;
	v22 =	vor.u32 v27, v9;
	v18 =	vsel vm4, v18, v20  }
0x7d: {  	v19 =	vor.u32 v19, v8;
	v20 =	vsel vm6, v22, v21;
	vm7 =	vlt.f32 v16, v18  }
0x7e: {  	v17 =	vor.u32 v17, v7;
	v19 =	vsel vm15, v19, v20;
	v16 =	vsel vm7, v16, v18  }
0x7f: {  	v15 =	vor.u32 v15, v6;
	v17 =	vsel vm4, v17, v19;
	vm8 =	vlt.f32 v13, v16  }
0x80: {  	s11 =	simm.s32 $0x10;
	s2 =	simm.s32 $0x80;
	v14 =	vor.u32 v14, v5;
	v15 =	vsel vm7, v15, v17;
	v13 =	vsel vm8, v13, v16  }
0x81: {  	s10 =	sand.u32 $0x70, s11;
	s12 =	sand.u32 $0x1C00, s2;
	v14 =	vsel vm8, v14, v15;
	[tilespmem:s0+$0x0] =	vst v13  }
0x82: {  	s10 =	sor.u32 s10, s12;
	[tilespmem:s26+$0x0] =	vst v14  }
0x83: {  	v13 =	vld [tilespmem:s10+$0x8D80]  }
0x84: {  	v14 =	vld [tilespmem:s10+$0x8D00]  }
0x85: {  	v15 =	vld [tilespmem:s10+$0x8E80]  }
0x86: {  	v16 =	vld [tilespmem:s10+$0x8E00]  }
0x87: {  	v17 =	vld [tilespmem:s10+$0x8F80]  }
0x88: {  	v18 =	vld [tilespmem:s10+$0x8F00]  }
0x89: {  	v19 =	vld [tilespmem:s10+$0x8C80]  }
0x8a: {  	v20 =	vld [tilespmem:s10+$0x8C00]  }
0x8b: {  	v21 =	vld [tilespmem:s10+$0x7980]  }
0x8c: {  	v22 =	vld [tilespmem:s10+$0x7900]  }
0x8d: {  	v23 =	vld [tilespmem:s10+$0x7A80]  }
0x8e: {  	v24 =	vld [tilespmem:s10+$0x7A00]  }
0x8f: {  	v25 =	vld [tilespmem:s10+$0x7B80]  }
0x90: {  	v26 =	vld [tilespmem:s10+$0x7B00]  }
0x91: {  	v27 =	vld [tilespmem:s10+$0x7880]  }
0x92: {  	v28 =	vld [tilespmem:s10+$0x7800]  }
0x93: {  	v46 =	vld [tilespmem:s10+$0x3C80]  }
0x94: {  	v48 =	vld [tilespmem:s10+$0x3C00]  }
0x95: {  	v52 =	vld [tilespmem:s10+$0x2880]  }
0x96: {  	v53 =	vld [tilespmem:s10+$0x2800]  }
0x97: {  	v54 =	vld [tilespmem:s10+$0x1580]  }
0x98: {  	v55 =	vld [tilespmem:s10+$0x1500];
	vm9 =	vle.f32 v14, v13;
	v13 =	vmin.f32 v14, v13;
	vm10 =	vle.f32 v16, v15  }
0x99: {  	v29 =	vld [tilespmem:s10+$0x6580];
	v15 =	vmin.f32 v16, v15;
	vm11 =	vle.f32 v18, v17;
	v17 =	vmin.f32 v18, v17  }
0x9a: {  	v30 =	vld [tilespmem:s10+$0x6500];
	vm12 =	vle.f32 v20, v19;
	v19 =	vmin.f32 v20, v19;
	vm4 =	vle.f32 v22, v21  }
0x9b: {  	v31 =	vld [tilespmem:s10+$0x6680];
	vm5 =	vle.f32 v24, v23;
	vm6 =	vle.f32 v26, v25;
	v25 =	vmin.f32 v26, v25  }
0x9c: {  	v57 =	vld [tilespmem:s10+$0x6600];
	vm7 =	vle.f32 v28, v27;
	v27 =	vmin.f32 v28, v27;
	v34 =	vmin.f32 v48, v46  }
0x9d: {  	v38 =	vmin.f32 v53, v52;
	v39 =	vmin.f32 v55, v54;
	v14 =	vsel vm9, $0x2, v2  }
0x9e: {  	v58 =	vld [tilespmem:s10+$0x6780];
	v16 =	vsel vm10, $0x4, v3;
	v18 =	vsel vm11, $0x6, v4;
	vm13 =	vle.f32 v15, v17  }
0x9f: {  	v59 =	vld [tilespmem:s10+$0x6700];
	v15 =	vmin.f32 v15, v17;
	vm0 =	vmneg vm12;
	vm14 =	vle.f32 v19, v13  }
0xa0: {  	v13 =	vmin.f32 v19, v13;
	v60 =	vsel vm6, $0x6, v4;
	vm1 =	vmneg vm7  }
0xa1: {  	vm11 =	vle.f32 v30, v29;
	vm12 =	vle.f32 v57, v31;
	v16 =	vsel vm13, v16, v18  }
0xa2: {  	v61 =	vld [tilespmem:s10+$0x5300];
	v20 =	vsel vm0, $0x1, v1;
	vm15 =	vle.f32 v13, v15;
	v13 =	vmin.f32 v13, v15  }
0xa3: {  	v26 =	vld [tilespmem:s10+$0x5380];
	v15 =	vmin.f32 v22, v21;
	v22 =	vmin.f32 v24, v23;
	v24 =	vsel vm5, $0x4, v3  }
0xa4: {  	v17 =	vld [tilespmem:s10+$0x6480];
	v28 =	vsel vm1, $0x1, v1;
	vm13 =	vle.f32 v59, v58;
	v43 =	vsel vm12, $0x4, v3  }
0xa5: {  	v19 =	vld [tilespmem:s10+$0x5180];
	v14 =	vsel vm14, v20, v14;
	vm8 =	vle.f32 v22, v25;
	v22 =	vmin.f32 v22, v25  }
0xa6: {  	v18 =	vld [tilespmem:s10+$0x6400];
	vm9 =	vle.f32 v27, v15;
	v15 =	vmin.f32 v27, v15;
	v44 =	vsel vm13, $0x6, v4  }
0xa7: {  	v21 =	vld [tilespmem:s10+$0x5280];
	v14 =	vsel vm15, v14, v16;
	v16 =	vsel vm4, $0x2, v2;
	v24 =	vsel vm8, v24, v60  }
0xa8: {  	v23 =	vld [tilespmem:s10+$0x5200];
	vm10 =	vle.f32 v15, v22;
	v28 =	vsel vm9, v28, v16;
	v16 =	vmin.f32 v15, v22  }
0xa9: {  	v20 =	vld [tilespmem:s10+$0x5100];
	vm8 =	vle.f32 v61, v26;
	v26 =	vmin.f32 v61, v26;
	v15 =	vsel vm10, v28, v24  }
0xaa: {  	v25 =	vld [tilespmem:s10+$0x5080];
	v24 =	vmin.f32 v30, v29;
	v30 =	vmin.f32 v57, v31;
	v31 =	vmin.f32 v59, v58  }
0xab: {  	v27 =	vld [tilespmem:s10+$0x5000];
	v28 =	vsel vm11, $0x2, v2;
	v49 =	vsel vm8, $0x6, v4;
	vm14 =	vle.f32 v30, v31  }
0xac: {  	v62 =	vld [tilespmem:s10+$0x3D80];
	vm15 =	vle.f32 v18, v17;
	v17 =	vmin.f32 v18, v17;
	v18 =	vmin.f32 v30, v31  }
0xad: {  	v63 =	vld [tilespmem:s10+$0x3E00];
	vm7 =	vle.f32 v23, v21;
	v21 =	vmin.f32 v23, v21;
	vm1 =	vmneg vm15  }
0xae: {  	v45 =	vld [tilespmem:s10+$0x3F80];
	v31 =	vmin.f32 v17, v24;
	v33 =	vsel vm14, v43, v44;
	vm4 =	vle.f32 v17, v24  }
0xaf: {  	v50 =	vld [tilespmem:s10+$0x2900];
	vm6 =	vle.f32 v20, v19;
	v19 =	vmin.f32 v20, v19;
	v24 =	vsel vm7, $0x4, v3  }
0xb0: {  	v22 =	vld [tilespmem:s10+$0x3D00];
	vm9 =	vle.f32 v27, v25;
	vm10 =	vle.f32 v21, v26;
	v21 =	vmin.f32 v21, v26  }
0xb1: {  	s11 =	sor.u32 s2, s11;
	v32 =	vld [tilespmem:s10+$0x1480];
	v25 =	vmin.f32 v27, v25;
	v47 =	vsel vm1, $0x1, v1;
	vm5 =	vle.f32 v31, v18  }
0xb2: {  	s11 =	sor.u32 $0x380, s11;
	v29 =	vld [tilespmem:s10+$0x3E80];
	v18 =	vmin.f32 v31, v18;
	v20 =	vsel vm6, $0x2, v2;
	vm0 =	vmneg vm9  }
0xb3: {  	v36 =	vld [tilespmem:s11+$0x0];
	v24 =	vsel vm10, v24, v49;
	vm11 =	vle.f32 v25, v19;
	v19 =	vmin.f32 v25, v19  }
0xb4: {  	v30 =	vld [tilespmem:s10+$0x3F00];
	v17 =	vsel vm4, v47, v28;
	v51 =	vsel vm0, $0x1, v1;
	vm12 =	vle.f32 v19, v21  }
0xb5: {  	v23 =	vld [tilespmem:s10+$0x2980];
	vm13 =	vle.f32 v22, v62;
	vm4 =	vle.f32 v48, v46;
	v17 =	vsel vm5, v17, v33  }
0xb6: {  	v26 =	vld [tilespmem:s10+$0x2A80];
	v25 =	vsel vm11, v51, v20;
	v20 =	vmin.f32 v19, v21;
	v21 =	vmin.f32 v22, v62  }
0xb7: {  	v27 =	vld [tilespmem:s10+$0x2A00];
	v22 =	vsel vm13, $0x2, v2;
	vm14 =	vle.f32 v63, v29;
	vm1 =	vmneg vm4  }
0xb8: {  	v31 =	vld [tilespmem:s10+$0x2B00];
	v19 =	vsel vm12, v25, v24;
	v25 =	vmin.f32 v63, v29;
	v56 =	vsel vm14, $0x4, v3  }
0xb9: {  	v28 =	vld [tilespmem:s10+$0x2B80];
	vm15 =	vle.f32 v30, v45;
	v30 =	vmin.f32 v30, v45;
	v58 =	vsel vm1, $0x1, v1  }
0xba: {  	v33 =	vld [tilespmem:s10+$0x200];
	vm6 =	vle.f32 v34, v21;
	v21 =	vmin.f32 v34, v21;
	vm9 =	vle.f32 v50, v23  }
0xbb: {  	v24 =	vld [tilespmem:s10+$0x1680];
	v23 =	vmin.f32 v50, v23;
	vm12 =	vle.f32 v53, v52;
	v57 =	vsel vm15, $0x6, v4  }
0xbc: {  	v29 =	vld [tilespmem:s10+$0x1600];
	vm5 =	vle.f32 v25, v30;
	v25 =	vmin.f32 v25, v30;
	v37 =	vsel vm6, v58, v22  }
0xbd: {  	v34 =	vld [tilespmem:s10+$0x1700];
	vm10 =	vle.f32 v27, v26;
	v26 =	vmin.f32 v27, v26;
	v60 =	vsel vm9, $0x2, v2  }
0xbe: {  	v30 =	vld [tilespmem:s10+$0x1780];
	vm1 =	vmneg vm12;
	vm13 =	vle.f32 v38, v23;
	vm15 =	vle.f32 v55, v54  }
0xbf: {  	v27 =	vld [tilespmem:s10+$0x280];
	v35 =	vsel vm5, v56, v57;
	vm7 =	vle.f32 v21, v25;
	v22 =	vmin.f32 v21, v25  }
0xc0: {  	v25 =	vld [tilespmem:s10+$0x180];
	v61 =	vsel vm10, $0x4, v3;
	v63 =	vsel vm1, $0x1, v1;
	vm8 =	vle.f32 v31, v28  }
0xc1: {  	v21 =	vsel vm7, v37, v35;
	v35 =	vld [tilespmem:s10+$0x1400];
	v28 =	vmin.f32 v31, v28;
	v59 =	vsel vm8, $0x6, v4  }
0xc2: {  	v31 =	vld [tilespmem:s10+$0x100];
	vm11 =	vle.f32 v26, v28;
	v26 =	vmin.f32 v26, v28;
	v28 =	vmin.f32 v38, v23  }
0xc3: {  	v37 =	vld [tilespmem:s10+$0x80];
	v23 =	vsel vm13, v63, v60;
	v62 =	vsel vm11, v61, v59;
	vm14 =	vle.f32 v28, v26  }
0xc4: {  	s11 =	simm.s32 $0x20;
	v38 =	vld [tilespmem:s10+$0x300];
	v28 =	vmin.f32 v28, v26;
	v26 =	vsel vm15, $0x2, v2;
	v23 =	vsel vm14, v23, v62  }
.LBB2_5:
0xc5: {  	p1 =	sne.s32 s11, $0x230;
	v40 =	vld [tilespmem:s10+$0x0];
	vm0 =	vle.f32 v29, v24;
	v24 =	vmin.f32 v29, v24;
	vm1 =	vle.f32 v34, v30  }
0xc6: {  	v30 =	vmin.f32 v34, v30;
	v29 =	vsel vm0, $0x4, v3;
	v34 =	vsel vm1, $0x6, v4  }
0xc7: {  	v41 =	vmin.f32 v35, v32;
	s0 =	sadd.s32 $0x10, s0;
	vm1 =	vle.f32 v24, v30;
	v24 =	vmin.f32 v24, v30  }
0xc8: {  	vm2 =	vle.f32 v35, v32;
	vm0 =	vle.f32 v41, v39;
	v29 =	vsel vm1, v29, v34;
	v30 =	vld [tilespmem:s0+$0x0]  }
0xc9: {  	v32 =	vmin.f32 v31, v25;
	vm2 =	vmneg vm2;
	v34 =	vmin.f32 v41, v39  }
0xca: {  	v39 =	vmin.f32 v33, v27;
	v41 =	vmin.f32 v38, v36;
	v35 =	vmin.f32 v40, v37  }
0xcb: {  	vm1 =	vle.f32 v34, v24;
	v43 =	vmin.f32 v39, v41;
	v42 =	vmin.f32 v35, v32  }
0xcc: {  	vm3 =	vle.f32 v31, v25;
	v31 =	vsel vm2, $0x1, v1;
	v25 =	vmin.f32 v42, v43  }
0xcd: {  	v44 =	vsel vm3, $0x2, v2;
	v24 =	vmin.f32 v34, v24;
	vm2 =	vlt.f32 v25, v30  }
0xce: {  	vm3 =	vle.f32 v33, v27;
	vm4 =	vle.f32 v38, v36;
	v25 =	vsel vm2, v25, v30  }
0xcf: {  	v27 =	vsel vm3, $0x4, v3;
	v30 =	vsel vm4, $0x6, v4;
	vm3 =	vlt.f32 v24, v25  }
0xd0: {  	s26 =	sadd.s32 $0x10, s26;
	vm5 =	vle.f32 v39, v41;
	vm4 =	vle.f32 v40, v37;
	v24 =	vsel vm3, v24, v25  }
0xd1: {  	vm4 =	vmneg vm4;
	v27 =	vsel vm5, v27, v30;
	v25 =	vld [tilespmem:s26+$0x0];
	vm5 =	vlt.f32 v28, v24  }
0xd2: {  	v30 =	vsel vm4, $0x1, v1;
	vm4 =	vle.f32 v35, v32;
	v24 =	vsel vm5, v28, v24  }
0xd3: {  	v28 =	vsel vm4, v30, v44;
	vm4 =	vle.f32 v42, v43;
	vm6 =	vlt.f32 v22, v24  }
0xd4: {  	v26 =	vsel vm0, v31, v26;
	v27 =	vsel vm4, v28, v27;
	v22 =	vsel vm6, v22, v24  }
0xd5: {  	v26 =	vsel vm1, v26, v29;
	v24 =	vor.u32 v12, v27;
	vm0 =	vlt.f32 v20, v22  }
0xd6: {  	v24 =	vsel vm2, v24, v25;
	v25 =	vor.u32 v26, v11;
	v20 =	vsel vm0, v20, v22  }
0xd7: {  	v23 =	vor.u32 v23, v10;
	v22 =	vsel vm3, v25, v24;
	vm1 =	vlt.f32 v18, v20  }
0xd8: {  	v21 =	vor.u32 v21, v9;
	v22 =	vsel vm5, v23, v22;
	v18 =	vsel vm1, v18, v20  }
0xd9: {  	v19 =	vor.u32 v19, v8;
	v20 =	vsel vm6, v21, v22;
	vm2 =	vlt.f32 v16, v18  }
0xda: {  	v17 =	vor.u32 v17, v7;
	v19 =	vsel vm0, v19, v20;
	v16 =	vsel vm2, v16, v18  }
0xdb: {  	v15 =	vor.u32 v15, v6;
	v17 =	vsel vm1, v17, v19;
	vm0 =	vlt.f32 v13, v16  }
0xdc: {  	v14 =	vor.u32 v14, v5;
	s2 =	sadd.s32 $0x80, s2;
	v15 =	vsel vm2, v15, v17;
	v13 =	vsel vm0, v13, v16  }
0xdd: {  	s10 =	sand.u32 $0x70, s11;
	s12 =	sand.u32 $0x1C00, s2;
	v14 =	vsel vm0, v14, v15;
	[tilespmem:s0+$0x0] =	vst v13  }
0xde: {  	s10 =	sor.u32 s10, s12;
	[tilespmem:s26+$0x0] =	vst v14  }
0xdf: {  	v13 =	vld [tilespmem:s10+$0x8D80]  }
0xe0: {  	v14 =	vld [tilespmem:s10+$0x8D00]  }
0xe1: {  	v15 =	vld [tilespmem:s10+$0x8E80]  }
0xe2: {  	v16 =	vld [tilespmem:s10+$0x8E00]  }
0xe3: {  	v17 =	vld [tilespmem:s10+$0x8F80]  }
0xe4: {  	v18 =	vld [tilespmem:s10+$0x8F00]  }
0xe5: {  	v19 =	vld [tilespmem:s10+$0x8C80]  }
0xe6: {  	v20 =	vld [tilespmem:s10+$0x8C00]  }
0xe7: {  	v21 =	vld [tilespmem:s10+$0x7980]  }
0xe8: {  	v22 =	vld [tilespmem:s10+$0x7900]  }
0xe9: {  	v23 =	vld [tilespmem:s10+$0x7A80]  }
0xea: {  	v24 =	vld [tilespmem:s10+$0x7A00]  }
0xeb: {  	v25 =	vld [tilespmem:s10+$0x7B80]  }
0xec: {  	v26 =	vld [tilespmem:s10+$0x7B00]  }
0xed: {  	v27 =	vld [tilespmem:s10+$0x7880]  }
0xee: {  	v28 =	vld [tilespmem:s10+$0x7800]  }
0xef: {  	v29 =	vld [tilespmem:s10+$0x6580]  }
0xf0: {  	vm0 =	vle.f32 v14, v13;
	v30 =	vld [tilespmem:s10+$0x6500]  }
0xf1: {  	v13 =	vmin.f32 v14, v13;
	v14 =	vsel vm0, $0x2, v2;
	v31 =	vld [tilespmem:s10+$0x6680]  }
0xf2: {  	vm0 =	vle.f32 v16, v15;
	v15 =	vmin.f32 v16, v15;
	vm1 =	vle.f32 v18, v17;
	v32 =	vld [tilespmem:s10+$0x6600]  }
0xf3: {  	v16 =	vsel vm0, $0x4, v3;
	v17 =	vmin.f32 v18, v17;
	v18 =	vsel vm1, $0x6, v4;
	v33 =	vld [tilespmem:s10+$0x6780]  }
0xf4: {  	vm1 =	vle.f32 v15, v17;
	v15 =	vmin.f32 v15, v17;
	vm0 =	vle.f32 v20, v19;
	v34 =	vld [tilespmem:s10+$0x6700]  }
0xf5: {  	v19 =	vmin.f32 v20, v19;
	v16 =	vsel vm1, v16, v18;
	vm0 =	vmneg vm0;
	v17 =	vld [tilespmem:s10+$0x6480]  }
0xf6: {  	v20 =	vsel vm0, $0x1, v1;
	vm0 =	vle.f32 v19, v13;
	v13 =	vmin.f32 v19, v13;
	v18 =	vld [tilespmem:s10+$0x6400]  }
0xf7: {  	v14 =	vsel vm0, v20, v14;
	vm0 =	vle.f32 v13, v15;
	v13 =	vmin.f32 v13, v15;
	v19 =	vld [tilespmem:s10+$0x5180]  }
0xf8: {  	vm1 =	vle.f32 v22, v21;
	v15 =	vmin.f32 v22, v21;
	v14 =	vsel vm0, v14, v16;
	v20 =	vld [tilespmem:s10+$0x5100]  }
0xf9: {  	v16 =	vsel vm1, $0x2, v2;
	vm0 =	vle.f32 v24, v23;
	v22 =	vmin.f32 v24, v23;
	v21 =	vld [tilespmem:s10+$0x5280]  }
0xfa: {  	v24 =	vsel vm0, $0x4, v3;
	vm0 =	vle.f32 v26, v25;
	v25 =	vmin.f32 v26, v25;
	v23 =	vld [tilespmem:s10+$0x5200]  }
0xfb: {  	v35 =	vsel vm0, $0x6, v4;
	vm0 =	vle.f32 v22, v25;
	vm1 =	vle.f32 v28, v27;
	v26 =	vld [tilespmem:s10+$0x5380]  }
0xfc: {  	v22 =	vmin.f32 v22, v25;
	v27 =	vmin.f32 v28, v27;
	vm1 =	vmneg vm1;
	v36 =	vld [tilespmem:s10+$0x5300]  }
0xfd: {  	v28 =	vsel vm1, $0x1, v1;
	vm1 =	vle.f32 v27, v15;
	v15 =	vmin.f32 v27, v15;
	v25 =	vld [tilespmem:s10+$0x5080]  }
0xfe: {  	v24 =	vsel vm0, v24, v35;
	v28 =	vsel vm1, v28, v16;
	vm0 =	vle.f32 v15, v22;
	v27 =	vld [tilespmem:s10+$0x5000]  }
0xff: {  	vm1 =	vle.f32 v30, v29;
	v16 =	vmin.f32 v15, v22;
	v15 =	vsel vm0, v28, v24;
	v35 =	vld [tilespmem:s10+$0x3D80]  }
0x100: {  	v24 =	vmin.f32 v30, v29;
	v28 =	vsel vm1, $0x2, v2;
	vm0 =	vle.f32 v32, v31;
	v22 =	vld [tilespmem:s10+$0x3D00]  }
0x101: {  	v30 =	vmin.f32 v32, v31;
	vm1 =	vle.f32 v34, v33;
	v31 =	vmin.f32 v34, v33;
	v29 =	vld [tilespmem:s10+$0x3E80]  }
0x102: {  	v33 =	vsel vm0, $0x4, v3;
	v34 =	vsel vm1, $0x6, v4;
	vm0 =	vle.f32 v30, v31;
	v32 =	vld [tilespmem:s10+$0x3E00]  }
0x103: {  	vm1 =	vle.f32 v18, v17;
	v17 =	vmin.f32 v18, v17;
	v18 =	vmin.f32 v30, v31;
	v37 =	vld [tilespmem:s10+$0x3F80]  }
0x104: {  	v33 =	vsel vm0, v33, v34;
	vm1 =	vmneg vm1;
	v31 =	vmin.f32 v17, v24;
	v30 =	vld [tilespmem:s10+$0x3F00]  }
0x105: {  	vm0 =	vle.f32 v17, v24;
	v38 =	vsel vm1, $0x1, v1;
	vm1 =	vle.f32 v31, v18;
	v34 =	vld [tilespmem:s10+$0x3C80]  }
0x106: {  	vm2 =	vle.f32 v20, v19;
	v18 =	vmin.f32 v31, v18;
	v17 =	vsel vm0, v38, v28;
	v39 =	vld [tilespmem:s10+$0x3C00]  }
0x107: {  	v19 =	vmin.f32 v20, v19;
	v20 =	vsel vm2, $0x2, v2;
	v17 =	vsel vm1, v17, v33;
	v28 =	vld [tilespmem:s10+$0x2B80]  }
0x108: {  	vm0 =	vle.f32 v23, v21;
	v21 =	vmin.f32 v23, v21;
	vm1 =	vle.f32 v36, v26;
	v31 =	vld [tilespmem:s10+$0x2B00]  }
0x109: {  	v24 =	vsel vm0, $0x4, v3;
	v26 =	vmin.f32 v36, v26;
	v33 =	vsel vm1, $0x6, v4;
	v23 =	vld [tilespmem:s10+$0x2980]  }
0x10a: {  	vm1 =	vle.f32 v21, v26;
	v21 =	vmin.f32 v21, v26;
	vm0 =	vle.f32 v27, v25;
	v36 =	vld [tilespmem:s10+$0x2900]  }
0x10b: {  	v25 =	vmin.f32 v27, v25;
	v24 =	vsel vm1, v24, v33;
	vm0 =	vmneg vm0;
	v26 =	vld [tilespmem:s10+$0x2A80]  }
0x10c: {  	v33 =	vsel vm0, $0x1, v1;
	vm0 =	vle.f32 v25, v19;
	v19 =	vmin.f32 v25, v19;
	v27 =	vld [tilespmem:s10+$0x2A00]  }
0x10d: {  	v25 =	vsel vm0, v33, v20;
	vm0 =	vle.f32 v19, v21;
	v20 =	vmin.f32 v19, v21;
	v38 =	vld [tilespmem:s10+$0x2880]  }
0x10e: {  	vm1 =	vle.f32 v22, v35;
	v21 =	vmin.f32 v22, v35;
	v19 =	vsel vm0, v25, v24;
	v33 =	vld [tilespmem:s10+$0x2800]  }
0x10f: {  	v22 =	vsel vm1, $0x2, v2;
	vm0 =	vle.f32 v32, v29;
	v25 =	vmin.f32 v32, v29;
	v40 =	vld [tilespmem:s10+$0x1580]  }
0x110: {  	v32 =	vsel vm0, $0x4, v3;
	vm0 =	vle.f32 v30, v37;
	v30 =	vmin.f32 v30, v37;
	v41 =	vld [tilespmem:s10+$0x1500]  }
0x111: {  	v35 =	vsel vm0, $0x6, v4;
	vm0 =	vle.f32 v25, v30;
	vm1 =	vle.f32 v39, v34;
	v24 =	vld [tilespmem:s10+$0x1680]  }
0x112: {  	v25 =	vmin.f32 v25, v30;
	v34 =	vmin.f32 v39, v34;
	vm1 =	vmneg vm1;
	v29 =	vld [tilespmem:s10+$0x1600]  }
0x113: {  	v37 =	vsel vm1, $0x1, v1;
	vm1 =	vle.f32 v34, v21;
	v21 =	vmin.f32 v34, v21;
	v30 =	vld [tilespmem:s10+$0x1780]  }
0x114: {  	v35 =	vsel vm0, v32, v35;
	v37 =	vsel vm1, v37, v22;
	vm0 =	vle.f32 v21, v25;
	v34 =	vld [tilespmem:s10+$0x1700]  }
0x115: {  	vm1 =	vle.f32 v31, v28;
	v22 =	vmin.f32 v21, v25;
	v21 =	vsel vm0, v37, v35;
	v32 =	vld [tilespmem:s10+$0x1480]  }
0x116: {  	v28 =	vmin.f32 v31, v28;
	vm0 =	vle.f32 v36, v23;
	v37 =	vsel vm1, $0x6, v4;
	v35 =	vld [tilespmem:s10+$0x1400]  }
0x117: {  	v23 =	vmin.f32 v36, v23;
	vm1 =	vle.f32 v27, v26;
	v26 =	vmin.f32 v27, v26;
	v25 =	vld [tilespmem:s10+$0x180]  }
0x118: {  	v39 =	vsel vm0, $0x2, v2;
	v36 =	vsel vm1, $0x4, v3;
	vm0 =	vle.f32 v26, v28;
	v31 =	vld [tilespmem:s10+$0x100]  }
.Ltmp3:
0x119: {  	s12 =	sor.u32 s2, s11;
	v26 =	vmin.f32 v26, v28;
	vm1 =	vle.f32 v33, v38;
	v38 =	vmin.f32 v33, v38;
	v27 =	vld [tilespmem:s10+$0x280];
	(pc) =	sbr.rel @p1 .LBB2_5-.Ltmp3, $4  }
0x11a: {  	s12 =	sor.u32 $0x380, s12;
	v42 =	vsel vm0, v36, v37;
	vm1 =	vmneg vm1;
	v28 =	vmin.f32 v38, v23;
	v33 =	vld [tilespmem:s10+$0x200]  }
0x11b: {  	vm0 =	vle.f32 v38, v23;
	v37 =	vsel vm1, $0x1, v1;
	vm1 =	vle.f32 v28, v26;
	v36 =	vld [tilespmem:s12+$0x0]  }
0x11c: {  	vm2 =	vle.f32 v41, v40;
	v28 =	vmin.f32 v28, v26;
	v23 =	vsel vm0, v37, v39;
	v38 =	vld [tilespmem:s10+$0x300]  }
0x11d: {  	s11 =	sadd.s32 $0x10, s11;
	v39 =	vmin.f32 v41, v40;
	v26 =	vsel vm2, $0x2, v2;
	v23 =	vsel vm1, v23, v42;
	v37 =	vld [tilespmem:s10+$0x80]  }
0x11e: {  	v40 =	vld [tilespmem:s10+$0x0];
	vm0 =	vle.f32 v29, v24;
	v24 =	vmin.f32 v29, v24;
	vm1 =	vle.f32 v34, v30  }
0x11f: {  	v30 =	vmin.f32 v34, v30;
	v41 =	vmin.f32 v35, v32;
	vm2 =	vle.f32 v35, v32  }
0x120: {  	s0 =	sadd.s32 $0x10, s0;
	v60 =	vmin.f32 v31, v25;
	vm3 =	vle.f32 v31, v25;
	v29 =	vsel vm0, $0x4, v3  }
0x121: {  	v59 =	vsel vm1, $0x6, v4;
	vm8 =	vle.f32 v24, v30;
	v24 =	vmin.f32 v24, v30;
	v30 =	vld [tilespmem:s0+$0x0]  }
0x122: {  	vm0 =	vle.f32 v41, v39;
	vm9 =	vmneg vm2;
	v61 =	vmin.f32 v41, v39  }
0x123: {  	v63 =	vmin.f32 v33, v27;
	v48 =	vmin.f32 v38, v36;
	v62 =	vmin.f32 v40, v37  }
0x124: {  	v44 =	vsel vm3, $0x2, v2;
	v43 =	vmin.f32 v63, v48;
	v42 =	vmin.f32 v62, v60  }
0x125: {  	vm12 =	vle.f32 v33, v27;
	v29 =	vsel vm8, v29, v59;
	v25 =	vmin.f32 v42, v43  }
0x126: {  	vm10 =	vle.f32 v61, v24;
	v31 =	vsel vm9, $0x1, v1;
	vm11 =	vlt.f32 v25, v30  }
0x127: {  	v24 =	vmin.f32 v61, v24;
	v27 =	vsel vm12, $0x4, v3;
	v25 =	vsel vm11, v25, v30  }
0x128: {  	vm4 =	vle.f32 v38, v36;
	vm5 =	vle.f32 v63, v48;
	vm13 =	vlt.f32 v24, v25  }
0x129: {  	s2 =	sadd.s32 $0x10, s26;
	vm14 =	vle.f32 v40, v37;
	vm8 =	vle.f32 v62, v60;
	v24 =	vsel vm13, v24, v25  }
0x12a: {  	v30 =	vsel vm4, $0x6, v4;
	vm4 =	vmneg vm14;
	v25 =	vld [tilespmem:s2+$0x0];
	vm15 =	vlt.f32 v28, v24  }
0x12b: {  	v27 =	vsel vm5, v27, v30;
	v30 =	vsel vm4, $0x1, v1;
	v24 =	vsel vm15, v28, v24  }
0x12c: {  	vm9 =	vle.f32 v42, v43;
	v28 =	vsel vm8, v30, v44;
	vm6 =	vlt.f32 v22, v24  }
0x12d: {  	v26 =	vsel vm0, v31, v26;
	v27 =	vsel vm9, v28, v27;
	v22 =	vsel vm6, v22, v24  }
0x12e: {  	v12 =	vor.u32 v12, v27;
	v24 =	vsel vm10, v26, v29;
	vm10 =	vlt.f32 v20, v22  }
0x12f: {  	v12 =	vsel vm11, v12, v25;
	v11 =	vor.u32 v24, v11;
	v20 =	vsel vm10, v20, v22  }
0x130: {  	v10 =	vor.u32 v23, v10;
	p1 =	seq.s32 s30, $0xF;
	v11 =	vsel vm13, v11, v12;
	vm11 =	vlt.f32 v18, v20  }
0x131: {  	v9 =	vor.u32 v21, v9;
	s1 =	sadd.s32 @!p1 s1, s7;
	v10 =	vsel vm15, v10, v11;
	v11 =	vsel vm11, v18, v20  }
0x132: {  	v8 =	vor.u32 v19, v8;
	s1 =	sshrl.u32 @!p1 s1, $0x3;
	v9 =	vsel vm6, v9, v10;
	vm12 =	vlt.f32 v16, v11  }
0x133: {  	v7 =	vor.u32 v17, v7;
	s1 =	smul.u32 @!p1 $0x1400, s1;
	v8 =	vsel vm10, v8, v9;
	v9 =	vsel vm12, v16, v11  }
0x134: {  	v6 =	vor.u32 v15, v6;
	v7 =	vsel vm11, v7, v8;
	vm13 =	vlt.f32 v13, v9  }
0x135: {  	v5 =	vor.u32 v14, v5;
	s1 =	sadd.s32 @!p1 s3, s1;
	v6 =	vsel vm12, v6, v7;
	v7 =	vsel vm13, v13, v9  }
0x136: {  	v5 =	vsel vm13, v5, v6;
	[tilespmem:s0+$0x0] =	vst v7;
	s0 =	sshrl.u32 @!p1 s1, $0x3  }
0x137: {  	s1 =	simm.s32 @!p1 $0x0;
	[tilespmem:s2+$0x0] =	vst v5;
	s0 =	sadd.s32 @!p1 s4, s0  }
0x138: {  	[tilespmem:s1], [sflag:$0x1] =	stream.linear.gather @!p1 [hbm4b:s0+s1], $0xA000, $0x38;
	[tilespmem:$0x15180] =	vst v63  }
0x139: {  	s11 =	simm.s32 $0x0;
	_ =	swait.ge [sflag:s20], $0xA000  }
0x13a: {  	s12 =	sand.u32 $0x70, s11;
	s26 =	sand.u32 $0x1C00, s11;
	[sflag:s20] =	ssyncset.done $0x0  }
0x13b: {  	s0 =	sor.u32 s12, s26;
	[sflag:s20] =	ssyncadd.s32 $0xFFFF6000  }
0x13c: {  	v13 =	vld [tilespmem:s0+$0x12D80]  }
0x13d: {  	v14 =	vld [tilespmem:s0+$0x12D00]  }
0x13e: {  	v15 =	vld [tilespmem:s0+$0x12E80]  }
0x13f: {  	v16 =	vld [tilespmem:s0+$0x12E00]  }
0x140: {  	v17 =	vld [tilespmem:s0+$0x12F80]  }
0x141: {  	v18 =	vld [tilespmem:s0+$0x12F00]  }
0x142: {  	v19 =	vld [tilespmem:s0+$0x12C80]  }
0x143: {  	v20 =	vld [tilespmem:s0+$0x12C00]  }
0x144: {  	v21 =	vld [tilespmem:s0+$0x11980]  }
0x145: {  	v22 =	vld [tilespmem:s0+$0x11900]  }
0x146: {  	v23 =	vld [tilespmem:s0+$0x11A80]  }
0x147: {  	v24 =	vld [tilespmem:s0+$0x11A00]  }
0x148: {  	v25 =	vld [tilespmem:s0+$0x11B80]  }
0x149: {  	v26 =	vld [tilespmem:s0+$0x11B00]  }
0x14a: {  	v12 =	vmov s31;
	v27 =	vld [tilespmem:s0+$0x11880]  }
0x14b: {  	v10 =	vor.u32 $0x10, v12;
	v28 =	vld [tilespmem:s0+$0x11800]  }
0x14c: {  	v11 =	vor.u32 $0x8, v12;
	v8 =	vor.u32 $0x20, v12;
	v9 =	vor.u32 $0x18, v12;
	v29 =	vld [tilespmem:s0+$0x10580]  }
0x14d: {  	v6 =	vor.u32 $0x30, v12;
	v7 =	vor.u32 $0x28, v12;
	v5 =	vor.u32 $0x38, v12;
	v30 =	vld [tilespmem:s0+$0x10500]  }
0x14e: {  	v31 =	vld [tilespmem:s0+$0x10680];
	vm14 =	vle.f32 v14, v13;
	v13 =	vmin.f32 v14, v13;
	vm15 =	vle.f32 v16, v15  }
0x14f: {  	v49 =	vld [tilespmem:s0+$0x10600];
	v15 =	vmin.f32 v16, v15;
	vm4 =	vle.f32 v18, v17;
	v17 =	vmin.f32 v18, v17  }
0x150: {  	v50 =	vld [tilespmem:s0+$0x10780];
	vm5 =	vle.f32 v20, v19;
	v19 =	vmin.f32 v20, v19;
	vm9 =	vle.f32 v22, v21  }
0x151: {  	v51 =	vld [tilespmem:s0+$0x10700];
	vm10 =	vle.f32 v24, v23;
	vm11 =	vle.f32 v26, v25;
	v25 =	vmin.f32 v26, v25  }
0x152: {  	v53 =	vld [tilespmem:s0+$0xF300];
	vm12 =	vle.f32 v28, v27;
	v27 =	vmin.f32 v28, v27;
	v14 =	vsel vm14, $0x2, v2  }
0x153: {  	v54 =	vld [tilespmem:s0+$0xDD80];
	v16 =	vsel vm15, $0x4, v3;
	v18 =	vsel vm4, $0x6, v4;
	vm6 =	vle.f32 v15, v17  }
0x154: {  	v55 =	vld [tilespmem:s0+$0xDE00];
	v15 =	vmin.f32 v15, v17;
	vm0 =	vmneg vm5;
	vm7 =	vle.f32 v19, v13  }
0x155: {  	v58 =	vld [tilespmem:s0+$0xDF80];
	v13 =	vmin.f32 v19, v13;
	v52 =	vsel vm11, $0x6, v4;
	vm1 =	vmneg vm12  }
0x156: {  	v59 =	vld [tilespmem:s0+$0xDC80];
	vm4 =	vle.f32 v30, v29;
	vm5 =	vle.f32 v49, v31;
	v16 =	vsel vm6, v16, v18  }
0x157: {  	v63 =	vld [tilespmem:s0+$0xC900];
	v20 =	vsel vm0, $0x1, v1;
	vm8 =	vle.f32 v13, v15;
	v13 =	vmin.f32 v13, v15  }
0x158: {  	v26 =	vld [tilespmem:s0+$0xF380];
	v15 =	vmin.f32 v22, v21;
	v22 =	vmin.f32 v24, v23;
	v24 =	vsel vm10, $0x4, v3  }
0x159: {  	v17 =	vld [tilespmem:s0+$0x10480];
	v28 =	vsel vm1, $0x1, v1;
	vm6 =	vle.f32 v51, v50;
	v56 =	vsel vm5, $0x4, v3  }
0x15a: {  	v19 =	vld [tilespmem:s0+$0xF180];
	v14 =	vsel vm7, v20, v14;
	vm13 =	vle.f32 v22, v25;
	v22 =	vmin.f32 v22, v25  }
0x15b: {  	v18 =	vld [tilespmem:s0+$0x10400];
	vm14 =	vle.f32 v27, v15;
	v15 =	vmin.f32 v27, v15;
	v57 =	vsel vm6, $0x6, v4  }
0x15c: {  	v21 =	vld [tilespmem:s0+$0xF280];
	v14 =	vsel vm8, v14, v16;
	v16 =	vsel vm9, $0x2, v2;
	v24 =	vsel vm13, v24, v52  }
0x15d: {  	v23 =	vld [tilespmem:s0+$0xF200];
	vm15 =	vle.f32 v15, v22;
	v28 =	vsel vm14, v28, v16;
	v16 =	vmin.f32 v15, v22  }
0x15e: {  	v20 =	vld [tilespmem:s0+$0xF100];
	vm13 =	vle.f32 v53, v26;
	v26 =	vmin.f32 v53, v26;
	v15 =	vsel vm15, v28, v24  }
0x15f: {  	v25 =	vld [tilespmem:s0+$0xF080];
	v24 =	vmin.f32 v30, v29;
	v30 =	vmin.f32 v49, v31;
	v31 =	vmin.f32 v51, v50  }
0x160: {  	v27 =	vld [tilespmem:s0+$0xF000];
	v28 =	vsel vm4, $0x2, v2;
	v62 =	vsel vm13, $0x6, v4;
	vm7 =	vle.f32 v30, v31  }
0x161: {  	v44 =	vld [tilespmem:s0+$0xCA00];
	vm8 =	vle.f32 v18, v17;
	v17 =	vmin.f32 v18, v17;
	v18 =	vmin.f32 v30, v31  }
0x162: {  	v46 =	vld [tilespmem:s0+$0xC800];
	vm12 =	vle.f32 v23, v21;
	v21 =	vmin.f32 v23, v21;
	vm1 =	vmneg vm8  }
0x163: {  	v47 =	vld [tilespmem:s0+$0xB500];
	v31 =	vmin.f32 v17, v24;
	v33 =	vsel vm7, v56, v57;
	vm9 =	vle.f32 v17, v24  }
0x164: {  	v22 =	vld [tilespmem:s0+$0xDD00];
	vm11 =	vle.f32 v20, v19;
	v19 =	vmin.f32 v20, v19;
	v61 =	vsel vm12, $0x4, v3  }
0x165: {  	v29 =	vld [tilespmem:s0+$0xDE80];
	vm14 =	vle.f32 v27, v25;
	vm15 =	vle.f32 v21, v26;
	v21 =	vmin.f32 v21, v26  }
0x166: {  	v49 =	vld [tilespmem:s0+$0xB680];
	v25 =	vmin.f32 v27, v25;
	v60 =	vsel vm1, $0x1, v1;
	vm10 =	vle.f32 v31, v18  }
0x167: {  	v51 =	vld [tilespmem:s0+$0xB600];
	v18 =	vmin.f32 v31, v18;
	v20 =	vsel vm11, $0x2, v2;
	vm0 =	vmneg vm14  }
0x168: {  	v30 =	vld [tilespmem:s0+$0xDF00];
	v27 =	vsel vm15, v61, v62;
	vm4 =	vle.f32 v25, v19;
	v19 =	vmin.f32 v25, v19  }
0x169: {  	v23 =	vld [tilespmem:s0+$0xC980];
	v17 =	vsel vm9, v60, v28;
	v45 =	vsel vm0, $0x1, v1;
	vm5 =	vle.f32 v19, v21  }
0x16a: {  	v24 =	vld [tilespmem:s0+$0xDC00];
	v21 =	vmin.f32 v19, v21;
	vm6 =	vle.f32 v22, v54;
	v22 =	vmin.f32 v22, v54  }
0x16b: {  	v26 =	vld [tilespmem:s0+$0xCA80];
	v17 =	vsel vm10, v17, v33;
	v20 =	vsel vm4, v45, v20;
	vm7 =	vle.f32 v55, v29  }
0x16c: {  	v56 =	vld [tilespmem:s0+$0xA100];
	v29 =	vmin.f32 v55, v29;
	v37 =	vmin.f32 v51, v49;
	v19 =	vsel vm5, v20, v27  }
0x16d: {  	v31 =	vld [tilespmem:s0+$0xCB00];
	v27 =	vsel vm6, $0x2, v2;
	v48 =	vsel vm7, $0x4, v3;
	vm8 =	vle.f32 v30, v58  }
0x16e: {  	v25 =	vld [tilespmem:s0+$0xC880];
	v30 =	vmin.f32 v30, v58;
	vm14 =	vle.f32 v63, v23;
	v23 =	vmin.f32 v63, v23  }
0x16f: {  	v62 =	vld [tilespmem:s0+$0xA080];
	vm9 =	vle.f32 v24, v59;
	v50 =	vsel vm8, $0x6, v4;
	vm10 =	vle.f32 v29, v30  }
0x170: {  	s1 =	sor.u32 s11, s11;
	v28 =	vld [tilespmem:s0+$0xCB80];
	v24 =	vmin.f32 v24, v59;
	v29 =	vmin.f32 v29, v30;
	vm15 =	vle.f32 v44, v26  }
0x171: {  	s1 =	sor.u32 $0x380, s1;
	v54 =	vld [tilespmem:s0+$0xB480];
	v26 =	vmin.f32 v44, v26;
	v57 =	vsel vm14, $0x2, v2;
	vm1 =	vmneg vm9  }
0x172: {  	v60 =	vld [tilespmem:s1+$0xA000];
	vm11 =	vle.f32 v24, v22;
	v22 =	vmin.f32 v24, v22;
	v53 =	vsel vm10, v48, v50  }
0x173: {  	v55 =	vld [tilespmem:s0+$0xA180];
	v58 =	vsel vm15, $0x4, v3;
	vm5 =	vle.f32 v46, v25;
	v25 =	vmin.f32 v46, v25  }
0x174: {  	v20 =	vld [tilespmem:s0+$0xB580];
	vm9 =	vle.f32 v51, v49;
	v52 =	vsel vm1, $0x1, v1;
	vm12 =	vle.f32 v22, v29  }
0x175: {  	v30 =	vld [tilespmem:s0+$0xB780];
	vm13 =	vle.f32 v31, v28;
	v22 =	vmin.f32 v22, v29;
	v28 =	vmin.f32 v31, v28  }
0x176: {  	v59 =	vld [tilespmem:s0+$0xA280];
	vm1 =	vmneg vm5;
	v36 =	vmin.f32 v25, v23;
	vm6 =	vle.f32 v25, v23  }
0x177: {  	v24 =	vld [tilespmem:s0+$0xB700];
	v46 =	vsel vm9, $0x4, v3;
	v27 =	vsel vm11, v52, v27;
	v31 =	vsel vm13, $0x6, v4  }
0x178: {  	v29 =	vld [tilespmem:s0+$0xB400];
	vm4 =	vle.f32 v26, v28;
	v26 =	vmin.f32 v26, v28;
	v61 =	vsel vm1, $0x1, v1  }
0x179: {  	v23 =	vld [tilespmem:s0+$0xA300];
	vm14 =	vle.f32 v56, v55;
	v27 =	vsel vm12, v27, v53;
	v31 =	vsel vm4, v58, v31  }
0x17a: {  	v28 =	vld [tilespmem:s0+$0xA200];
	vm7 =	vle.f32 v36, v26;
	vm8 =	vle.f32 v47, v20;
	v25 =	vsel vm6, v61, v57  }
0x17b: {  	v26 =	vmin.f32 v36, v26;
	v20 =	vmin.f32 v47, v20;
	v25 =	vsel vm7, v25, v31;
	v31 =	vld [tilespmem:s0+$0xA000]  }
0x17c: {  	v63 =	vsel vm8, $0x2, v2;
	vm10 =	vle.f32 v24, v30;
	v24 =	vmin.f32 v24, v30  }
0x17d: {  	s0 =	simm.s32 $0x14000;
	v30 =	vsel vm10, $0x6, v4;
	v47 =	vmin.f32 v29, v54;
	vm11 =	vle.f32 v37, v24  }
0x17e: {  	v48 =	vld [tilespmem:s0+$0x0];
	v24 =	vmin.f32 v37, v24;
	vm12 =	vle.f32 v29, v54;
	v51 =	vmin.f32 v23, v60  }
0x17f: {  	vm8 =	vle.f32 v23, v60;
	vm0 =	vle.f32 v47, v20;
	v29 =	vsel vm11, v46, v30  }
0x180: {  	v30 =	vmin.f32 v56, v55;
	v50 =	vmin.f32 v28, v59;
	v49 =	vmin.f32 v31, v62  }
0x181: {  	vm13 =	vmneg vm12;
	v53 =	vmin.f32 v50, v51;
	v52 =	vmin.f32 v49, v30  }
0x182: {  	v20 =	vmin.f32 v47, v20;
	v56 =	vsel vm14, $0x2, v2;
	v54 =	vmin.f32 v52, v53  }
0x183: {  	vm15 =	vle.f32 v28, v59;
	v28 =	vsel vm8, $0x6, v4;
	vm1 =	vlt.f32 v54, v48  }
0x184: {  	vm2 =	vle.f32 v20, v24;
	v20 =	vmin.f32 v20, v24;
	v23 =	vsel vm1, v54, v48  }
0x185: {  	v55 =	vsel vm13, $0x1, v1;
	v24 =	vsel vm15, $0x4, v3;
	vm3 =	vlt.f32 v20, v23  }
0x186: {  	s1 =	simm.s32 $0x14280;
	vm10 =	vle.f32 v50, v51;
	vm9 =	vle.f32 v31, v62;
	v20 =	vsel vm3, v20, v23  }
0x187: {  	v24 =	vsel vm10, v24, v28;
	vm4 =	vmneg vm9;
	v23 =	vld [tilespmem:s1+$0x0];
	vm11 =	vlt.f32 v26, v20  }
0x188: {  	vm12 =	vle.f32 v49, v30;
	v28 =	vsel vm4, $0x1, v1;
	v20 =	vsel vm11, v26, v20  }
0x189: {  	vm13 =	vle.f32 v52, v53;
	v26 =	vsel vm12, v28, v56;
	vm14 =	vlt.f32 v22, v20  }
0x18a: {  	v24 =	vsel vm13, v26, v24;
	v26 =	vsel vm0, v55, v63;
	v20 =	vsel vm14, v22, v20  }
0x18b: {  	v22 =	vor.u32 v12, v24;
	v24 =	vsel vm2, v26, v29;
	vm15 =	vlt.f32 v21, v20  }
0x18c: {  	v22 =	vsel vm1, v22, v23;
	v23 =	vor.u32 v24, v11;
	v20 =	vsel vm15, v21, v20  }
0x18d: {  	v21 =	vsel vm3, v23, v22;
	v22 =	vor.u32 v25, v10;
	vm4 =	vlt.f32 v18, v20  }
0x18e: {  	v21 =	vsel vm11, v22, v21;
	v22 =	vor.u32 v27, v9;
	v18 =	vsel vm4, v18, v20  }
0x18f: {  	v19 =	vor.u32 v19, v8;
	v20 =	vsel vm14, v22, v21;
	vm7 =	vlt.f32 v16, v18  }
0x190: {  	v17 =	vor.u32 v17, v7;
	v19 =	vsel vm15, v19, v20;
	v16 =	vsel vm7, v16, v18  }
0x191: {  	v15 =	vor.u32 v15, v6;
	v17 =	vsel vm4, v17, v19;
	vm8 =	vlt.f32 v13, v16  }
0x192: {  	s2 =	simm.s32 $0x80;
	s11 =	simm.s32 $0x10;
	v14 =	vor.u32 v14, v5;
	v15 =	vsel vm7, v15, v17;
	v13 =	vsel vm8, v13, v16  }
0x193: {  	s12 =	sand.u32 $0x1C00, s2;
	s31 =	sand.u32 $0x70, s11;
	v14 =	vsel vm8, v14, v15;
	[tilespmem:s0+$0x0] =	vst v13  }
0x194: {  	s10 =	sor.u32 s31, s12;
	[tilespmem:s1+$0x0] =	vst v14  }
0x195: {  	v13 =	vld [tilespmem:s10+$0x12D80]  }
0x196: {  	v14 =	vld [tilespmem:s10+$0x12D00]  }
0x197: {  	v15 =	vld [tilespmem:s10+$0x12E80]  }
0x198: {  	v16 =	vld [tilespmem:s10+$0x12E00]  }
0x199: {  	v17 =	vld [tilespmem:s10+$0x12F80]  }
0x19a: {  	v18 =	vld [tilespmem:s10+$0x12F00]  }
0x19b: {  	v19 =	vld [tilespmem:s10+$0x12C80]  }
0x19c: {  	v20 =	vld [tilespmem:s10+$0x12C00]  }
0x19d: {  	v21 =	vld [tilespmem:s10+$0x11980]  }
0x19e: {  	v22 =	vld [tilespmem:s10+$0x11900]  }
0x19f: {  	v23 =	vld [tilespmem:s10+$0x11A80]  }
0x1a0: {  	v24 =	vld [tilespmem:s10+$0x11A00]  }
0x1a1: {  	v25 =	vld [tilespmem:s10+$0x11B80]  }
0x1a2: {  	v26 =	vld [tilespmem:s10+$0x11B00]  }
0x1a3: {  	v27 =	vld [tilespmem:s10+$0x11880]  }
0x1a4: {  	v28 =	vld [tilespmem:s10+$0x11800]  }
0x1a5: {  	v46 =	vld [tilespmem:s10+$0xDC80]  }
0x1a6: {  	v48 =	vld [tilespmem:s10+$0xDC00]  }
0x1a7: {  	v52 =	vld [tilespmem:s10+$0xC880]  }
0x1a8: {  	v53 =	vld [tilespmem:s10+$0xC800]  }
0x1a9: {  	v54 =	vld [tilespmem:s10+$0xB580]  }
0x1aa: {  	v55 =	vld [tilespmem:s10+$0xB500];
	vm9 =	vle.f32 v14, v13;
	v13 =	vmin.f32 v14, v13;
	vm10 =	vle.f32 v16, v15  }
0x1ab: {  	v29 =	vld [tilespmem:s10+$0x10580];
	v15 =	vmin.f32 v16, v15;
	vm11 =	vle.f32 v18, v17;
	v17 =	vmin.f32 v18, v17  }
0x1ac: {  	v30 =	vld [tilespmem:s10+$0x10500];
	vm12 =	vle.f32 v20, v19;
	v19 =	vmin.f32 v20, v19;
	vm4 =	vle.f32 v22, v21  }
0x1ad: {  	v31 =	vld [tilespmem:s10+$0x10680];
	vm5 =	vle.f32 v24, v23;
	vm6 =	vle.f32 v26, v25;
	v25 =	vmin.f32 v26, v25  }
0x1ae: {  	v57 =	vld [tilespmem:s10+$0x10600];
	vm7 =	vle.f32 v28, v27;
	v27 =	vmin.f32 v28, v27;
	v34 =	vmin.f32 v48, v46  }
0x1af: {  	v38 =	vmin.f32 v53, v52;
	v39 =	vmin.f32 v55, v54;
	v14 =	vsel vm9, $0x2, v2  }
0x1b0: {  	v58 =	vld [tilespmem:s10+$0x10780];
	v16 =	vsel vm10, $0x4, v3;
	v18 =	vsel vm11, $0x6, v4;
	vm13 =	vle.f32 v15, v17  }
0x1b1: {  	v59 =	vld [tilespmem:s10+$0x10700];
	v15 =	vmin.f32 v15, v17;
	vm0 =	vmneg vm12;
	vm14 =	vle.f32 v19, v13  }
0x1b2: {  	v13 =	vmin.f32 v19, v13;
	v60 =	vsel vm6, $0x6, v4;
	vm1 =	vmneg vm7  }
0x1b3: {  	vm11 =	vle.f32 v30, v29;
	vm12 =	vle.f32 v57, v31;
	v16 =	vsel vm13, v16, v18  }
0x1b4: {  	v61 =	vld [tilespmem:s10+$0xF300];
	v20 =	vsel vm0, $0x1, v1;
	vm15 =	vle.f32 v13, v15;
	v13 =	vmin.f32 v13, v15  }
0x1b5: {  	v26 =	vld [tilespmem:s10+$0xF380];
	v15 =	vmin.f32 v22, v21;
	v22 =	vmin.f32 v24, v23;
	v24 =	vsel vm5, $0x4, v3  }
0x1b6: {  	v17 =	vld [tilespmem:s10+$0x10480];
	v28 =	vsel vm1, $0x1, v1;
	vm13 =	vle.f32 v59, v58;
	v43 =	vsel vm12, $0x4, v3  }
0x1b7: {  	v19 =	vld [tilespmem:s10+$0xF180];
	v14 =	vsel vm14, v20, v14;
	vm8 =	vle.f32 v22, v25;
	v22 =	vmin.f32 v22, v25  }
0x1b8: {  	v18 =	vld [tilespmem:s10+$0x10400];
	vm9 =	vle.f32 v27, v15;
	v15 =	vmin.f32 v27, v15;
	v44 =	vsel vm13, $0x6, v4  }
0x1b9: {  	v21 =	vld [tilespmem:s10+$0xF280];
	v14 =	vsel vm15, v14, v16;
	v16 =	vsel vm4, $0x2, v2;
	v24 =	vsel vm8, v24, v60  }
0x1ba: {  	v23 =	vld [tilespmem:s10+$0xF200];
	vm10 =	vle.f32 v15, v22;
	v28 =	vsel vm9, v28, v16;
	v16 =	vmin.f32 v15, v22  }
0x1bb: {  	v20 =	vld [tilespmem:s10+$0xF100];
	vm8 =	vle.f32 v61, v26;
	v26 =	vmin.f32 v61, v26;
	v15 =	vsel vm10, v28, v24  }
0x1bc: {  	v25 =	vld [tilespmem:s10+$0xF080];
	v24 =	vmin.f32 v30, v29;
	v30 =	vmin.f32 v57, v31;
	v31 =	vmin.f32 v59, v58  }
0x1bd: {  	v27 =	vld [tilespmem:s10+$0xF000];
	v28 =	vsel vm11, $0x2, v2;
	v49 =	vsel vm8, $0x6, v4;
	vm14 =	vle.f32 v30, v31  }
0x1be: {  	v62 =	vld [tilespmem:s10+$0xDD80];
	vm15 =	vle.f32 v18, v17;
	v17 =	vmin.f32 v18, v17;
	v18 =	vmin.f32 v30, v31  }
0x1bf: {  	v63 =	vld [tilespmem:s10+$0xDE00];
	vm7 =	vle.f32 v23, v21;
	v21 =	vmin.f32 v23, v21;
	vm1 =	vmneg vm15  }
0x1c0: {  	v45 =	vld [tilespmem:s10+$0xDF80];
	v31 =	vmin.f32 v17, v24;
	v33 =	vsel vm14, v43, v44;
	vm4 =	vle.f32 v17, v24  }
0x1c1: {  	v50 =	vld [tilespmem:s10+$0xC900];
	vm6 =	vle.f32 v20, v19;
	v19 =	vmin.f32 v20, v19;
	v24 =	vsel vm7, $0x4, v3  }
0x1c2: {  	v22 =	vld [tilespmem:s10+$0xDD00];
	vm9 =	vle.f32 v27, v25;
	vm10 =	vle.f32 v21, v26;
	v21 =	vmin.f32 v21, v26  }
0x1c3: {  	s11 =	sor.u32 s2, s11;
	v32 =	vld [tilespmem:s10+$0xB480];
	v25 =	vmin.f32 v27, v25;
	v47 =	vsel vm1, $0x1, v1;
	vm5 =	vle.f32 v31, v18  }
0x1c4: {  	s11 =	sor.u32 $0x380, s11;
	v29 =	vld [tilespmem:s10+$0xDE80];
	v18 =	vmin.f32 v31, v18;
	v20 =	vsel vm6, $0x2, v2;
	vm0 =	vmneg vm9  }
0x1c5: {  	v36 =	vld [tilespmem:s11+$0xA000];
	v24 =	vsel vm10, v24, v49;
	vm11 =	vle.f32 v25, v19;
	v19 =	vmin.f32 v25, v19  }
0x1c6: {  	v30 =	vld [tilespmem:s10+$0xDF00];
	v17 =	vsel vm4, v47, v28;
	v51 =	vsel vm0, $0x1, v1;
	vm12 =	vle.f32 v19, v21  }
0x1c7: {  	v23 =	vld [tilespmem:s10+$0xC980];
	vm13 =	vle.f32 v22, v62;
	vm4 =	vle.f32 v48, v46;
	v17 =	vsel vm5, v17, v33  }
0x1c8: {  	v26 =	vld [tilespmem:s10+$0xCA80];
	v25 =	vsel vm11, v51, v20;
	v20 =	vmin.f32 v19, v21;
	v21 =	vmin.f32 v22, v62  }
0x1c9: {  	v27 =	vld [tilespmem:s10+$0xCA00];
	v22 =	vsel vm13, $0x2, v2;
	vm14 =	vle.f32 v63, v29;
	vm1 =	vmneg vm4  }
0x1ca: {  	v31 =	vld [tilespmem:s10+$0xCB00];
	v19 =	vsel vm12, v25, v24;
	v25 =	vmin.f32 v63, v29;
	v56 =	vsel vm14, $0x4, v3  }
0x1cb: {  	v28 =	vld [tilespmem:s10+$0xCB80];
	vm15 =	vle.f32 v30, v45;
	v30 =	vmin.f32 v30, v45;
	v58 =	vsel vm1, $0x1, v1  }
0x1cc: {  	v33 =	vld [tilespmem:s10+$0xA200];
	vm6 =	vle.f32 v34, v21;
	v21 =	vmin.f32 v34, v21;
	vm9 =	vle.f32 v50, v23  }
0x1cd: {  	v24 =	vld [tilespmem:s10+$0xB680];
	v23 =	vmin.f32 v50, v23;
	vm12 =	vle.f32 v53, v52;
	v57 =	vsel vm15, $0x6, v4  }
0x1ce: {  	v29 =	vld [tilespmem:s10+$0xB600];
	vm5 =	vle.f32 v25, v30;
	v25 =	vmin.f32 v25, v30;
	v37 =	vsel vm6, v58, v22  }
0x1cf: {  	v34 =	vld [tilespmem:s10+$0xB700];
	vm10 =	vle.f32 v27, v26;
	v26 =	vmin.f32 v27, v26;
	v60 =	vsel vm9, $0x2, v2  }
0x1d0: {  	v30 =	vld [tilespmem:s10+$0xB780];
	vm1 =	vmneg vm12;
	vm13 =	vle.f32 v38, v23;
	vm15 =	vle.f32 v55, v54  }
0x1d1: {  	v27 =	vld [tilespmem:s10+$0xA280];
	v35 =	vsel vm5, v56, v57;
	vm7 =	vle.f32 v21, v25;
	v22 =	vmin.f32 v21, v25  }
0x1d2: {  	v25 =	vld [tilespmem:s10+$0xA180];
	v61 =	vsel vm10, $0x4, v3;
	v63 =	vsel vm1, $0x1, v1;
	vm8 =	vle.f32 v31, v28  }
0x1d3: {  	v21 =	vsel vm7, v37, v35;
	v35 =	vld [tilespmem:s10+$0xB400];
	v28 =	vmin.f32 v31, v28;
	v59 =	vsel vm8, $0x6, v4  }
0x1d4: {  	v31 =	vld [tilespmem:s10+$0xA100];
	vm11 =	vle.f32 v26, v28;
	v26 =	vmin.f32 v26, v28;
	v28 =	vmin.f32 v38, v23  }
0x1d5: {  	v37 =	vld [tilespmem:s10+$0xA080];
	v23 =	vsel vm13, v63, v60;
	v62 =	vsel vm11, v61, v59;
	vm14 =	vle.f32 v28, v26  }
0x1d6: {  	s11 =	simm.s32 $0x20;
	v38 =	vld [tilespmem:s10+$0xA300];
	v28 =	vmin.f32 v28, v26;
	v26 =	vsel vm15, $0x2, v2;
	v23 =	vsel vm14, v23, v62  }
.LBB2_7:
0x1d7: {  	p1 =	sne.s32 s11, $0x230;
	v40 =	vld [tilespmem:s10+$0xA000];
	vm0 =	vle.f32 v29, v24;
	v24 =	vmin.f32 v29, v24;
	vm1 =	vle.f32 v34, v30  }
0x1d8: {  	v30 =	vmin.f32 v34, v30;
	v29 =	vsel vm0, $0x4, v3;
	v34 =	vsel vm1, $0x6, v4  }
0x1d9: {  	v41 =	vmin.f32 v35, v32;
	s0 =	sadd.s32 $0x10, s0;
	vm1 =	vle.f32 v24, v30;
	v24 =	vmin.f32 v24, v30  }
0x1da: {  	vm2 =	vle.f32 v35, v32;
	vm0 =	vle.f32 v41, v39;
	v29 =	vsel vm1, v29, v34;
	v30 =	vld [tilespmem:s0+$0x0]  }
0x1db: {  	v32 =	vmin.f32 v31, v25;
	vm2 =	vmneg vm2;
	v34 =	vmin.f32 v41, v39  }
0x1dc: {  	v39 =	vmin.f32 v33, v27;
	v41 =	vmin.f32 v38, v36;
	v35 =	vmin.f32 v40, v37  }
0x1dd: {  	vm1 =	vle.f32 v34, v24;
	v43 =	vmin.f32 v39, v41;
	v42 =	vmin.f32 v35, v32  }
0x1de: {  	vm3 =	vle.f32 v31, v25;
	v31 =	vsel vm2, $0x1, v1;
	v25 =	vmin.f32 v42, v43  }
0x1df: {  	v44 =	vsel vm3, $0x2, v2;
	v24 =	vmin.f32 v34, v24;
	vm2 =	vlt.f32 v25, v30  }
0x1e0: {  	vm3 =	vle.f32 v33, v27;
	vm4 =	vle.f32 v38, v36;
	v25 =	vsel vm2, v25, v30  }
0x1e1: {  	v27 =	vsel vm3, $0x4, v3;
	v30 =	vsel vm4, $0x6, v4;
	vm3 =	vlt.f32 v24, v25  }
0x1e2: {  	s1 =	sadd.s32 $0x10, s1;
	vm5 =	vle.f32 v39, v41;
	vm4 =	vle.f32 v40, v37;
	v24 =	vsel vm3, v24, v25  }
0x1e3: {  	vm4 =	vmneg vm4;
	v27 =	vsel vm5, v27, v30;
	v25 =	vld [tilespmem:s1+$0x0];
	vm5 =	vlt.f32 v28, v24  }
0x1e4: {  	v30 =	vsel vm4, $0x1, v1;
	vm4 =	vle.f32 v35, v32;
	v24 =	vsel vm5, v28, v24  }
0x1e5: {  	v28 =	vsel vm4, v30, v44;
	vm4 =	vle.f32 v42, v43;
	vm6 =	vlt.f32 v22, v24  }
0x1e6: {  	v26 =	vsel vm0, v31, v26;
	v27 =	vsel vm4, v28, v27;
	v22 =	vsel vm6, v22, v24  }
0x1e7: {  	v26 =	vsel vm1, v26, v29;
	v24 =	vor.u32 v12, v27;
	vm0 =	vlt.f32 v20, v22  }
0x1e8: {  	v24 =	vsel vm2, v24, v25;
	v25 =	vor.u32 v26, v11;
	v20 =	vsel vm0, v20, v22  }
0x1e9: {  	v23 =	vor.u32 v23, v10;
	v22 =	vsel vm3, v25, v24;
	vm1 =	vlt.f32 v18, v20  }
0x1ea: {  	v21 =	vor.u32 v21, v9;
	v22 =	vsel vm5, v23, v22;
	v18 =	vsel vm1, v18, v20  }
0x1eb: {  	v19 =	vor.u32 v19, v8;
	v20 =	vsel vm6, v21, v22;
	vm2 =	vlt.f32 v16, v18  }
0x1ec: {  	v17 =	vor.u32 v17, v7;
	v19 =	vsel vm0, v19, v20;
	v16 =	vsel vm2, v16, v18  }
0x1ed: {  	v15 =	vor.u32 v15, v6;
	v17 =	vsel vm1, v17, v19;
	vm0 =	vlt.f32 v13, v16  }
0x1ee: {  	v14 =	vor.u32 v14, v5;
	s2 =	sadd.s32 $0x80, s2;
	v15 =	vsel vm2, v15, v17;
	v13 =	vsel vm0, v13, v16  }
0x1ef: {  	s10 =	sand.u32 $0x70, s11;
	s12 =	sand.u32 $0x1C00, s2;
	v14 =	vsel vm0, v14, v15;
	[tilespmem:s0+$0x0] =	vst v13  }
0x1f0: {  	s10 =	sor.u32 s10, s12;
	[tilespmem:s1+$0x0] =	vst v14  }
0x1f1: {  	v13 =	vld [tilespmem:s10+$0x12D80]  }
0x1f2: {  	v14 =	vld [tilespmem:s10+$0x12D00]  }
0x1f3: {  	v15 =	vld [tilespmem:s10+$0x12E80]  }
0x1f4: {  	v16 =	vld [tilespmem:s10+$0x12E00]  }
0x1f5: {  	v17 =	vld [tilespmem:s10+$0x12F80]  }
0x1f6: {  	v18 =	vld [tilespmem:s10+$0x12F00]  }
0x1f7: {  	v19 =	vld [tilespmem:s10+$0x12C80]  }
0x1f8: {  	v20 =	vld [tilespmem:s10+$0x12C00]  }
0x1f9: {  	v21 =	vld [tilespmem:s10+$0x11980]  }
0x1fa: {  	v22 =	vld [tilespmem:s10+$0x11900]  }
0x1fb: {  	v23 =	vld [tilespmem:s10+$0x11A80]  }
0x1fc: {  	v24 =	vld [tilespmem:s10+$0x11A00]  }
0x1fd: {  	v25 =	vld [tilespmem:s10+$0x11B80]  }
0x1fe: {  	v26 =	vld [tilespmem:s10+$0x11B00]  }
0x1ff: {  	v27 =	vld [tilespmem:s10+$0x11880]  }
0x200: {  	v28 =	vld [tilespmem:s10+$0x11800]  }
0x201: {  	v29 =	vld [tilespmem:s10+$0x10580]  }
0x202: {  	vm0 =	vle.f32 v14, v13;
	v30 =	vld [tilespmem:s10+$0x10500]  }
0x203: {  	v13 =	vmin.f32 v14, v13;
	v14 =	vsel vm0, $0x2, v2;
	v31 =	vld [tilespmem:s10+$0x10680]  }
0x204: {  	vm0 =	vle.f32 v16, v15;
	v15 =	vmin.f32 v16, v15;
	vm1 =	vle.f32 v18, v17;
	v32 =	vld [tilespmem:s10+$0x10600]  }
0x205: {  	v16 =	vsel vm0, $0x4, v3;
	v17 =	vmin.f32 v18, v17;
	v18 =	vsel vm1, $0x6, v4;
	v33 =	vld [tilespmem:s10+$0x10780]  }
0x206: {  	vm1 =	vle.f32 v15, v17;
	v15 =	vmin.f32 v15, v17;
	vm0 =	vle.f32 v20, v19;
	v34 =	vld [tilespmem:s10+$0x10700]  }
0x207: {  	v19 =	vmin.f32 v20, v19;
	v16 =	vsel vm1, v16, v18;
	vm0 =	vmneg vm0;
	v17 =	vld [tilespmem:s10+$0x10480]  }
0x208: {  	v20 =	vsel vm0, $0x1, v1;
	vm0 =	vle.f32 v19, v13;
	v13 =	vmin.f32 v19, v13;
	v18 =	vld [tilespmem:s10+$0x10400]  }
0x209: {  	v14 =	vsel vm0, v20, v14;
	vm0 =	vle.f32 v13, v15;
	v13 =	vmin.f32 v13, v15;
	v19 =	vld [tilespmem:s10+$0xF180]  }
0x20a: {  	vm1 =	vle.f32 v22, v21;
	v15 =	vmin.f32 v22, v21;
	v14 =	vsel vm0, v14, v16;
	v20 =	vld [tilespmem:s10+$0xF100]  }
0x20b: {  	v16 =	vsel vm1, $0x2, v2;
	vm0 =	vle.f32 v24, v23;
	v22 =	vmin.f32 v24, v23;
	v21 =	vld [tilespmem:s10+$0xF280]  }
0x20c: {  	v24 =	vsel vm0, $0x4, v3;
	vm0 =	vle.f32 v26, v25;
	v25 =	vmin.f32 v26, v25;
	v23 =	vld [tilespmem:s10+$0xF200]  }
0x20d: {  	v35 =	vsel vm0, $0x6, v4;
	vm0 =	vle.f32 v22, v25;
	vm1 =	vle.f32 v28, v27;
	v26 =	vld [tilespmem:s10+$0xF380]  }
0x20e: {  	v22 =	vmin.f32 v22, v25;
	v27 =	vmin.f32 v28, v27;
	vm1 =	vmneg vm1;
	v36 =	vld [tilespmem:s10+$0xF300]  }
0x20f: {  	v28 =	vsel vm1, $0x1, v1;
	vm1 =	vle.f32 v27, v15;
	v15 =	vmin.f32 v27, v15;
	v25 =	vld [tilespmem:s10+$0xF080]  }
0x210: {  	v24 =	vsel vm0, v24, v35;
	v28 =	vsel vm1, v28, v16;
	vm0 =	vle.f32 v15, v22;
	v27 =	vld [tilespmem:s10+$0xF000]  }
0x211: {  	vm1 =	vle.f32 v30, v29;
	v16 =	vmin.f32 v15, v22;
	v15 =	vsel vm0, v28, v24;
	v35 =	vld [tilespmem:s10+$0xDD80]  }
0x212: {  	v24 =	vmin.f32 v30, v29;
	v28 =	vsel vm1, $0x2, v2;
	vm0 =	vle.f32 v32, v31;
	v22 =	vld [tilespmem:s10+$0xDD00]  }
0x213: {  	v30 =	vmin.f32 v32, v31;
	vm1 =	vle.f32 v34, v33;
	v31 =	vmin.f32 v34, v33;
	v29 =	vld [tilespmem:s10+$0xDE80]  }
0x214: {  	v33 =	vsel vm0, $0x4, v3;
	v34 =	vsel vm1, $0x6, v4;
	vm0 =	vle.f32 v30, v31;
	v32 =	vld [tilespmem:s10+$0xDE00]  }
0x215: {  	vm1 =	vle.f32 v18, v17;
	v17 =	vmin.f32 v18, v17;
	v18 =	vmin.f32 v30, v31;
	v37 =	vld [tilespmem:s10+$0xDF80]  }
0x216: {  	v33 =	vsel vm0, v33, v34;
	vm1 =	vmneg vm1;
	v31 =	vmin.f32 v17, v24;
	v30 =	vld [tilespmem:s10+$0xDF00]  }
0x217: {  	vm0 =	vle.f32 v17, v24;
	v38 =	vsel vm1, $0x1, v1;
	vm1 =	vle.f32 v31, v18;
	v34 =	vld [tilespmem:s10+$0xDC80]  }
0x218: {  	vm2 =	vle.f32 v20, v19;
	v18 =	vmin.f32 v31, v18;
	v17 =	vsel vm0, v38, v28;
	v39 =	vld [tilespmem:s10+$0xDC00]  }
0x219: {  	v19 =	vmin.f32 v20, v19;
	v20 =	vsel vm2, $0x2, v2;
	v17 =	vsel vm1, v17, v33;
	v28 =	vld [tilespmem:s10+$0xCB80]  }
0x21a: {  	vm0 =	vle.f32 v23, v21;
	v21 =	vmin.f32 v23, v21;
	vm1 =	vle.f32 v36, v26;
	v31 =	vld [tilespmem:s10+$0xCB00]  }
0x21b: {  	v24 =	vsel vm0, $0x4, v3;
	v26 =	vmin.f32 v36, v26;
	v33 =	vsel vm1, $0x6, v4;
	v23 =	vld [tilespmem:s10+$0xC980]  }
0x21c: {  	vm1 =	vle.f32 v21, v26;
	v21 =	vmin.f32 v21, v26;
	vm0 =	vle.f32 v27, v25;
	v36 =	vld [tilespmem:s10+$0xC900]  }
0x21d: {  	v25 =	vmin.f32 v27, v25;
	v24 =	vsel vm1, v24, v33;
	vm0 =	vmneg vm0;
	v26 =	vld [tilespmem:s10+$0xCA80]  }
0x21e: {  	v33 =	vsel vm0, $0x1, v1;
	vm0 =	vle.f32 v25, v19;
	v19 =	vmin.f32 v25, v19;
	v27 =	vld [tilespmem:s10+$0xCA00]  }
0x21f: {  	v25 =	vsel vm0, v33, v20;
	vm0 =	vle.f32 v19, v21;
	v20 =	vmin.f32 v19, v21;
	v38 =	vld [tilespmem:s10+$0xC880]  }
0x220: {  	vm1 =	vle.f32 v22, v35;
	v21 =	vmin.f32 v22, v35;
	v19 =	vsel vm0, v25, v24;
	v33 =	vld [tilespmem:s10+$0xC800]  }
0x221: {  	v22 =	vsel vm1, $0x2, v2;
	vm0 =	vle.f32 v32, v29;
	v25 =	vmin.f32 v32, v29;
	v40 =	vld [tilespmem:s10+$0xB580]  }
0x222: {  	v32 =	vsel vm0, $0x4, v3;
	vm0 =	vle.f32 v30, v37;
	v30 =	vmin.f32 v30, v37;
	v41 =	vld [tilespmem:s10+$0xB500]  }
0x223: {  	v35 =	vsel vm0, $0x6, v4;
	vm0 =	vle.f32 v25, v30;
	vm1 =	vle.f32 v39, v34;
	v24 =	vld [tilespmem:s10+$0xB680]  }
0x224: {  	v25 =	vmin.f32 v25, v30;
	v34 =	vmin.f32 v39, v34;
	vm1 =	vmneg vm1;
	v29 =	vld [tilespmem:s10+$0xB600]  }
0x225: {  	v37 =	vsel vm1, $0x1, v1;
	vm1 =	vle.f32 v34, v21;
	v21 =	vmin.f32 v34, v21;
	v30 =	vld [tilespmem:s10+$0xB780]  }
0x226: {  	v35 =	vsel vm0, v32, v35;
	v37 =	vsel vm1, v37, v22;
	vm0 =	vle.f32 v21, v25;
	v34 =	vld [tilespmem:s10+$0xB700]  }
0x227: {  	vm1 =	vle.f32 v31, v28;
	v22 =	vmin.f32 v21, v25;
	v21 =	vsel vm0, v37, v35;
	v32 =	vld [tilespmem:s10+$0xB480]  }
0x228: {  	v28 =	vmin.f32 v31, v28;
	vm0 =	vle.f32 v36, v23;
	v37 =	vsel vm1, $0x6, v4;
	v35 =	vld [tilespmem:s10+$0xB400]  }
0x229: {  	v23 =	vmin.f32 v36, v23;
	vm1 =	vle.f32 v27, v26;
	v26 =	vmin.f32 v27, v26;
	v25 =	vld [tilespmem:s10+$0xA180]  }
0x22a: {  	v39 =	vsel vm0, $0x2, v2;
	v36 =	vsel vm1, $0x4, v3;
	vm0 =	vle.f32 v26, v28;
	v31 =	vld [tilespmem:s10+$0xA100]  }
.Ltmp4:
0x22b: {  	s12 =	sor.u32 s2, s11;
	v26 =	vmin.f32 v26, v28;
	vm1 =	vle.f32 v33, v38;
	v38 =	vmin.f32 v33, v38;
	v27 =	vld [tilespmem:s10+$0xA280];
	(pc) =	sbr.rel @p1 .LBB2_7-.Ltmp4, $4  }
0x22c: {  	s12 =	sor.u32 $0x380, s12;
	v42 =	vsel vm0, v36, v37;
	vm1 =	vmneg vm1;
	v28 =	vmin.f32 v38, v23;
	v33 =	vld [tilespmem:s10+$0xA200]  }
0x22d: {  	vm0 =	vle.f32 v38, v23;
	v37 =	vsel vm1, $0x1, v1;
	vm1 =	vle.f32 v28, v26;
	v36 =	vld [tilespmem:s12+$0xA000]  }
0x22e: {  	vm2 =	vle.f32 v41, v40;
	v28 =	vmin.f32 v28, v26;
	v23 =	vsel vm0, v37, v39;
	v38 =	vld [tilespmem:s10+$0xA300]  }
0x22f: {  	s11 =	sadd.s32 $0x10, s11;
	v39 =	vmin.f32 v41, v40;
	v26 =	vsel vm2, $0x2, v2;
	v23 =	vsel vm1, v23, v42;
	v37 =	vld [tilespmem:s10+$0xA080]  }
0x230: {  	v40 =	vld [tilespmem:s10+$0xA000];
	vm0 =	vle.f32 v29, v24;
	v45 =	vmin.f32 v29, v24;
	vm1 =	vle.f32 v34, v30  }
0x231: {  	v47 =	vmin.f32 v34, v30;
	v41 =	vmin.f32 v35, v32;
	vm2 =	vle.f32 v35, v32  }
0x232: {  	s0 =	sadd.s32 $0x10, s0;
	v50 =	vmin.f32 v31, v25;
	vm3 =	vle.f32 v31, v25;
	v46 =	vsel vm0, $0x4, v3  }
0x233: {  	v48 =	vsel vm1, $0x6, v4;
	vm10 =	vle.f32 v45, v47;
	v24 =	vmin.f32 v45, v47;
	v49 =	vld [tilespmem:s0+$0x0]  }
0x234: {  	vm0 =	vle.f32 v41, v39;
	vm11 =	vmneg vm2;
	v51 =	vmin.f32 v41, v39  }
0x235: {  	v53 =	vmin.f32 v33, v27;
	v54 =	vmin.f32 v38, v36;
	v52 =	vmin.f32 v40, v37  }
0x236: {  	v44 =	vsel vm3, $0x2, v2;
	v43 =	vmin.f32 v53, v54;
	v42 =	vmin.f32 v52, v50  }
0x237: {  	vm14 =	vle.f32 v33, v27;
	v29 =	vsel vm10, v46, v48;
	v55 =	vmin.f32 v42, v43  }
0x238: {  	vm12 =	vle.f32 v51, v24;
	v56 =	vsel vm11, $0x1, v1;
	vm13 =	vlt.f32 v55, v49  }
0x239: {  	v24 =	vmin.f32 v51, v24;
	vm4 =	vle.f32 v38, v36;
	v25 =	vsel vm13, v55, v49  }
0x23a: {  	v27 =	vsel vm14, $0x4, v3;
	v57 =	vsel vm4, $0x6, v4;
	vm15 =	vlt.f32 v24, v25  }
0x23b: {  	s1 =	sadd.s32 $0x10, s1;
	vm5 =	vle.f32 v53, v54;
	vm8 =	vle.f32 v40, v37;
	v24 =	vsel vm15, v24, v25  }
0x23c: {  	v58 =	vld [tilespmem:s1+$0x0];
	v27 =	vsel vm5, v27, v57;
	vm4 =	vmneg vm8;
	vm9 =	vlt.f32 v28, v24  }
0x23d: {  	vm10 =	vle.f32 v52, v50;
	v59 =	vsel vm4, $0x1, v1;
	v24 =	vsel vm9, v28, v24  }
0x23e: {  	vm11 =	vle.f32 v42, v43;
	v60 =	vsel vm10, v59, v44;
	vm6 =	vlt.f32 v22, v24  }
0x23f: {  	v26 =	vsel vm0, v56, v26;
	v27 =	vsel vm11, v60, v27;
	v22 =	vsel vm6, v22, v24  }
0x240: {  	v61 =	vsel vm12, v26, v29;
	v12 =	vor.u32 v12, v27;
	vm12 =	vlt.f32 v20, v22  }
0x241: {  	v11 =	vor.u32 v61, v11;
	v12 =	vsel vm13, v12, v58;
	v20 =	vsel vm12, v20, v22  }
0x242: {  	v10 =	vor.u32 v23, v10;
	v11 =	vsel vm15, v11, v12;
	vm13 =	vlt.f32 v18, v20  }
0x243: {  	v9 =	vor.u32 v21, v9;
	s30 =	sadd.s32 $0x1, s30;
	v10 =	vsel vm9, v10, v11;
	v62 =	vsel vm13, v18, v20  }
0x244: {  	v8 =	vor.u32 v19, v8;
	p1 =	sne.s32 s30, $0x10;
	v9 =	vsel vm6, v9, v10;
	vm14 =	vlt.f32 v16, v62  }
.Ltmp5:
0x245: {  	v7 =	vor.u32 v17, v7;
	v8 =	vsel vm12, v8, v9;
	v63 =	vsel vm14, v16, v62;
	(pc) =	sbr.rel @p1 .LBB2_4-.Ltmp5, $4  }
0x246: {  	v6 =	vor.u32 v15, v6;
	v7 =	vsel vm13, v7, v8;
	vm15 =	vlt.f32 v13, v63  }
0x247: {  	v5 =	vor.u32 v14, v5;
	v6 =	vsel vm14, v6, v7;
	v7 =	vsel vm15, v13, v63  }
0x248: {  	v5 =	vsel vm15, v5, v6;
	[tilespmem:s0+$0x0] =	vst v7  }
0x249: {  	[tilespmem:s1+$0x0] =	vst v5  }
0x24a: {  	[spmem:s8] =	stream.linear.scatter [tilespmem:s21], [sflag:$0x3], $0x280, $0x38;
	[tilespmem:$0x15180] =	vst v63  }
0x24b: {  	_ =	swait.ge [sflag:s22], $0x280  }
0x24c: {  	[sflag:s22] =	ssyncset.done $0x0  }
0x24d: {  	[sflag:s22] =	ssyncadd.s32 $0xFFFFFD80  }
0x24e: {  	[spmem:s9] =	stream.linear.scatter [tilespmem:s23], [sflag:$0x3], $0x280, $0x38;
	[tilespmem:$0x15180] =	vst v63  }
.Ltmp6:
0x24f: {  	_ =	swait.ge [sflag:s22], $0x280;
	(pc) =	sbr.rel @p0 .LBB2_19-.Ltmp6, $3  }
0x250: {  	[sflag:s22] =	ssyncset.done $0x0  }
0x251: {  	[sflag:s22] =	ssyncadd.s32 $0xFFFFFD80  }
0x252: {  	[bflag:$0x0] =	sbarrier.arrive $0xFFFF;
	_ =	sdelay $0x1  }
0x253: {  	s0 =	rddreg [dreg:$0x4]  }
0x254: {  	[tilespmem:s24], [sflag:$0x3] =	stream.linear.gather [spmem:s0], $0x280, $0x38;
	[tilespmem:$0x15180] =	vst v63  }
0x255: {  	_ =	swait.ge [sflag:s22], $0x280  }
0x256: {  	[sflag:s22] =	ssyncset.done $0x0  }
0x257: {  	s31 =	rddreg [dreg:$0x5];
	[sflag:s22] =	ssyncadd.s32 $0xFFFFFD80  }
0x258: {  	[tilespmem:s25], [sflag:$0x3] =	stream.linear.gather [spmem:s31], $0x280, $0x38;
	[tilespmem:$0x15180] =	vst v63  }
0x259: {  	_ =	swait.ge [sflag:s22], $0x280  }
0x25a: {  	[sflag:s22] =	ssyncset.done $0x0  }
0x25b: {  	s0 =	simm.s32 $0x0;
	[sflag:s22] =	ssyncadd.s32 $0xFFFFFD80  }
0x25c: {  	v6 =	vld [tilespmem:s0+$0x14500]  }
0x25d: {  	v7 =	vld [tilespmem:s0+$0x14000]  }
0x25e: {  	v8 =	vld [tilespmem:s0+$0x14780]  }
0x25f: {  	v9 =	vld [tilespmem:s0+$0x14280];
	_ =	sdelay $0x2  }
0x260: {  	s1 =	simm.s32 $0x10;
	vm0 =	vlt.f32 v6, v7  }
0x261: {  	v5 =	vld [tilespmem:s1+$0x14780];
	v10 =	vsel vm0, v6, v7  }
0x262: {  	s2 =	simm.s32 $0x80;
	v6 =	vld [tilespmem:s1+$0x14500];
	v7 =	vsel vm0, v8, v9;
	[tilespmem:s0+$0x14000] =	vst v10  }
.LBB2_11:
0x263: {  	p1 =	sne.s32 s2, $0x8C0;
	v8 =	vld [tilespmem:s1+$0x14000];
	[tilespmem:s0+$0x14280] =	vst v7;
	s0 =	smov.u32 s1  }
0x264: {  	v7 =	vld [tilespmem:s0+$0x14280];
	_ =	sdelay $0x1  }
.Ltmp7:
0x265: {  	(pc) =	sbr.rel @p1 .LBB2_11-.Ltmp7, $4  }
0x266: {  	_ = 	snop  }
0x267: {  	s1 =	sshra.s32 s2, $0x2;
	vm0 =	vlt.f32 v6, v8  }
0x268: {  	v8 =	vsel vm0, v6, v8;
	v7 =	vsel vm0, v5, v7;
	v5 =	vld [tilespmem:s1+$0x14780]  }
0x269: {  	s2 =	sadd.s32 $0x40, s2;
	v6 =	vld [tilespmem:s1+$0x14500];
	[tilespmem:s0+$0x14000] =	vst v8  }
0x26a: {  	v8 =	vld [tilespmem:s1+$0x14000]  }
0x26b: {  	[tilespmem:s0+$0x14280] =	vst v7  }
0x26c: {  	v7 =	vld [tilespmem:s1+$0x14280];
	_ =	sdelay $0x2  }
0x26d: {  	vm0 =	vlt.f32 v6, v8  }
0x26e: {  	v6 =	vsel vm0, v6, v8  }
0x26f: {  	v5 =	vsel vm0, v5, v7;
	[tilespmem:s1+$0x14000] =	vst v6  }
0x270: {  	s31 =	rddreg [dreg:$0x6];
	[tilespmem:s1+$0x14280] =	vst v5  }
0x271: {  	[tilespmem:s24], [sflag:$0x3] =	stream.linear.gather [spmem:s31], $0x280, $0x38;
	[tilespmem:$0x15180] =	vst v63  }
0x272: {  	_ =	swait.ge [sflag:s22], $0x280  }
0x273: {  	[sflag:s22] =	ssyncset.done $0x0  }
0x274: {  	[sflag:s22] =	ssyncadd.s32 $0xFFFFFD80  }
0x275: {  	[tilespmem:s25], [sflag:$0x3] =	stream.linear.gather [spmem:s13], $0x280, $0x38;
	[tilespmem:$0x15180] =	vst v63  }
0x276: {  	_ =	swait.ge [sflag:s22], $0x280  }
0x277: {  	[sflag:s22] =	ssyncset.done $0x0  }
0x278: {  	s0 =	simm.s32 $0x0;
	[sflag:s22] =	ssyncadd.s32 $0xFFFFFD80  }
0x279: {  	v6 =	vld [tilespmem:s0+$0x14500]  }
0x27a: {  	v7 =	vld [tilespmem:s0+$0x14000]  }
0x27b: {  	v8 =	vld [tilespmem:s0+$0x14780]  }
0x27c: {  	v9 =	vld [tilespmem:s0+$0x14280];
	_ =	sdelay $0x2  }
0x27d: {  	s1 =	simm.s32 $0x10;
	vm15 =	vlt.f32 v6, v7  }
0x27e: {  	v5 =	vld [tilespmem:s1+$0x14780];
	v10 =	vsel vm15, v6, v7  }
0x27f: {  	s2 =	simm.s32 $0x80;
	v6 =	vld [tilespmem:s1+$0x14500];
	v7 =	vsel vm15, v8, v9;
	[tilespmem:s0+$0x14000] =	vst v10  }
.LBB2_13:
0x280: {  	p1 =	sne.s32 s2, $0x8C0;
	v8 =	vld [tilespmem:s1+$0x14000];
	[tilespmem:s0+$0x14280] =	vst v7;
	s0 =	smov.u32 s1  }
0x281: {  	v7 =	vld [tilespmem:s0+$0x14280];
	_ =	sdelay $0x1  }
.Ltmp8:
0x282: {  	(pc) =	sbr.rel @p1 .LBB2_13-.Ltmp8, $4  }
0x283: {  	_ = 	snop  }
0x284: {  	s1 =	sshra.s32 s2, $0x2;
	vm0 =	vlt.f32 v6, v8  }
0x285: {  	v8 =	vsel vm0, v6, v8;
	v7 =	vsel vm0, v5, v7;
	v5 =	vld [tilespmem:s1+$0x14780]  }
0x286: {  	s2 =	sadd.s32 $0x40, s2;
	v6 =	vld [tilespmem:s1+$0x14500];
	[tilespmem:s0+$0x14000] =	vst v8  }
0x287: {  	v8 =	vld [tilespmem:s1+$0x14000]  }
0x288: {  	[tilespmem:s0+$0x14280] =	vst v7  }
0x289: {  	v7 =	vld [tilespmem:s1+$0x14280];
	_ =	sdelay $0x2  }
0x28a: {  	vm0 =	vlt.f32 v6, v8  }
0x28b: {  	v6 =	vsel vm0, v6, v8  }
0x28c: {  	v5 =	vsel vm0, v5, v7;
	[tilespmem:s1+$0x14000] =	vst v6  }
0x28d: {  	[tilespmem:s1+$0x14280] =	vst v5  }
0x28e: {  	[tilespmem:s24], [sflag:$0x3] =	stream.linear.gather [spmem:s14], $0x280, $0x38;
	[tilespmem:$0x15180] =	vst v63  }
0x28f: {  	_ =	swait.ge [sflag:s22], $0x280  }
0x290: {  	[sflag:s22] =	ssyncset.done $0x0  }
0x291: {  	[sflag:s22] =	ssyncadd.s32 $0xFFFFFD80  }
0x292: {  	[tilespmem:s25], [sflag:$0x3] =	stream.linear.gather [spmem:s15], $0x280, $0x38;
	[tilespmem:$0x15180] =	vst v63  }
0x293: {  	_ =	swait.ge [sflag:s22], $0x280  }
0x294: {  	[sflag:s22] =	ssyncset.done $0x0  }
0x295: {  	s0 =	simm.s32 $0x0;
	[sflag:s22] =	ssyncadd.s32 $0xFFFFFD80  }
0x296: {  	v6 =	vld [tilespmem:s0+$0x14500]  }
0x297: {  	v7 =	vld [tilespmem:s0+$0x14000]  }
0x298: {  	v8 =	vld [tilespmem:s0+$0x14780]  }
0x299: {  	v9 =	vld [tilespmem:s0+$0x14280];
	_ =	sdelay $0x2  }
0x29a: {  	s2 =	simm.s32 $0x10;
	vm15 =	vlt.f32 v6, v7  }
0x29b: {  	v5 =	vld [tilespmem:s2+$0x14780];
	v10 =	vsel vm15, v6, v7  }
0x29c: {  	s10 =	simm.s32 $0x80;
	s11 =	simm.s32 $0x0;
	s1 =	simm.s32 $0x40;
	v6 =	vld [tilespmem:s2+$0x14500];
	v7 =	vsel vm15, v8, v9;
	[tilespmem:s0+$0x14000] =	vst v10  }
.LBB2_15:
0x29d: {  	p1 =	sne.s32 s10, $0x8C0;
	v8 =	vld [tilespmem:s2+$0x14000];
	[tilespmem:s11+$0x14280] =	vst v7;
	s11 =	smov.u32 s2  }
0x29e: {  	v7 =	vld [tilespmem:s11+$0x14280];
	_ =	sdelay $0x1  }
.Ltmp9:
0x29f: {  	(pc) =	sbr.rel @p1 .LBB2_15-.Ltmp9, $4  }
0x2a0: {  	_ = 	snop  }
0x2a1: {  	s2 =	sshra.s32 s10, $0x2;
	vm0 =	vlt.f32 v6, v8  }
0x2a2: {  	v8 =	vsel vm0, v6, v8;
	v7 =	vsel vm0, v5, v7;
	v5 =	vld [tilespmem:s2+$0x14780]  }
0x2a3: {  	s10 =	sadd.s32 $0x40, s10;
	v6 =	vld [tilespmem:s2+$0x14500];
	[tilespmem:s11+$0x14000] =	vst v8  }
0x2a4: {  	v8 =	vld [tilespmem:s2+$0x14000]  }
0x2a5: {  	[tilespmem:s11+$0x14280] =	vst v7  }
0x2a6: {  	v7 =	vld [tilespmem:s2+$0x14280];
	_ =	sdelay $0x2  }
0x2a7: {  	vm0 =	vlt.f32 v6, v8  }
0x2a8: {  	v6 =	vsel vm0, v6, v8  }
0x2a9: {  	v5 =	vsel vm0, v5, v7;
	[tilespmem:s2+$0x14000] =	vst v6  }
0x2aa: {  	[tilespmem:s2+$0x14280] =	vst v5  }
0x2ab: {  	v5 =	vld [tilespmem:s0+$0x14280]  }
.LBB2_17:
0x2ac: {  	p1 =	sne.s32 s1, $0x8C0  }
.Ltmp10:
0x2ad: {  	_ = 	snop;
	(pc) =	sbr.rel @p1 .LBB2_17-.Ltmp10, $3  }
0x2ae: {  	_ =	sdelay $0x1  }
0x2af: {  	[tilespmem:s0+$0x14A00] =	vst v5;
	s0 =	sshra.s32 s1, $0x2;
	s1 =	sadd.s32 $0x40, s1  }
0x2b0: {  	v5 =	vld [tilespmem:s0+$0x14280]  }
0x2b1: {  	_ =	sdelay $0x3  }
.Ltmp11:
0x2b2: {  	s31 =	simm.s32 $0x0;
	s1 =	simm.s32 $0x14A00;
	[tilespmem:s0+$0x14A00] =	vst v5;
	(pc) =	sbr.rel .LBB2_19-.Ltmp11, $4  }
0x2b3: {  	[hbm4b:s16+s31] =	stream.linear.scatter [tilespmem:s1], [sflag:$0x3], $0x280, $0x38;
	[tilespmem:$0x15180] =	vst v63  }
0x2b4: {  	_ =	swait.ge [sflag:s22], $0x280  }
0x2b5: {  	[sflag:s22] =	ssyncset.done $0x0  }
0x2b6: {  	[sflag:s22] =	ssyncadd.s32 $0xFFFFFD80  }
.LBB2_20:
0x2b7: {  	_ =	sfence.sel $0x180000  }
0x2b8: {  	[bflag:$0x0] =	sbarrier.arrive $0xFFFF  }
0x2b9: {  	_ =	strace $0x90000047  }
0x2ba: {  	s0 =	stileid.u32;
	[bflag:$0x2] =	sbarrier.arrive $0xFFFF  }
0x2bb: {  	p0 =	sne.s32 s0, $0x0;
	s0 =	rddreg [dreg:$0x3]  }
0x2bc: {  	s0 =	sadd.s32 @!p0 $0x100000, s0  }
0x2bd: {  	[sflag:s0] =	ssyncadd.tile.s32 @!p0 $0x1;
	_ =	shalt  }
.Lfunc_end2:
_tile_overlayer_lowered:
.L_overlay_start_2:
0x2be: {  	(tag) =	ssettag $0x2  }
0x2bf: {  	s0 =	rddreg [dreg:$0x0];
	s2 =	stileid.u32  }
0x2c0: {  	s1 =	rddreg [dreg:$0x1];
	p0 =	sne.s32 s2, $0x0  }
0x2c1: {  	s3 =	rddreg [dreg:$0x2];
	[bflag:$0x3] =	sbarrier.arrive $0xFFFF;
	s2 =	simm.s32 @!p0 $0x1C03  }
0x2c2: {  	[timem:s3], [sflag:s2] =	dma.local @!p0 [hbm:s0], s1  }
0x2c3: {  	s0 =	simm.s32 @!p0 $0x3  }
0x2c4: {  	_ =	swait.ge @!p0 [sflag:s0], s1  }
0x2c5: {  	s1 =	ssub.s32 @!p0 $0x0, s1;
	[sflag:s0] =	ssyncset.done @!p0 $0x0  }
0x2c6: {  	[sflag:s0] =	ssyncadd.s32 @!p0 s1  }
0x2c7: {  	[bflag:$0x3] =	sbarrier.arrive $0xFFFF  }
0x2c8: {  	_ =	shalt  }

</sc_bundles>
